<compile_context>
chip_gen: v7x
topology: tpu7x:2x2x1
jax: 0.10.2.dev20260603
libtpu: 0.0.44.dev20260713+nightly
codegen_flags: <defaults>
</compile_context>

<pallas_src>
import functools

import jax
import jax.numpy as jnp
from jax import lax
from jax.experimental import pallas as pl
from jax.experimental.pallas import tpu as pltpu
from jax.experimental.pallas import tpu_sc as plsc

NN = 10000
EE = 320000
DD = 128
RR = 8

NC = 2
NS = 16
NW = NC * NS
EPW = EE // NW
BB = 40
JBLK = 256
KK = 8
WB = 8
GW = JBLK // WB
PAD_ROW = NN
RPT_A = 632
RPT_L = NN - (NS - 1) * RPT_A

BLK = 1000
NBLK = NN // BLK


def _wr_body(rx_ref, rd_ref, rs_ref, att_ref, wn_ref, bn_ref, wr_ref):
    oh_d = (lax.broadcasted_iota(jnp.int32, (RR, 64), 0) == rd_ref[:]).astype(jnp.float32)
    oh_s = (lax.broadcasted_iota(jnp.int32, (64, RR), 1) == rs_ref[:]).astype(jnp.float32)
    a = jnp.dot(oh_d * att_ref[:], oh_s, preferred_element_type=jnp.float32, precision=lax.Precision.HIGHEST)
    rx = rx_ref[:]
    rx = jnp.maximum(rx + jnp.dot(a, rx, preferred_element_type=jnp.float32, precision=lax.Precision.HIGHEST), 0.0)
    rx = jnp.maximum(rx + jnp.dot(a, rx, preferred_element_type=jnp.float32, precision=lax.Precision.HIGHEST), 0.0)
    wr_ref[:] = jnp.dot(rx, wn_ref[:], preferred_element_type=jnp.float32) + bn_ref[:]


def _prologue_body(f0_ref, f1_ref, rx_ref, rd_ref, rs_ref, att_ref, wn_ref,
                   bn_ref, w0_ref, b0_ref, w1_ref, b1_ref,
                   h0_ref, wr_out_ref, wr_scr):
    i = pl.program_id(0)

    @pl.when(i == 0)
    def _():
        _wr_body(rx_ref, rd_ref, rs_ref, att_ref, wn_ref, bn_ref, wr_scr)
        wr_out_ref[:] = wr_scr[:]

    xb = jnp.where(
        i < (NBLK // 2),
        jnp.dot(f0_ref[:], w0_ref[:], preferred_element_type=jnp.float32) + b0_ref[:],
        jnp.dot(f1_ref[:], w1_ref[:], preferred_element_type=jnp.float32) + b1_ref[:])
    for r in range(RR):
        h0_ref[r] = wr_scr[r:r + 1, :] * xb


def _prologue(f0, f1, rel_x, rel_edge_index, rel_edge_attr, wn, bn,
              w1_0, b1_0, w1_1, b1_1):
    rd_row = rel_edge_index[1:2, :].astype(jnp.int32)
    rs_col = rel_edge_index[0:1, :].astype(jnp.int32).reshape(64, 1)
    att_row = rel_edge_attr.reshape(1, 64)
    half = NBLK // 2
    return pl.pallas_call(
        _prologue_body,
        grid=(NBLK,),
        in_specs=[
            pl.BlockSpec((BLK, DD), lambda i: (jnp.minimum(i, half - 1), 0)),
            pl.BlockSpec((BLK, DD),
                         lambda i: (jnp.maximum(i - half, 0), 0)),
            pl.BlockSpec((RR, RR), lambda i: (0, 0)),
            pl.BlockSpec((1, 64), lambda i: (0, 0)),
            pl.BlockSpec((64, 1), lambda i: (0, 0)),
            pl.BlockSpec((1, 64), lambda i: (0, 0)),
            pl.BlockSpec((RR, DD), lambda i: (0, 0)),
            pl.BlockSpec((1, DD), lambda i: (0, 0)),
            pl.BlockSpec((DD, DD), lambda i: (0, 0)),
            pl.BlockSpec((1, DD), lambda i: (0, 0)),
            pl.BlockSpec((DD, DD), lambda i: (0, 0)),
            pl.BlockSpec((1, DD), lambda i: (0, 0)),
        ],
        out_specs=[
            pl.BlockSpec((RR, BLK, DD), lambda i: (0, i, 0)),
            pl.BlockSpec((RR, DD), lambda i: (0, 0)),
        ],
        out_shape=[
            jax.ShapeDtypeStruct((RR, NN, DD), jnp.float32),
            jax.ShapeDtypeStruct((RR, DD), jnp.float32),
        ],
        scratch_shapes=[pltpu.VMEM((RR, DD), jnp.float32)],
    )(f0, f1, rel_x, rd_row, rs_col, att_row, wn, bn.reshape(1, DD),
      w1_0, b1_0.reshape(1, DD), w1_1, b1_1.reshape(1, DD))


def _mid_body(p_ref, wr_ref, h1_ref):
    tb = jnp.tanh(p_ref[0] + p_ref[1])
    for r in range(RR):
        h1_ref[r] = wr_ref[r:r + 1, :] * tb


def _mid(p, wr):
    return pl.pallas_call(
        _mid_body,
        grid=(NBLK,),
        in_specs=[
            pl.BlockSpec((2, BLK, DD), lambda i: (0, i, 0)),
            pl.BlockSpec((RR, DD), lambda i: (0, 0)),
        ],
        out_specs=pl.BlockSpec((RR, BLK, DD), lambda i: (0, i, 0)),
        out_shape=jax.ShapeDtypeStruct((RR, NN, DD), jnp.float32),
    )(p, wr)


def _epilogue_body(p_ref, w2_ref, b2_ref, o_ref):
    tb = jnp.tanh(p_ref[0] + p_ref[1])
    o_ref[:] = jnp.dot(tb, w2_ref[:], preferred_element_type=jnp.float32) + b2_ref[:]


def _epilogue(p, w2, b2):
    c = w2.shape[1]
    return pl.pallas_call(
        _epilogue_body,
        grid=(NBLK,),
        in_specs=[
            pl.BlockSpec((2, BLK, DD), lambda i: (0, i, 0)),
            pl.BlockSpec((DD, c), lambda i: (0, 0)),
            pl.BlockSpec((1, c), lambda i: (0, 0)),
        ],
        out_specs=pl.BlockSpec((BLK, c), lambda i: (i, 0)),
        out_shape=jax.ShapeDtypeStruct((NN, c), jnp.float32),
    )(p, w2, b2.reshape(1, c))


def _sc_layer_body(h_hbm, gidx_hbm, didx_hbm, zeros_hbm, out_hbm,
                   gvw, dvw, ring, acc,
                   gs0, gs1, gs2, gs3, gs4, gs5, gs6, gs7,
                   ss0, ss1, ss2, ss3, ss4, ss5, ss6, ss7, isg, isd):
    gs = [gs0, gs1, gs2, gs3, gs4, gs5, gs6, gs7]
    ss = [ss0, ss1, ss2, ss3, ss4, ss5, ss6, ss7]
    c = lax.axis_index("c")
    s = lax.axis_index("s")
    wid = s * NC + c
    @pl.when(s < NS - 1)
    def _():
        pltpu.sync_copy(zeros_hbm.at[pl.ds(s * RPT_A, RPT_A)],
                        acc.at[pl.ds(s * RPT_A, RPT_A)])

    @pl.when(s == NS - 1)
    def _():
        pltpu.sync_copy(zeros_hbm.at[pl.ds((NS - 1) * RPT_A, RPT_L)],
                        acc.at[pl.ds((NS - 1) * RPT_A, RPT_L)])

    def wait_idx_g():
        pltpu.make_async_copy(gidx_hbm.at[wid, pl.ds(0, WB)],
                              gvw.at[pl.ds(0, WB)], isg).wait()

    def wait_idx_d():
        pltpu.make_async_copy(didx_hbm.at[wid, pl.ds(0, WB)],
                              dvw.at[pl.ds(0, WB)], isd).wait()

    def fetch_idx_g(w):
        pltpu.async_copy(gidx_hbm.at[wid, pl.ds(w * WB, WB)],
                         gvw.at[pl.ds((w % 2) * WB, WB)], isg)

    def fetch_idx_d(w):
        pltpu.async_copy(didx_hbm.at[wid, pl.ds(w * WB, WB)],
                         dvw.at[pl.ds((w % 2) * WB, WB)], isd)

    def fire_gather(idx_row, slot):
        pltpu.async_copy(h_hbm.at[gvw.at[idx_row]], ring.at[slot], gs[slot])

    def drain_gather(slot):
        pltpu.make_async_copy(h_hbm.at[gvw.at[0]], ring.at[0],
                              gs[slot]).wait()

    def fire_scatter(idx_row, slot):
        pltpu.async_copy(ring.at[slot], acc.at[dvw.at[idx_row]],
                         ss[slot], add=True)

    def wait_scatter(slot):
        pltpu.make_async_copy(ring.at[0], acc.at[dvw.at[0]],
                              ss[slot]).wait()

    fetch_idx_g(0)
    fetch_idx_d(0)
    wait_idx_g()
    wait_idx_d()
    plsc.subcore_barrier()
    for k in range(4):
        fire_gather(k, k)

    def round_(w, carry):
        h = (w % 2) * WB
        nh = ((w + 1) % 2) * WB

        for k in range(8):
            drain_gather(k)
            fire_scatter(h + k, k)
            s2 = (k + 4) % 8
            if k == 0:
                @pl.when(w < GW - 1)
                def _():
                    fetch_idx_g(w + 1)
            if k < 4:
                @pl.when(w > 0)
                def _():
                    wait_scatter(s2)
                fire_gather(h + k + 4, s2)
            else:
                wait_scatter(s2)
                if k == 4:
                    @pl.when(w < GW - 1)
                    def _():
                        fetch_idx_d(w + 1)
                        wait_idx_g()
                @pl.when(w < GW - 1)
                def _():
                    fire_gather(nh + k - 4, s2)
                if k == 7:
                    @pl.when(w < GW - 1)
                    def _():
                        wait_idx_d()
        return carry

    lax.fori_loop(0, GW, round_, 0)
    for k in range(4, 8):
        wait_scatter(k)
    plsc.subcore_barrier()

    @pl.when(s < NS - 1)
    def _():
        pltpu.sync_copy(acc.at[pl.ds(s * RPT_A, RPT_A)],
                        out_hbm.at[pl.ds(c * NN + s * RPT_A, RPT_A)])

    @pl.when(s == NS - 1)
    def _():
        pltpu.sync_copy(acc.at[pl.ds((NS - 1) * RPT_A, RPT_L)],
                        out_hbm.at[pl.ds(c * NN + (NS - 1) * RPT_A, RPT_L)])


@functools.cache
def _make_sc_layer():
    return pl.kernel(
        _sc_layer_body,
        out_type=jax.ShapeDtypeStruct((NC * NN, DD), jnp.float32),
        mesh=plsc.VectorSubcoreMesh(core_axis_name="c", subcore_axis_name="s",
                                    num_cores=NC, num_subcores=NS),
        scratch_types=[
            pltpu.VMEM((2 * WB, BB), jnp.int32),
            pltpu.VMEM((2 * WB, BB), jnp.int32),
            pltpu.VMEM((KK, BB, DD), jnp.float32),
            pltpu.VMEM_SHARED((NN + 8, DD), jnp.float32),
        ] + [pltpu.SemaphoreType.DMA] * 18,
    )


def _sc_layer(*args):
    return _make_sc_layer()(*args)


def kernel(features0, features1, edge_index, edge_type, rel_x, rel_edge_index,
           rel_edge_attr, W1_0, b1_0, W1_1, b1_1, Wn, bn, W2, b2):
    s_idx = edge_index[0].astype(jnp.int32)
    d_idx = edge_index[1].astype(jnp.int32)
    t_idx = edge_type.astype(jnp.int32)
    pad = JBLK * BB - EPW
    pad_g = (jnp.arange(NW * pad, dtype=jnp.int32) * 331) % (RR * NN)
    pad_d = PAD_ROW + (jnp.arange(NW * pad, dtype=jnp.int32) % 8)
    gidx = jnp.concatenate(
        [(t_idx * NN + s_idx).reshape(NW, EPW),
         pad_g.reshape(NW, pad)], axis=1).reshape(NW, JBLK, BB)
    didx = jnp.concatenate(
        [d_idx.reshape(NW, EPW),
         pad_d.reshape(NW, pad)], axis=1).reshape(NW, JBLK, BB)
    zeros = jnp.zeros((NN, DD), jnp.float32)

    h0, wr = _prologue(features0, features1, rel_x, rel_edge_index,
                       rel_edge_attr, Wn, bn, W1_0, b1_0, W1_1, b1_1)
    h0 = h0.reshape(RR * NN, DD)
    p1 = _sc_layer(h0, gidx, didx, zeros).reshape(NC, NN, DD)
    h1 = _mid(p1, wr).reshape(RR * NN, DD)
    p2 = _sc_layer(h1, gidx, didx, zeros).reshape(NC, NN, DD)
    return _epilogue(p2, W2, b2)

# --- scband reference (transcript-rebuilt; emitter-appended) ---
"""Pipeline reference for scband-net-80032420594178 (READ-ONLY COPY).

The authoritative reference and input builder live on the scoring server;
editing this copy changes nothing except your own understanding.
"""

import jax, jax.numpy as jnp
import numpy as np

N = 10000
E = 320000
D = 128
R = 8
RF = 8
RE = 64
C = 7


def setup_inputs(seed: int = 0) -> dict:
    key = jax.random.key(seed)
    ks = jax.random.split(key, 16)
    inp = {}
    inp['features0'] = jax.random.normal(ks[0], (5000, 128), dtype=jnp.float32)
    inp['features1'] = jax.random.normal(ks[1], (5000, 128), dtype=jnp.float32)
    inp['edge_index'] = jax.random.randint(ks[2], (2, E), 0, N)
    inp['edge_type'] = jax.random.randint(ks[3], (E,), 0, R)
    inp['rel_x'] = jax.random.normal(ks[4], (R, RF), dtype=jnp.float32)
    inp['rel_edge_index'] = jax.random.randint(ks[5], (2, RE), 0, R)
    inp['rel_edge_attr'] = jax.random.uniform(ks[6], (RE,), dtype=jnp.float32)
    # learned parameters
    inp['W1_0'] = jax.random.normal(ks[7], (128, D), dtype=jnp.float32) / np.sqrt(128)
    inp['b1_0'] = jnp.zeros((D,), dtype=jnp.float32)
    inp['W1_1'] = jax.random.normal(ks[8], (128, D), dtype=jnp.float32) / np.sqrt(128)
    inp['b1_1'] = jnp.zeros((D,), dtype=jnp.float32)
    # nn = Sequential(Linear(rel_num_features, dim)); SHARED between NNConv1 and NNConv2
    inp['Wn'] = jax.random.normal(ks[9], (RF, D), dtype=jnp.float32) / np.sqrt(RF)
    inp['bn'] = jnp.zeros((D,), dtype=jnp.float32)
    inp['W2'] = jax.random.normal(ks[10], (D, C), dtype=jnp.float32) / np.sqrt(D)
    inp['b2'] = jnp.zeros((C,), dtype=jnp.float32)
    return inp


def reference(features0, features1, edge_index, edge_type, rel_x, rel_edge_index, rel_edge_attr, W1_0, b1_0, W1_1, b1_1, Wn, bn, W2, b2):
    # per-node-type input projections, then concat (fc1 ModuleList)
    x = jnp.concatenate([features0 @ W1_0 + b1_0, features1 @ W1_1 + b1_1], axis=0)
    # dropout with training=False is identity
    # RelationConv (GIN-like, eps=0, train_eps=False): x_i' = x_i + sum_j w_ij * x_j
    rs = rel_edge_index[0]
    rd = rel_edge_index[1]

    def rconv(rx):
        agg = jnp.zeros_like(rx).at[rd].add(rx[rs] * rel_edge_attr[:, None])
        return jax.nn.relu(rx + agg)

    rx = rconv(rel_x)
    rx = rconv(rx)  # num_edge_layer == 2
    # edge_attr = F.embedding(edge_type, rel_x)
    edge_attr = jnp.take(rx, edge_type, axis=0)  # [E, RF]
    # nn(edge_attr): per-edge filter, shared by both NNConv layers
    w = edge_attr @ Wn + bn  # [E, D]
    s = edge_index[0]
    d = edge_index[1]

    def nnconv(h):
        msg = jnp.take(h, s, axis=0) * w  # gather + elementwise filter
        out = jnp.zeros((h.shape[0], h.shape[1]), dtype=h.dtype).at[d].add(msg)  # scatter-add
        return jnp.tanh(out)

    x = nnconv(x)
    x = nnconv(x)  # num_node_layer == 2
    return x @ W2 + b2

if __name__ == "__main__":
    import jax
    _d = setup_inputs()
    print(jax.jit(kernel)(*tuple(_d.values())))

</pallas_src>

<mosaic_0001>
#map = affine_map<(d0, d1) -> (0, 0)>
#map1 = affine_map<(d0, d1) -> (0, 0, 0)>
module attributes {stable_mosaic.version = 14 : i64} {
  func.func @_sc_layer_body(%arg0: i32, %arg1: i32, %arg2: memref<80000x128xf32, #tpu.memory_space<hbm>>, %arg3: memref<32x256x40xi32, #tpu.memory_space<hbm>>, %arg4: memref<32x256x40xi32, #tpu.memory_space<hbm>>, %arg5: memref<10000x128xf32, #tpu.memory_space<hbm>>, %arg6: memref<20000x128xf32, #tpu.memory_space<hbm>>, %arg7: memref<16x40xi32, #tpu.memory_space<vmem>>, %arg8: memref<16x40xi32, #tpu.memory_space<vmem>>, %arg9: memref<8x40x128xf32, #tpu.memory_space<vmem>>, %arg10: memref<10008x128xf32, #tpu.memory_space<vmem_shared>>, %arg11: memref<!tpu.dma_semaphore, #tpu.memory_space<semaphore_mem>>, %arg12: memref<!tpu.dma_semaphore, #tpu.memory_space<semaphore_mem>>, %arg13: memref<!tpu.dma_semaphore, #tpu.memory_space<semaphore_mem>>, %arg14: memref<!tpu.dma_semaphore, #tpu.memory_space<semaphore_mem>>, %arg15: memref<!tpu.dma_semaphore, #tpu.memory_space<semaphore_mem>>, %arg16: memref<!tpu.dma_semaphore, #tpu.memory_space<semaphore_mem>>, %arg17: memref<!tpu.dma_semaphore, #tpu.memory_space<semaphore_mem>>, %arg18: memref<!tpu.dma_semaphore, #tpu.memory_space<semaphore_mem>>, %arg19: memref<!tpu.dma_semaphore, #tpu.memory_space<semaphore_mem>>, %arg20: memref<!tpu.dma_semaphore, #tpu.memory_space<semaphore_mem>>, %arg21: memref<!tpu.dma_semaphore, #tpu.memory_space<semaphore_mem>>, %arg22: memref<!tpu.dma_semaphore, #tpu.memory_space<semaphore_mem>>, %arg23: memref<!tpu.dma_semaphore, #tpu.memory_space<semaphore_mem>>, %arg24: memref<!tpu.dma_semaphore, #tpu.memory_space<semaphore_mem>>, %arg25: memref<!tpu.dma_semaphore, #tpu.memory_space<semaphore_mem>>, %arg26: memref<!tpu.dma_semaphore, #tpu.memory_space<semaphore_mem>>, %arg27: memref<!tpu.dma_semaphore, #tpu.memory_space<semaphore_mem>>, %arg28: memref<!tpu.dma_semaphore, #tpu.memory_space<semaphore_mem>>) attributes {dimension_semantics = [#tpu.dimension_semantics<core_parallel>, #tpu.dimension_semantics<subcore_parallel>], iteration_bounds = array<i64: 2, 16>, scalar_prefetch = 0 : i64, scratch_operands = 22 : i64, tpu.core_type = #tpu.core_type<sc_vector_subcore>, window_params = [{transform_indices = #map}, {transform_indices = #map1}, {transform_indices = #map1}, {transform_indices = #map}, {transform_indices = #map}]} {
    %mul3A = arith.constant 2 : i32
    %mul3A_0 = arith.muli %arg1, %mul3A : i32
    %add3A = arith.addi %mul3A_0, %arg0 : i32
    %lt3A = arith.constant 15 : i32
    %lt3A_1 = arith.cmpi slt, %arg1, %lt3A : i32
    %convert_element_type3A = arith.extui %lt3A_1 : i1 to i32
    %cond3A = arith.constant 0 : i32
    %cond3A_2 = arith.cmpi ne, %convert_element_type3A, %cond3A : i32
    scf.if %cond3A_2 {
      %mul3A_173 = arith.constant 632 : i32
      %mul3A_174 = arith.muli %arg1, %mul3A_173 : i32
      %mul3A_175 = arith.constant 632 : i32
      %mul3A_176 = arith.muli %arg1, %mul3A_175 : i32
      "tpu.region"() ({
        %run_scoped3A = tpu.sem_alloc : memref<!tpu.dma_semaphore, #tpu.memory_space<semaphore_mem>>
        %dma_start3A_177 = arith.constant 0 : i32
        %dma_start3A_178 = tpu.memref_slice %arg10[%mul3A_176, %dma_start3A_177] : memref<10008x128xf32, #tpu.memory_space<vmem_shared>> -> memref<632x128xf32, #tpu.memory_space<vmem_shared>>
        %dma_start3A_179 = arith.constant 0 : i32
        %dma_start3A_180 = tpu.memref_slice %arg5[%mul3A_174, %dma_start3A_179] : memref<10000x128xf32, #tpu.memory_space<hbm>> -> memref<632x128xf32, #tpu.memory_space<hbm>>
        tpu.enqueue_dma source(%dma_start3A_180 : memref<632x128xf32, #tpu.memory_space<hbm>>) target(%dma_start3A_178 : memref<632x128xf32, #tpu.memory_space<vmem_shared>>) target_semaphore(%run_scoped3A : memref<!tpu.dma_semaphore, #tpu.memory_space<semaphore_mem>>)
        %dma_wait3A_181 = arith.constant 0 : i32
        %dma_wait3A_182 = tpu.memref_slice %arg10[%mul3A_176, %dma_wait3A_181] : memref<10008x128xf32, #tpu.memory_space<vmem_shared>> -> memref<632x128xf32, #tpu.memory_space<vmem_shared>>
        %dma_wait3A_183 = arith.constant 0 : i32
        %dma_wait3A_184 = tpu.memref_slice %arg5[%mul3A_174, %dma_wait3A_183] : memref<10000x128xf32, #tpu.memory_space<hbm>> -> memref<632x128xf32, #tpu.memory_space<hbm>>
        tpu.wait_dma2 semaphore(%run_scoped3A : memref<!tpu.dma_semaphore, #tpu.memory_space<semaphore_mem>>) src(%dma_wait3A_184 : memref<632x128xf32, #tpu.memory_space<hbm>>) dst(%dma_wait3A_182 : memref<632x128xf32, #tpu.memory_space<vmem_shared>>)
        tpu.yield
      }) : () -> ()
    } else {
    }
    %eq3A = arith.constant 15 : i32
    %eq3A_3 = arith.cmpi eq, %arg1, %eq3A : i32
    %convert_element_type3A_4 = arith.extui %eq3A_3 : i1 to i32
    %cond3A_5 = arith.constant 0 : i32
    %cond3A_6 = arith.cmpi ne, %convert_element_type3A_4, %cond3A_5 : i32
    scf.if %cond3A_6 {
      "tpu.region"() ({
        %run_scoped3A = tpu.sem_alloc : memref<!tpu.dma_semaphore, #tpu.memory_space<semaphore_mem>>
        %dma_start3A_173 = arith.constant 9480 : i32
        %dma_start3A_174 = arith.constant 0 : i32
        %dma_start3A_175 = tpu.memref_slice %arg10[%dma_start3A_173, %dma_start3A_174] : memref<10008x128xf32, #tpu.memory_space<vmem_shared>> -> memref<520x128xf32, #tpu.memory_space<vmem_shared>>
        %dma_start3A_176 = arith.constant 9480 : i32
        %dma_start3A_177 = arith.constant 0 : i32
        %dma_start3A_178 = tpu.memref_slice %arg5[%dma_start3A_176, %dma_start3A_177] : memref<10000x128xf32, #tpu.memory_space<hbm>> -> memref<520x128xf32, #tpu.memory_space<hbm>>
        tpu.enqueue_dma source(%dma_start3A_178 : memref<520x128xf32, #tpu.memory_space<hbm>>) target(%dma_start3A_175 : memref<520x128xf32, #tpu.memory_space<vmem_shared>>) target_semaphore(%run_scoped3A : memref<!tpu.dma_semaphore, #tpu.memory_space<semaphore_mem>>)
        %dma_wait3A_179 = arith.constant 9480 : i32
        %dma_wait3A_180 = arith.constant 0 : i32
        %dma_wait3A_181 = tpu.memref_slice %arg10[%dma_wait3A_179, %dma_wait3A_180] : memref<10008x128xf32, #tpu.memory_space<vmem_shared>> -> memref<520x128xf32, #tpu.memory_space<vmem_shared>>
        %dma_wait3A_182 = arith.constant 9480 : i32
        %dma_wait3A_183 = arith.constant 0 : i32
        %dma_wait3A_184 = tpu.memref_slice %arg5[%dma_wait3A_182, %dma_wait3A_183] : memref<10000x128xf32, #tpu.memory_space<hbm>> -> memref<520x128xf32, #tpu.memory_space<hbm>>
        tpu.wait_dma2 semaphore(%run_scoped3A : memref<!tpu.dma_semaphore, #tpu.memory_space<semaphore_mem>>) src(%dma_wait3A_184 : memref<520x128xf32, #tpu.memory_space<hbm>>) dst(%dma_wait3A_181 : memref<520x128xf32, #tpu.memory_space<vmem_shared>>)
        tpu.yield
      }) : () -> ()
    } else {
    }
    %dma_start3A = arith.constant 0 : i32
    %dma_start3A_7 = arith.constant 0 : i32
    %dma_start3A_8 = tpu.memref_slice %arg7[%dma_start3A, %dma_start3A_7] : memref<16x40xi32, #tpu.memory_space<vmem>> -> memref<8x40xi32, #tpu.memory_space<vmem>>
    %dma_start3A_9 = arith.constant 0 : i32
    %dma_start3A_10 = arith.constant 0 : i32
    %dma_start3A_11 = tpu.memref_slice %arg3[%add3A, %dma_start3A_9, %dma_start3A_10] : memref<32x256x40xi32, #tpu.memory_space<hbm>> -> memref<1x8x40xi32, #tpu.memory_space<hbm>>
    %dma_start3A_12 = tpu.memref_squeeze %dma_start3A_11 : memref<1x8x40xi32, #tpu.memory_space<hbm>> -> memref<8x40xi32, #tpu.memory_space<hbm>>
    %dma_start3A_13 = arith.constant 0 : i32
    %dma_start3A_14 = arith.constant 0 : i32
    %dma_start3A_15 = tpu.memref_slice %arg7[%dma_start3A_13, %dma_start3A_14] : memref<16x40xi32, #tpu.memory_space<vmem>> -> memref<8x40xi32, #tpu.memory_space<vmem>>
    %dma_start3A_16 = arith.constant 0 : i32
    %dma_start3A_17 = arith.constant 0 : i32
    %dma_start3A_18 = tpu.memref_slice %arg3[%add3A, %dma_start3A_16, %dma_start3A_17] : memref<32x256x40xi32, #tpu.memory_space<hbm>> -> memref<1x8x40xi32, #tpu.memory_space<hbm>>
    %dma_start3A_19 = tpu.memref_squeeze %dma_start3A_18 : memref<1x8x40xi32, #tpu.memory_space<hbm>> -> memref<8x40xi32, #tpu.memory_space<hbm>>
    tpu.enqueue_dma source(%dma_start3A_19 : memref<8x40xi32, #tpu.memory_space<hbm>>) target(%dma_start3A_15 : memref<8x40xi32, #tpu.memory_space<vmem>>) target_semaphore(%arg27 : memref<!tpu.dma_semaphore, #tpu.memory_space<semaphore_mem>>)
    %dma_start3A_20 = arith.constant 0 : i32
    %dma_start3A_21 = arith.constant 0 : i32
    %dma_start3A_22 = tpu.memref_slice %arg8[%dma_start3A_20, %dma_start3A_21] : memref<16x40xi32, #tpu.memory_space<vmem>> -> memref<8x40xi32, #tpu.memory_space<vmem>>
    %dma_start3A_23 = arith.constant 0 : i32
    %dma_start3A_24 = arith.constant 0 : i32
    %dma_start3A_25 = tpu.memref_slice %arg4[%add3A, %dma_start3A_23, %dma_start3A_24] : memref<32x256x40xi32, #tpu.memory_space<hbm>> -> memref<1x8x40xi32, #tpu.memory_space<hbm>>
    %dma_start3A_26 = tpu.memref_squeeze %dma_start3A_25 : memref<1x8x40xi32, #tpu.memory_space<hbm>> -> memref<8x40xi32, #tpu.memory_space<hbm>>
    %dma_start3A_27 = arith.constant 0 : i32
    %dma_start3A_28 = arith.constant 0 : i32
    %dma_start3A_29 = tpu.memref_slice %arg8[%dma_start3A_27, %dma_start3A_28] : memref<16x40xi32, #tpu.memory_space<vmem>> -> memref<8x40xi32, #tpu.memory_space<vmem>>
    %dma_start3A_30 = arith.constant 0 : i32
    %dma_start3A_31 = arith.constant 0 : i32
    %dma_start3A_32 = tpu.memref_slice %arg4[%add3A, %dma_start3A_30, %dma_start3A_31] : memref<32x256x40xi32, #tpu.memory_space<hbm>> -> memref<1x8x40xi32, #tpu.memory_space<hbm>>
    %dma_start3A_33 = tpu.memref_squeeze %dma_start3A_32 : memref<1x8x40xi32, #tpu.memory_space<hbm>> -> memref<8x40xi32, #tpu.memory_space<hbm>>
    tpu.enqueue_dma source(%dma_start3A_33 : memref<8x40xi32, #tpu.memory_space<hbm>>) target(%dma_start3A_29 : memref<8x40xi32, #tpu.memory_space<vmem>>) target_semaphore(%arg28 : memref<!tpu.dma_semaphore, #tpu.memory_space<semaphore_mem>>)
    %dma_wait3A = arith.constant 0 : i32
    %dma_wait3A_34 = arith.constant 0 : i32
    %dma_wait3A_35 = tpu.memref_slice %arg7[%dma_wait3A, %dma_wait3A_34] : memref<16x40xi32, #tpu.memory_space<vmem>> -> memref<8x40xi32, #tpu.memory_space<vmem>>
    %dma_wait3A_36 = arith.constant 0 : i32
    %dma_wait3A_37 = arith.constant 0 : i32
    %dma_wait3A_38 = tpu.memref_slice %arg3[%add3A, %dma_wait3A_36, %dma_wait3A_37] : memref<32x256x40xi32, #tpu.memory_space<hbm>> -> memref<1x8x40xi32, #tpu.memory_space<hbm>>
    %dma_wait3A_39 = tpu.memref_squeeze %dma_wait3A_38 : memref<1x8x40xi32, #tpu.memory_space<hbm>> -> memref<8x40xi32, #tpu.memory_space<hbm>>
    %dma_wait3A_40 = arith.constant 0 : i32
    %dma_wait3A_41 = arith.constant 0 : i32
    %dma_wait3A_42 = tpu.memref_slice %arg7[%dma_wait3A_40, %dma_wait3A_41] : memref<16x40xi32, #tpu.memory_space<vmem>> -> memref<8x40xi32, #tpu.memory_space<vmem>>
    %dma_wait3A_43 = arith.constant 0 : i32
    %dma_wait3A_44 = arith.constant 0 : i32
    %dma_wait3A_45 = tpu.memref_slice %arg3[%add3A, %dma_wait3A_43, %dma_wait3A_44] : memref<32x256x40xi32, #tpu.memory_space<hbm>> -> memref<1x8x40xi32, #tpu.memory_space<hbm>>
    %dma_wait3A_46 = tpu.memref_squeeze %dma_wait3A_45 : memref<1x8x40xi32, #tpu.memory_space<hbm>> -> memref<8x40xi32, #tpu.memory_space<hbm>>
    tpu.wait_dma2 semaphore(%arg27 : memref<!tpu.dma_semaphore, #tpu.memory_space<semaphore_mem>>) src(%dma_wait3A_46 : memref<8x40xi32, #tpu.memory_space<hbm>>) dst(%dma_wait3A_42 : memref<8x40xi32, #tpu.memory_space<vmem>>)
    %dma_wait3A_47 = arith.constant 0 : i32
    %dma_wait3A_48 = arith.constant 0 : i32
    %dma_wait3A_49 = tpu.memref_slice %arg8[%dma_wait3A_47, %dma_wait3A_48] : memref<16x40xi32, #tpu.memory_space<vmem>> -> memref<8x40xi32, #tpu.memory_space<vmem>>
    %dma_wait3A_50 = arith.constant 0 : i32
    %dma_wait3A_51 = arith.constant 0 : i32
    %dma_wait3A_52 = tpu.memref_slice %arg4[%add3A, %dma_wait3A_50, %dma_wait3A_51] : memref<32x256x40xi32, #tpu.memory_space<hbm>> -> memref<1x8x40xi32, #tpu.memory_space<hbm>>
    %dma_wait3A_53 = tpu.memref_squeeze %dma_wait3A_52 : memref<1x8x40xi32, #tpu.memory_space<hbm>> -> memref<8x40xi32, #tpu.memory_space<hbm>>
    %dma_wait3A_54 = arith.constant 0 : i32
    %dma_wait3A_55 = arith.constant 0 : i32
    %dma_wait3A_56 = tpu.memref_slice %arg8[%dma_wait3A_54, %dma_wait3A_55] : memref<16x40xi32, #tpu.memory_space<vmem>> -> memref<8x40xi32, #tpu.memory_space<vmem>>
    %dma_wait3A_57 = arith.constant 0 : i32
    %dma_wait3A_58 = arith.constant 0 : i32
    %dma_wait3A_59 = tpu.memref_slice %arg4[%add3A, %dma_wait3A_57, %dma_wait3A_58] : memref<32x256x40xi32, #tpu.memory_space<hbm>> -> memref<1x8x40xi32, #tpu.memory_space<hbm>>
    %dma_wait3A_60 = tpu.memref_squeeze %dma_wait3A_59 : memref<1x8x40xi32, #tpu.memory_space<hbm>> -> memref<8x40xi32, #tpu.memory_space<hbm>>
    tpu.wait_dma2 semaphore(%arg28 : memref<!tpu.dma_semaphore, #tpu.memory_space<semaphore_mem>>) src(%dma_wait3A_60 : memref<8x40xi32, #tpu.memory_space<hbm>>) dst(%dma_wait3A_56 : memref<8x40xi32, #tpu.memory_space<vmem>>)
    %barrier3A = arith.constant 0 : index
    tpu.barrier barrier_id(%barrier3A)
    %dma_start3A_61 = arith.constant 0 : i32
    %dma_start3A_62 = arith.constant 0 : i32
    %dma_start3A_63 = arith.constant 0 : i32
    %dma_start3A_64 = arith.constant 0 : i32
    %dma_start3A_65 = tpu.memref_slice %arg9[%dma_start3A_62, %dma_start3A_63, %dma_start3A_64] : memref<8x40x128xf32, #tpu.memory_space<vmem>> -> memref<1x40x128xf32, #tpu.memory_space<vmem>>
    %dma_start3A_66 = tpu.memref_squeeze %dma_start3A_65 : memref<1x40x128xf32, #tpu.memory_space<vmem>> -> memref<40x128xf32, #tpu.memory_space<vmem>>
    %dma_start3A_67 = arith.constant 0 : i32
    %dma_start3A_68 = tpu.memref_slice %arg7[%dma_start3A_61, %dma_start3A_67] : memref<16x40xi32, #tpu.memory_space<vmem>> -> memref<1x40xi32, #tpu.memory_space<vmem>>
    %dma_start3A_69 = tpu.memref_squeeze %dma_start3A_68 : memref<1x40xi32, #tpu.memory_space<vmem>> -> memref<40xi32, #tpu.memory_space<vmem>>
    %dma_start3A_70 = arith.constant 0 : i32
    %dma_start3A_71 = arith.constant 0 : i32
    %dma_start3A_72 = tpu.memref_slice %arg2[%dma_start3A_70, %dma_start3A_71] : memref<80000x128xf32, #tpu.memory_space<hbm>> -> memref<80000x128xf32, #tpu.memory_space<hbm>>
    tpu.enqueue_indirect_dma source(%dma_start3A_72 : memref<80000x128xf32, #tpu.memory_space<hbm>>) target(%dma_start3A_66 : memref<40x128xf32, #tpu.memory_space<vmem>>) offsets(%dma_start3A_69 : memref<40xi32, #tpu.memory_space<vmem>>) semaphore(%arg11 : memref<!tpu.dma_semaphore, #tpu.memory_space<semaphore_mem>>)
    %dma_start3A_73 = arith.constant 1 : i32
    %dma_start3A_74 = arith.constant 1 : i32
    %dma_start3A_75 = arith.constant 0 : i32
    %dma_start3A_76 = arith.constant 0 : i32
    %dma_start3A_77 = tpu.memref_slice %arg9[%dma_start3A_74, %dma_start3A_75, %dma_start3A_76] : memref<8x40x128xf32, #tpu.memory_space<vmem>> -> memref<1x40x128xf32, #tpu.memory_space<vmem>>
    %dma_start3A_78 = tpu.memref_squeeze %dma_start3A_77 : memref<1x40x128xf32, #tpu.memory_space<vmem>> -> memref<40x128xf32, #tpu.memory_space<vmem>>
    %dma_start3A_79 = arith.constant 0 : i32
    %dma_start3A_80 = tpu.memref_slice %arg7[%dma_start3A_73, %dma_start3A_79] : memref<16x40xi32, #tpu.memory_space<vmem>> -> memref<1x40xi32, #tpu.memory_space<vmem>>
    %dma_start3A_81 = tpu.memref_squeeze %dma_start3A_80 : memref<1x40xi32, #tpu.memory_space<vmem>> -> memref<40xi32, #tpu.memory_space<vmem>>
    %dma_start3A_82 = arith.constant 0 : i32
    %dma_start3A_83 = arith.constant 0 : i32
    %dma_start3A_84 = tpu.memref_slice %arg2[%dma_start3A_82, %dma_start3A_83] : memref<80000x128xf32, #tpu.memory_space<hbm>> -> memref<80000x128xf32, #tpu.memory_space<hbm>>
    tpu.enqueue_indirect_dma source(%dma_start3A_84 : memref<80000x128xf32, #tpu.memory_space<hbm>>) target(%dma_start3A_78 : memref<40x128xf32, #tpu.memory_space<vmem>>) offsets(%dma_start3A_81 : memref<40xi32, #tpu.memory_space<vmem>>) semaphore(%arg12 : memref<!tpu.dma_semaphore, #tpu.memory_space<semaphore_mem>>)
    %dma_start3A_85 = arith.constant 2 : i32
    %dma_start3A_86 = arith.constant 2 : i32
    %dma_start3A_87 = arith.constant 0 : i32
    %dma_start3A_88 = arith.constant 0 : i32
    %dma_start3A_89 = tpu.memref_slice %arg9[%dma_start3A_86, %dma_start3A_87, %dma_start3A_88] : memref<8x40x128xf32, #tpu.memory_space<vmem>> -> memref<1x40x128xf32, #tpu.memory_space<vmem>>
    %dma_start3A_90 = tpu.memref_squeeze %dma_start3A_89 : memref<1x40x128xf32, #tpu.memory_space<vmem>> -> memref<40x128xf32, #tpu.memory_space<vmem>>
    %dma_start3A_91 = arith.constant 0 : i32
    %dma_start3A_92 = tpu.memref_slice %arg7[%dma_start3A_85, %dma_start3A_91] : memref<16x40xi32, #tpu.memory_space<vmem>> -> memref<1x40xi32, #tpu.memory_space<vmem>>
    %dma_start3A_93 = tpu.memref_squeeze %dma_start3A_92 : memref<1x40xi32, #tpu.memory_space<vmem>> -> memref<40xi32, #tpu.memory_space<vmem>>
    %dma_start3A_94 = arith.constant 0 : i32
    %dma_start3A_95 = arith.constant 0 : i32
    %dma_start3A_96 = tpu.memref_slice %arg2[%dma_start3A_94, %dma_start3A_95] : memref<80000x128xf32, #tpu.memory_space<hbm>> -> memref<80000x128xf32, #tpu.memory_space<hbm>>
    tpu.enqueue_indirect_dma source(%dma_start3A_96 : memref<80000x128xf32, #tpu.memory_space<hbm>>) target(%dma_start3A_90 : memref<40x128xf32, #tpu.memory_space<vmem>>) offsets(%dma_start3A_93 : memref<40xi32, #tpu.memory_space<vmem>>) semaphore(%arg13 : memref<!tpu.dma_semaphore, #tpu.memory_space<semaphore_mem>>)
    %dma_start3A_97 = arith.constant 3 : i32
    %dma_start3A_98 = arith.constant 3 : i32
    %dma_start3A_99 = arith.constant 0 : i32
    %dma_start3A_100 = arith.constant 0 : i32
    %dma_start3A_101 = tpu.memref_slice %arg9[%dma_start3A_98, %dma_start3A_99, %dma_start3A_100] : memref<8x40x128xf32, #tpu.memory_space<vmem>> -> memref<1x40x128xf32, #tpu.memory_space<vmem>>
    %dma_start3A_102 = tpu.memref_squeeze %dma_start3A_101 : memref<1x40x128xf32, #tpu.memory_space<vmem>> -> memref<40x128xf32, #tpu.memory_space<vmem>>
    %dma_start3A_103 = arith.constant 0 : i32
    %dma_start3A_104 = tpu.memref_slice %arg7[%dma_start3A_97, %dma_start3A_103] : memref<16x40xi32, #tpu.memory_space<vmem>> -> memref<1x40xi32, #tpu.memory_space<vmem>>
    %dma_start3A_105 = tpu.memref_squeeze %dma_start3A_104 : memref<1x40xi32, #tpu.memory_space<vmem>> -> memref<40xi32, #tpu.memory_space<vmem>>
    %dma_start3A_106 = arith.constant 0 : i32
    %dma_start3A_107 = arith.constant 0 : i32
    %dma_start3A_108 = tpu.memref_slice %arg2[%dma_start3A_106, %dma_start3A_107] : memref<80000x128xf32, #tpu.memory_space<hbm>> -> memref<80000x128xf32, #tpu.memory_space<hbm>>
    tpu.enqueue_indirect_dma source(%dma_start3A_108 : memref<80000x128xf32, #tpu.memory_space<hbm>>) target(%dma_start3A_102 : memref<40x128xf32, #tpu.memory_space<vmem>>) offsets(%dma_start3A_105 : memref<40xi32, #tpu.memory_space<vmem>>) semaphore(%arg14 : memref<!tpu.dma_semaphore, #tpu.memory_space<semaphore_mem>>)
    %scan3A = arith.constant 0 : i32
    %scan3A_109 = arith.constant 0 : i32
    %scan3A_110 = arith.constant 32 : i32
    %scan3A_111 = arith.addi %scan3A_109, %scan3A_110 : i32
    %scan3A_112 = arith.constant 1 : i32
    scf.for %scan3A_173 = %scan3A_109 to %scan3A_111 step %scan3A_112  : i32 {
      %jit3A = arith.constant 2 : i32
      %eq3A_174 = arith.constant 0 : i32
      %eq3A_175 = arith.cmpi eq, %jit3A, %eq3A_174 : i32
      %jit3A_176 = arith.constant 1 : i32
      %select_n3A = arith.select %eq3A_175, %jit3A_176, %jit3A : i32
      %rem3A = arith.remsi %scan3A_173, %select_n3A : i32
      %ne3A = arith.constant 0 : i32
      %ne3A_177 = arith.cmpi ne, %rem3A, %ne3A : i32
      %lt3A_178 = arith.constant 0 : i32
      %lt3A_179 = arith.cmpi slt, %rem3A, %lt3A_178 : i32
      %lt3A_180 = arith.constant 0 : i32
      %lt3A_181 = arith.cmpi slt, %select_n3A, %lt3A_180 : i32
      %ne3A_182 = arith.xori %lt3A_179, %lt3A_181 : i1
      %and3A = arith.andi %ne3A_182, %ne3A_177 : i1
      %add3A_183 = arith.addi %rem3A, %select_n3A : i32
      %select_n3A_184 = arith.select %and3A, %add3A_183, %rem3A : i32
      %mul3A_185 = arith.constant 8 : i32
      %mul3A_186 = arith.muli %select_n3A_184, %mul3A_185 : i32
      %add3A_187 = arith.constant 1 : i32
      %add3A_188 = arith.addi %scan3A_173, %add3A_187 : i32
      %jit3A_189 = arith.constant 2 : i32
      %eq3A_190 = arith.constant 0 : i32
      %eq3A_191 = arith.cmpi eq, %jit3A_189, %eq3A_190 : i32
      %jit3A_192 = arith.constant 1 : i32
      %select_n3A_193 = arith.select %eq3A_191, %jit3A_192, %jit3A_189 : i32
      %rem3A_194 = arith.remsi %add3A_188, %select_n3A_193 : i32
      %ne3A_195 = arith.constant 0 : i32
      %ne3A_196 = arith.cmpi ne, %rem3A_194, %ne3A_195 : i32
      %lt3A_197 = arith.constant 0 : i32
      %lt3A_198 = arith.cmpi slt, %rem3A_194, %lt3A_197 : i32
      %lt3A_199 = arith.constant 0 : i32
      %lt3A_200 = arith.cmpi slt, %select_n3A_193, %lt3A_199 : i32
      %ne3A_201 = arith.xori %lt3A_198, %lt3A_200 : i1
      %and3A_202 = arith.andi %ne3A_201, %ne3A_196 : i1
      %add3A_203 = arith.addi %rem3A_194, %select_n3A_193 : i32
      %select_n3A_204 = arith.select %and3A_202, %add3A_203, %rem3A_194 : i32
      %mul3A_205 = arith.constant 8 : i32
      %mul3A_206 = arith.muli %select_n3A_204, %mul3A_205 : i32
      %dma_wait3A_207 = arith.constant 0 : i32
      %dma_wait3A_208 = arith.constant 0 : i32
      %dma_wait3A_209 = arith.constant 0 : i32
      %dma_wait3A_210 = arith.constant 0 : i32
      %dma_wait3A_211 = tpu.memref_slice %arg9[%dma_wait3A_208, %dma_wait3A_209, %dma_wait3A_210] : memref<8x40x128xf32, #tpu.memory_space<vmem>> -> memref<1x40x128xf32, #tpu.memory_space<vmem>>
      %dma_wait3A_212 = tpu.memref_squeeze %dma_wait3A_211 : memref<1x40x128xf32, #tpu.memory_space<vmem>> -> memref<40x128xf32, #tpu.memory_space<vmem>>
      %dma_wait3A_213 = arith.constant 0 : i32
      %dma_wait3A_214 = tpu.memref_slice %arg7[%dma_wait3A_207, %dma_wait3A_213] : memref<16x40xi32, #tpu.memory_space<vmem>> -> memref<1x40xi32, #tpu.memory_space<vmem>>
      %dma_wait3A_215 = tpu.memref_squeeze %dma_wait3A_214 : memref<1x40xi32, #tpu.memory_space<vmem>> -> memref<40xi32, #tpu.memory_space<vmem>>
      %dma_wait3A_216 = arith.constant 0 : i32
      %dma_wait3A_217 = arith.constant 0 : i32
      %dma_wait3A_218 = tpu.memref_slice %arg2[%dma_wait3A_216, %dma_wait3A_217] : memref<80000x128xf32, #tpu.memory_space<hbm>> -> memref<80000x128xf32, #tpu.memory_space<hbm>>
      tpu.wait_indirect_dma semaphore(%arg11 : memref<!tpu.dma_semaphore, #tpu.memory_space<semaphore_mem>>) src(%dma_wait3A_218 : memref<80000x128xf32, #tpu.memory_space<hbm>>) dst(%dma_wait3A_212 : memref<40x128xf32, #tpu.memory_space<vmem>>)
      %add3A_219 = arith.constant 0 : i32
      %add3A_220 = arith.addi %mul3A_186, %add3A_219 : i32
      %dma_start3A_221 = arith.constant 0 : i32
      %dma_start3A_222 = arith.constant 0 : i32
      %dma_start3A_223 = arith.constant 0 : i32
      %dma_start3A_224 = tpu.memref_slice %arg9[%dma_start3A_221, %dma_start3A_222, %dma_start3A_223] : memref<8x40x128xf32, #tpu.memory_space<vmem>> -> memref<1x40x128xf32, #tpu.memory_space<vmem>>
      %dma_start3A_225 = tpu.memref_squeeze %dma_start3A_224 : memref<1x40x128xf32, #tpu.memory_space<vmem>> -> memref<40x128xf32, #tpu.memory_space<vmem>>
      %dma_start3A_226 = arith.constant 0 : i32
      %dma_start3A_227 = tpu.memref_slice %arg8[%add3A_220, %dma_start3A_226] : memref<16x40xi32, #tpu.memory_space<vmem>> -> memref<1x40xi32, #tpu.memory_space<vmem>>
      %dma_start3A_228 = tpu.memref_squeeze %dma_start3A_227 : memref<1x40xi32, #tpu.memory_space<vmem>> -> memref<40xi32, #tpu.memory_space<vmem>>
      %dma_start3A_229 = arith.constant 0 : i32
      %dma_start3A_230 = arith.constant 0 : i32
      %dma_start3A_231 = tpu.memref_slice %arg10[%dma_start3A_229, %dma_start3A_230] : memref<10008x128xf32, #tpu.memory_space<vmem_shared>> -> memref<10008x128xf32, #tpu.memory_space<vmem_shared>>
      tpu.enqueue_indirect_dma source(%dma_start3A_225 : memref<40x128xf32, #tpu.memory_space<vmem>>) target(%dma_start3A_231 : memref<10008x128xf32, #tpu.memory_space<vmem_shared>>) offsets(%dma_start3A_228 : memref<40xi32, #tpu.memory_space<vmem>>) semaphore(%arg19 : memref<!tpu.dma_semaphore, #tpu.memory_space<semaphore_mem>>) {add = true}
      %lt3A_232 = arith.constant 31 : i32
      %lt3A_233 = arith.cmpi slt, %scan3A_173, %lt3A_232 : i32
      %convert_element_type3A_234 = arith.extui %lt3A_233 : i1 to i32
      %cond3A_235 = arith.constant 0 : i32
      %cond3A_236 = arith.cmpi ne, %convert_element_type3A_234, %cond3A_235 : i32
      scf.if %cond3A_236 {
        %add3A_569 = arith.constant 1 : i32
        %add3A_570 = arith.addi %scan3A_173, %add3A_569 : i32
        %mul3A_571 = arith.constant 8 : i32
        %mul3A_572 = arith.muli %add3A_570, %mul3A_571 : i32
        %jit3A_573 = arith.constant 2 : i32
        %eq3A_574 = arith.constant 0 : i32
        %eq3A_575 = arith.cmpi eq, %jit3A_573, %eq3A_574 : i32
        %jit3A_576 = arith.constant 1 : i32
        %select_n3A_577 = arith.select %eq3A_575, %jit3A_576, %jit3A_573 : i32
        %rem3A_578 = arith.remsi %add3A_570, %select_n3A_577 : i32
        %ne3A_579 = arith.constant 0 : i32
        %ne3A_580 = arith.cmpi ne, %rem3A_578, %ne3A_579 : i32
        %lt3A_581 = arith.constant 0 : i32
        %lt3A_582 = arith.cmpi slt, %rem3A_578, %lt3A_581 : i32
        %lt3A_583 = arith.constant 0 : i32
        %lt3A_584 = arith.cmpi slt, %select_n3A_577, %lt3A_583 : i32
        %ne3A_585 = arith.xori %lt3A_582, %lt3A_584 : i1
        %and3A_586 = arith.andi %ne3A_585, %ne3A_580 : i1
        %add3A_587 = arith.addi %rem3A_578, %select_n3A_577 : i32
        %select_n3A_588 = arith.select %and3A_586, %add3A_587, %rem3A_578 : i32
        %mul3A_589 = arith.constant 8 : i32
        %mul3A_590 = arith.muli %select_n3A_588, %mul3A_589 : i32
        %dma_start3A_591 = arith.constant 0 : i32
        %dma_start3A_592 = tpu.memref_slice %arg7[%mul3A_590, %dma_start3A_591] : memref<16x40xi32, #tpu.memory_space<vmem>> -> memref<8x40xi32, #tpu.memory_space<vmem>>
        %dma_start3A_593 = arith.constant 0 : i32
        %dma_start3A_594 = tpu.memref_slice %arg3[%add3A, %mul3A_572, %dma_start3A_593] : memref<32x256x40xi32, #tpu.memory_space<hbm>> -> memref<1x8x40xi32, #tpu.memory_space<hbm>>
        %dma_start3A_595 = tpu.memref_squeeze %dma_start3A_594 : memref<1x8x40xi32, #tpu.memory_space<hbm>> -> memref<8x40xi32, #tpu.memory_space<hbm>>
        %dma_start3A_596 = arith.constant 0 : i32
        %dma_start3A_597 = tpu.memref_slice %arg7[%mul3A_590, %dma_start3A_596] : memref<16x40xi32, #tpu.memory_space<vmem>> -> memref<8x40xi32, #tpu.memory_space<vmem>>
        %dma_start3A_598 = arith.constant 0 : i32
        %dma_start3A_599 = tpu.memref_slice %arg3[%add3A, %mul3A_572, %dma_start3A_598] : memref<32x256x40xi32, #tpu.memory_space<hbm>> -> memref<1x8x40xi32, #tpu.memory_space<hbm>>
        %dma_start3A_600 = tpu.memref_squeeze %dma_start3A_599 : memref<1x8x40xi32, #tpu.memory_space<hbm>> -> memref<8x40xi32, #tpu.memory_space<hbm>>
        tpu.enqueue_dma source(%dma_start3A_600 : memref<8x40xi32, #tpu.memory_space<hbm>>) target(%dma_start3A_597 : memref<8x40xi32, #tpu.memory_space<vmem>>) target_semaphore(%arg27 : memref<!tpu.dma_semaphore, #tpu.memory_space<semaphore_mem>>)
      } else {
      }
      %gt3A = arith.constant 0 : i32
      %gt3A_237 = arith.cmpi sgt, %scan3A_173, %gt3A : i32
      %convert_element_type3A_238 = arith.extui %gt3A_237 : i1 to i32
      %cond3A_239 = arith.constant 0 : i32
      %cond3A_240 = arith.cmpi ne, %convert_element_type3A_238, %cond3A_239 : i32
      scf.if %cond3A_240 {
        %dma_wait3A_569 = arith.constant 0 : i32
        %dma_wait3A_570 = arith.constant 0 : i32
        %dma_wait3A_571 = arith.constant 0 : i32
        %dma_wait3A_572 = arith.constant 0 : i32
        %dma_wait3A_573 = tpu.memref_slice %arg9[%dma_wait3A_569, %dma_wait3A_571, %dma_wait3A_572] : memref<8x40x128xf32, #tpu.memory_space<vmem>> -> memref<1x40x128xf32, #tpu.memory_space<vmem>>
        %dma_wait3A_574 = tpu.memref_squeeze %dma_wait3A_573 : memref<1x40x128xf32, #tpu.memory_space<vmem>> -> memref<40x128xf32, #tpu.memory_space<vmem>>
        %dma_wait3A_575 = arith.constant 0 : i32
        %dma_wait3A_576 = tpu.memref_slice %arg8[%dma_wait3A_570, %dma_wait3A_575] : memref<16x40xi32, #tpu.memory_space<vmem>> -> memref<1x40xi32, #tpu.memory_space<vmem>>
        %dma_wait3A_577 = tpu.memref_squeeze %dma_wait3A_576 : memref<1x40xi32, #tpu.memory_space<vmem>> -> memref<40xi32, #tpu.memory_space<vmem>>
        %dma_wait3A_578 = arith.constant 0 : i32
        %dma_wait3A_579 = arith.constant 0 : i32
        %dma_wait3A_580 = tpu.memref_slice %arg10[%dma_wait3A_578, %dma_wait3A_579] : memref<10008x128xf32, #tpu.memory_space<vmem_shared>> -> memref<10008x128xf32, #tpu.memory_space<vmem_shared>>
        tpu.wait_indirect_dma semaphore(%arg23 : memref<!tpu.dma_semaphore, #tpu.memory_space<semaphore_mem>>) src(%dma_wait3A_574 : memref<40x128xf32, #tpu.memory_space<vmem>>) dst(%dma_wait3A_580 : memref<10008x128xf32, #tpu.memory_space<vmem_shared>>)
      } else {
      }
      %add3A_241 = arith.constant 0 : i32
      %add3A_242 = arith.addi %mul3A_186, %add3A_241 : i32
      %add3A_243 = arith.constant 4 : i32
      %add3A_244 = arith.addi %add3A_242, %add3A_243 : i32
      %dma_start3A_245 = arith.constant 4 : i32
      %dma_start3A_246 = arith.constant 0 : i32
      %dma_start3A_247 = arith.constant 0 : i32
      %dma_start3A_248 = tpu.memref_slice %arg9[%dma_start3A_245, %dma_start3A_246, %dma_start3A_247] : memref<8x40x128xf32, #tpu.memory_space<vmem>> -> memref<1x40x128xf32, #tpu.memory_space<vmem>>
      %dma_start3A_249 = tpu.memref_squeeze %dma_start3A_248 : memref<1x40x128xf32, #tpu.memory_space<vmem>> -> memref<40x128xf32, #tpu.memory_space<vmem>>
      %dma_start3A_250 = arith.constant 0 : i32
      %dma_start3A_251 = tpu.memref_slice %arg7[%add3A_244, %dma_start3A_250] : memref<16x40xi32, #tpu.memory_space<vmem>> -> memref<1x40xi32, #tpu.memory_space<vmem>>
      %dma_start3A_252 = tpu.memref_squeeze %dma_start3A_251 : memref<1x40xi32, #tpu.memory_space<vmem>> -> memref<40xi32, #tpu.memory_space<vmem>>
      %dma_start3A_253 = arith.constant 0 : i32
      %dma_start3A_254 = arith.constant 0 : i32
      %dma_start3A_255 = tpu.memref_slice %arg2[%dma_start3A_253, %dma_start3A_254] : memref<80000x128xf32, #tpu.memory_space<hbm>> -> memref<80000x128xf32, #tpu.memory_space<hbm>>
      tpu.enqueue_indirect_dma source(%dma_start3A_255 : memref<80000x128xf32, #tpu.memory_space<hbm>>) target(%dma_start3A_249 : memref<40x128xf32, #tpu.memory_space<vmem>>) offsets(%dma_start3A_252 : memref<40xi32, #tpu.memory_space<vmem>>) semaphore(%arg15 : memref<!tpu.dma_semaphore, #tpu.memory_space<semaphore_mem>>)
      %dma_wait3A_256 = arith.constant 0 : i32
      %dma_wait3A_257 = arith.constant 0 : i32
      %dma_wait3A_258 = arith.constant 0 : i32
      %dma_wait3A_259 = arith.constant 0 : i32
      %dma_wait3A_260 = tpu.memref_slice %arg9[%dma_wait3A_257, %dma_wait3A_258, %dma_wait3A_259] : memref<8x40x128xf32, #tpu.memory_space<vmem>> -> memref<1x40x128xf32, #tpu.memory_space<vmem>>
      %dma_wait3A_261 = tpu.memref_squeeze %dma_wait3A_260 : memref<1x40x128xf32, #tpu.memory_space<vmem>> -> memref<40x128xf32, #tpu.memory_space<vmem>>
      %dma_wait3A_262 = arith.constant 0 : i32
      %dma_wait3A_263 = tpu.memref_slice %arg7[%dma_wait3A_256, %dma_wait3A_262] : memref<16x40xi32, #tpu.memory_space<vmem>> -> memref<1x40xi32, #tpu.memory_space<vmem>>
      %dma_wait3A_264 = tpu.memref_squeeze %dma_wait3A_263 : memref<1x40xi32, #tpu.memory_space<vmem>> -> memref<40xi32, #tpu.memory_space<vmem>>
      %dma_wait3A_265 = arith.constant 0 : i32
      %dma_wait3A_266 = arith.constant 0 : i32
      %dma_wait3A_267 = tpu.memref_slice %arg2[%dma_wait3A_265, %dma_wait3A_266] : memref<80000x128xf32, #tpu.memory_space<hbm>> -> memref<80000x128xf32, #tpu.memory_space<hbm>>
      tpu.wait_indirect_dma semaphore(%arg12 : memref<!tpu.dma_semaphore, #tpu.memory_space<semaphore_mem>>) src(%dma_wait3A_267 : memref<80000x128xf32, #tpu.memory_space<hbm>>) dst(%dma_wait3A_261 : memref<40x128xf32, #tpu.memory_space<vmem>>)
      %add3A_268 = arith.constant 1 : i32
      %add3A_269 = arith.addi %mul3A_186, %add3A_268 : i32
      %dma_start3A_270 = arith.constant 1 : i32
      %dma_start3A_271 = arith.constant 0 : i32
      %dma_start3A_272 = arith.constant 0 : i32
      %dma_start3A_273 = tpu.memref_slice %arg9[%dma_start3A_270, %dma_start3A_271, %dma_start3A_272] : memref<8x40x128xf32, #tpu.memory_space<vmem>> -> memref<1x40x128xf32, #tpu.memory_space<vmem>>
      %dma_start3A_274 = tpu.memref_squeeze %dma_start3A_273 : memref<1x40x128xf32, #tpu.memory_space<vmem>> -> memref<40x128xf32, #tpu.memory_space<vmem>>
      %dma_start3A_275 = arith.constant 0 : i32
      %dma_start3A_276 = tpu.memref_slice %arg8[%add3A_269, %dma_start3A_275] : memref<16x40xi32, #tpu.memory_space<vmem>> -> memref<1x40xi32, #tpu.memory_space<vmem>>
      %dma_start3A_277 = tpu.memref_squeeze %dma_start3A_276 : memref<1x40xi32, #tpu.memory_space<vmem>> -> memref<40xi32, #tpu.memory_space<vmem>>
      %dma_start3A_278 = arith.constant 0 : i32
      %dma_start3A_279 = arith.constant 0 : i32
      %dma_start3A_280 = tpu.memref_slice %arg10[%dma_start3A_278, %dma_start3A_279] : memref<10008x128xf32, #tpu.memory_space<vmem_shared>> -> memref<10008x128xf32, #tpu.memory_space<vmem_shared>>
      tpu.enqueue_indirect_dma source(%dma_start3A_274 : memref<40x128xf32, #tpu.memory_space<vmem>>) target(%dma_start3A_280 : memref<10008x128xf32, #tpu.memory_space<vmem_shared>>) offsets(%dma_start3A_277 : memref<40xi32, #tpu.memory_space<vmem>>) semaphore(%arg20 : memref<!tpu.dma_semaphore, #tpu.memory_space<semaphore_mem>>) {add = true}
      %gt3A_281 = arith.constant 0 : i32
      %gt3A_282 = arith.cmpi sgt, %scan3A_173, %gt3A_281 : i32
      %convert_element_type3A_283 = arith.extui %gt3A_282 : i1 to i32
      %cond3A_284 = arith.constant 0 : i32
      %cond3A_285 = arith.cmpi ne, %convert_element_type3A_283, %cond3A_284 : i32
      scf.if %cond3A_285 {
        %dma_wait3A_569 = arith.constant 0 : i32
        %dma_wait3A_570 = arith.constant 0 : i32
        %dma_wait3A_571 = arith.constant 0 : i32
        %dma_wait3A_572 = arith.constant 0 : i32
        %dma_wait3A_573 = tpu.memref_slice %arg9[%dma_wait3A_569, %dma_wait3A_571, %dma_wait3A_572] : memref<8x40x128xf32, #tpu.memory_space<vmem>> -> memref<1x40x128xf32, #tpu.memory_space<vmem>>
        %dma_wait3A_574 = tpu.memref_squeeze %dma_wait3A_573 : memref<1x40x128xf32, #tpu.memory_space<vmem>> -> memref<40x128xf32, #tpu.memory_space<vmem>>
        %dma_wait3A_575 = arith.constant 0 : i32
        %dma_wait3A_576 = tpu.memref_slice %arg8[%dma_wait3A_570, %dma_wait3A_575] : memref<16x40xi32, #tpu.memory_space<vmem>> -> memref<1x40xi32, #tpu.memory_space<vmem>>
        %dma_wait3A_577 = tpu.memref_squeeze %dma_wait3A_576 : memref<1x40xi32, #tpu.memory_space<vmem>> -> memref<40xi32, #tpu.memory_space<vmem>>
        %dma_wait3A_578 = arith.constant 0 : i32
        %dma_wait3A_579 = arith.constant 0 : i32
        %dma_wait3A_580 = tpu.memref_slice %arg10[%dma_wait3A_578, %dma_wait3A_579] : memref<10008x128xf32, #tpu.memory_space<vmem_shared>> -> memref<10008x128xf32, #tpu.memory_space<vmem_shared>>
        tpu.wait_indirect_dma semaphore(%arg24 : memref<!tpu.dma_semaphore, #tpu.memory_space<semaphore_mem>>) src(%dma_wait3A_574 : memref<40x128xf32, #tpu.memory_space<vmem>>) dst(%dma_wait3A_580 : memref<10008x128xf32, #tpu.memory_space<vmem_shared>>)
      } else {
      }
      %add3A_286 = arith.constant 1 : i32
      %add3A_287 = arith.addi %mul3A_186, %add3A_286 : i32
      %add3A_288 = arith.constant 4 : i32
      %add3A_289 = arith.addi %add3A_287, %add3A_288 : i32
      %dma_start3A_290 = arith.constant 5 : i32
      %dma_start3A_291 = arith.constant 0 : i32
      %dma_start3A_292 = arith.constant 0 : i32
      %dma_start3A_293 = tpu.memref_slice %arg9[%dma_start3A_290, %dma_start3A_291, %dma_start3A_292] : memref<8x40x128xf32, #tpu.memory_space<vmem>> -> memref<1x40x128xf32, #tpu.memory_space<vmem>>
      %dma_start3A_294 = tpu.memref_squeeze %dma_start3A_293 : memref<1x40x128xf32, #tpu.memory_space<vmem>> -> memref<40x128xf32, #tpu.memory_space<vmem>>
      %dma_start3A_295 = arith.constant 0 : i32
      %dma_start3A_296 = tpu.memref_slice %arg7[%add3A_289, %dma_start3A_295] : memref<16x40xi32, #tpu.memory_space<vmem>> -> memref<1x40xi32, #tpu.memory_space<vmem>>
      %dma_start3A_297 = tpu.memref_squeeze %dma_start3A_296 : memref<1x40xi32, #tpu.memory_space<vmem>> -> memref<40xi32, #tpu.memory_space<vmem>>
      %dma_start3A_298 = arith.constant 0 : i32
      %dma_start3A_299 = arith.constant 0 : i32
      %dma_start3A_300 = tpu.memref_slice %arg2[%dma_start3A_298, %dma_start3A_299] : memref<80000x128xf32, #tpu.memory_space<hbm>> -> memref<80000x128xf32, #tpu.memory_space<hbm>>
      tpu.enqueue_indirect_dma source(%dma_start3A_300 : memref<80000x128xf32, #tpu.memory_space<hbm>>) target(%dma_start3A_294 : memref<40x128xf32, #tpu.memory_space<vmem>>) offsets(%dma_start3A_297 : memref<40xi32, #tpu.memory_space<vmem>>) semaphore(%arg16 : memref<!tpu.dma_semaphore, #tpu.memory_space<semaphore_mem>>)
      %dma_wait3A_301 = arith.constant 0 : i32
      %dma_wait3A_302 = arith.constant 0 : i32
      %dma_wait3A_303 = arith.constant 0 : i32
      %dma_wait3A_304 = arith.constant 0 : i32
      %dma_wait3A_305 = tpu.memref_slice %arg9[%dma_wait3A_302, %dma_wait3A_303, %dma_wait3A_304] : memref<8x40x128xf32, #tpu.memory_space<vmem>> -> memref<1x40x128xf32, #tpu.memory_space<vmem>>
      %dma_wait3A_306 = tpu.memref_squeeze %dma_wait3A_305 : memref<1x40x128xf32, #tpu.memory_space<vmem>> -> memref<40x128xf32, #tpu.memory_space<vmem>>
      %dma_wait3A_307 = arith.constant 0 : i32
      %dma_wait3A_308 = tpu.memref_slice %arg7[%dma_wait3A_301, %dma_wait3A_307] : memref<16x40xi32, #tpu.memory_space<vmem>> -> memref<1x40xi32, #tpu.memory_space<vmem>>
      %dma_wait3A_309 = tpu.memref_squeeze %dma_wait3A_308 : memref<1x40xi32, #tpu.memory_space<vmem>> -> memref<40xi32, #tpu.memory_space<vmem>>
      %dma_wait3A_310 = arith.constant 0 : i32
      %dma_wait3A_311 = arith.constant 0 : i32
      %dma_wait3A_312 = tpu.memref_slice %arg2[%dma_wait3A_310, %dma_wait3A_311] : memref<80000x128xf32, #tpu.memory_space<hbm>> -> memref<80000x128xf32, #tpu.memory_space<hbm>>
      tpu.wait_indirect_dma semaphore(%arg13 : memref<!tpu.dma_semaphore, #tpu.memory_space<semaphore_mem>>) src(%dma_wait3A_312 : memref<80000x128xf32, #tpu.memory_space<hbm>>) dst(%dma_wait3A_306 : memref<40x128xf32, #tpu.memory_space<vmem>>)
      %add3A_313 = arith.constant 2 : i32
      %add3A_314 = arith.addi %mul3A_186, %add3A_313 : i32
      %dma_start3A_315 = arith.constant 2 : i32
      %dma_start3A_316 = arith.constant 0 : i32
      %dma_start3A_317 = arith.constant 0 : i32
      %dma_start3A_318 = tpu.memref_slice %arg9[%dma_start3A_315, %dma_start3A_316, %dma_start3A_317] : memref<8x40x128xf32, #tpu.memory_space<vmem>> -> memref<1x40x128xf32, #tpu.memory_space<vmem>>
      %dma_start3A_319 = tpu.memref_squeeze %dma_start3A_318 : memref<1x40x128xf32, #tpu.memory_space<vmem>> -> memref<40x128xf32, #tpu.memory_space<vmem>>
      %dma_start3A_320 = arith.constant 0 : i32
      %dma_start3A_321 = tpu.memref_slice %arg8[%add3A_314, %dma_start3A_320] : memref<16x40xi32, #tpu.memory_space<vmem>> -> memref<1x40xi32, #tpu.memory_space<vmem>>
      %dma_start3A_322 = tpu.memref_squeeze %dma_start3A_321 : memref<1x40xi32, #tpu.memory_space<vmem>> -> memref<40xi32, #tpu.memory_space<vmem>>
      %dma_start3A_323 = arith.constant 0 : i32
      %dma_start3A_324 = arith.constant 0 : i32
      %dma_start3A_325 = tpu.memref_slice %arg10[%dma_start3A_323, %dma_start3A_324] : memref<10008x128xf32, #tpu.memory_space<vmem_shared>> -> memref<10008x128xf32, #tpu.memory_space<vmem_shared>>
      tpu.enqueue_indirect_dma source(%dma_start3A_319 : memref<40x128xf32, #tpu.memory_space<vmem>>) target(%dma_start3A_325 : memref<10008x128xf32, #tpu.memory_space<vmem_shared>>) offsets(%dma_start3A_322 : memref<40xi32, #tpu.memory_space<vmem>>) semaphore(%arg21 : memref<!tpu.dma_semaphore, #tpu.memory_space<semaphore_mem>>) {add = true}
      %gt3A_326 = arith.constant 0 : i32
      %gt3A_327 = arith.cmpi sgt, %scan3A_173, %gt3A_326 : i32
      %convert_element_type3A_328 = arith.extui %gt3A_327 : i1 to i32
      %cond3A_329 = arith.constant 0 : i32
      %cond3A_330 = arith.cmpi ne, %convert_element_type3A_328, %cond3A_329 : i32
      scf.if %cond3A_330 {
        %dma_wait3A_569 = arith.constant 0 : i32
        %dma_wait3A_570 = arith.constant 0 : i32
        %dma_wait3A_571 = arith.constant 0 : i32
        %dma_wait3A_572 = arith.constant 0 : i32
        %dma_wait3A_573 = tpu.memref_slice %arg9[%dma_wait3A_569, %dma_wait3A_571, %dma_wait3A_572] : memref<8x40x128xf32, #tpu.memory_space<vmem>> -> memref<1x40x128xf32, #tpu.memory_space<vmem>>
        %dma_wait3A_574 = tpu.memref_squeeze %dma_wait3A_573 : memref<1x40x128xf32, #tpu.memory_space<vmem>> -> memref<40x128xf32, #tpu.memory_space<vmem>>
        %dma_wait3A_575 = arith.constant 0 : i32
        %dma_wait3A_576 = tpu.memref_slice %arg8[%dma_wait3A_570, %dma_wait3A_575] : memref<16x40xi32, #tpu.memory_space<vmem>> -> memref<1x40xi32, #tpu.memory_space<vmem>>
        %dma_wait3A_577 = tpu.memref_squeeze %dma_wait3A_576 : memref<1x40xi32, #tpu.memory_space<vmem>> -> memref<40xi32, #tpu.memory_space<vmem>>
        %dma_wait3A_578 = arith.constant 0 : i32
        %dma_wait3A_579 = arith.constant 0 : i32
        %dma_wait3A_580 = tpu.memref_slice %arg10[%dma_wait3A_578, %dma_wait3A_579] : memref<10008x128xf32, #tpu.memory_space<vmem_shared>> -> memref<10008x128xf32, #tpu.memory_space<vmem_shared>>
        tpu.wait_indirect_dma semaphore(%arg25 : memref<!tpu.dma_semaphore, #tpu.memory_space<semaphore_mem>>) src(%dma_wait3A_574 : memref<40x128xf32, #tpu.memory_space<vmem>>) dst(%dma_wait3A_580 : memref<10008x128xf32, #tpu.memory_space<vmem_shared>>)
      } else {
      }
      %add3A_331 = arith.constant 2 : i32
      %add3A_332 = arith.addi %mul3A_186, %add3A_331 : i32
      %add3A_333 = arith.constant 4 : i32
      %add3A_334 = arith.addi %add3A_332, %add3A_333 : i32
      %dma_start3A_335 = arith.constant 6 : i32
      %dma_start3A_336 = arith.constant 0 : i32
      %dma_start3A_337 = arith.constant 0 : i32
      %dma_start3A_338 = tpu.memref_slice %arg9[%dma_start3A_335, %dma_start3A_336, %dma_start3A_337] : memref<8x40x128xf32, #tpu.memory_space<vmem>> -> memref<1x40x128xf32, #tpu.memory_space<vmem>>
      %dma_start3A_339 = tpu.memref_squeeze %dma_start3A_338 : memref<1x40x128xf32, #tpu.memory_space<vmem>> -> memref<40x128xf32, #tpu.memory_space<vmem>>
      %dma_start3A_340 = arith.constant 0 : i32
      %dma_start3A_341 = tpu.memref_slice %arg7[%add3A_334, %dma_start3A_340] : memref<16x40xi32, #tpu.memory_space<vmem>> -> memref<1x40xi32, #tpu.memory_space<vmem>>
      %dma_start3A_342 = tpu.memref_squeeze %dma_start3A_341 : memref<1x40xi32, #tpu.memory_space<vmem>> -> memref<40xi32, #tpu.memory_space<vmem>>
      %dma_start3A_343 = arith.constant 0 : i32
      %dma_start3A_344 = arith.constant 0 : i32
      %dma_start3A_345 = tpu.memref_slice %arg2[%dma_start3A_343, %dma_start3A_344] : memref<80000x128xf32, #tpu.memory_space<hbm>> -> memref<80000x128xf32, #tpu.memory_space<hbm>>
      tpu.enqueue_indirect_dma source(%dma_start3A_345 : memref<80000x128xf32, #tpu.memory_space<hbm>>) target(%dma_start3A_339 : memref<40x128xf32, #tpu.memory_space<vmem>>) offsets(%dma_start3A_342 : memref<40xi32, #tpu.memory_space<vmem>>) semaphore(%arg17 : memref<!tpu.dma_semaphore, #tpu.memory_space<semaphore_mem>>)
      %dma_wait3A_346 = arith.constant 0 : i32
      %dma_wait3A_347 = arith.constant 0 : i32
      %dma_wait3A_348 = arith.constant 0 : i32
      %dma_wait3A_349 = arith.constant 0 : i32
      %dma_wait3A_350 = tpu.memref_slice %arg9[%dma_wait3A_347, %dma_wait3A_348, %dma_wait3A_349] : memref<8x40x128xf32, #tpu.memory_space<vmem>> -> memref<1x40x128xf32, #tpu.memory_space<vmem>>
      %dma_wait3A_351 = tpu.memref_squeeze %dma_wait3A_350 : memref<1x40x128xf32, #tpu.memory_space<vmem>> -> memref<40x128xf32, #tpu.memory_space<vmem>>
      %dma_wait3A_352 = arith.constant 0 : i32
      %dma_wait3A_353 = tpu.memref_slice %arg7[%dma_wait3A_346, %dma_wait3A_352] : memref<16x40xi32, #tpu.memory_space<vmem>> -> memref<1x40xi32, #tpu.memory_space<vmem>>
      %dma_wait3A_354 = tpu.memref_squeeze %dma_wait3A_353 : memref<1x40xi32, #tpu.memory_space<vmem>> -> memref<40xi32, #tpu.memory_space<vmem>>
      %dma_wait3A_355 = arith.constant 0 : i32
      %dma_wait3A_356 = arith.constant 0 : i32
      %dma_wait3A_357 = tpu.memref_slice %arg2[%dma_wait3A_355, %dma_wait3A_356] : memref<80000x128xf32, #tpu.memory_space<hbm>> -> memref<80000x128xf32, #tpu.memory_space<hbm>>
      tpu.wait_indirect_dma semaphore(%arg14 : memref<!tpu.dma_semaphore, #tpu.memory_space<semaphore_mem>>) src(%dma_wait3A_357 : memref<80000x128xf32, #tpu.memory_space<hbm>>) dst(%dma_wait3A_351 : memref<40x128xf32, #tpu.memory_space<vmem>>)
      %add3A_358 = arith.constant 3 : i32
      %add3A_359 = arith.addi %mul3A_186, %add3A_358 : i32
      %dma_start3A_360 = arith.constant 3 : i32
      %dma_start3A_361 = arith.constant 0 : i32
      %dma_start3A_362 = arith.constant 0 : i32
      %dma_start3A_363 = tpu.memref_slice %arg9[%dma_start3A_360, %dma_start3A_361, %dma_start3A_362] : memref<8x40x128xf32, #tpu.memory_space<vmem>> -> memref<1x40x128xf32, #tpu.memory_space<vmem>>
      %dma_start3A_364 = tpu.memref_squeeze %dma_start3A_363 : memref<1x40x128xf32, #tpu.memory_space<vmem>> -> memref<40x128xf32, #tpu.memory_space<vmem>>
      %dma_start3A_365 = arith.constant 0 : i32
      %dma_start3A_366 = tpu.memref_slice %arg8[%add3A_359, %dma_start3A_365] : memref<16x40xi32, #tpu.memory_space<vmem>> -> memref<1x40xi32, #tpu.memory_space<vmem>>
      %dma_start3A_367 = tpu.memref_squeeze %dma_start3A_366 : memref<1x40xi32, #tpu.memory_space<vmem>> -> memref<40xi32, #tpu.memory_space<vmem>>
      %dma_start3A_368 = arith.constant 0 : i32
      %dma_start3A_369 = arith.constant 0 : i32
      %dma_start3A_370 = tpu.memref_slice %arg10[%dma_start3A_368, %dma_start3A_369] : memref<10008x128xf32, #tpu.memory_space<vmem_shared>> -> memref<10008x128xf32, #tpu.memory_space<vmem_shared>>
      tpu.enqueue_indirect_dma source(%dma_start3A_364 : memref<40x128xf32, #tpu.memory_space<vmem>>) target(%dma_start3A_370 : memref<10008x128xf32, #tpu.memory_space<vmem_shared>>) offsets(%dma_start3A_367 : memref<40xi32, #tpu.memory_space<vmem>>) semaphore(%arg22 : memref<!tpu.dma_semaphore, #tpu.memory_space<semaphore_mem>>) {add = true}
      %gt3A_371 = arith.constant 0 : i32
      %gt3A_372 = arith.cmpi sgt, %scan3A_173, %gt3A_371 : i32
      %convert_element_type3A_373 = arith.extui %gt3A_372 : i1 to i32
      %cond3A_374 = arith.constant 0 : i32
      %cond3A_375 = arith.cmpi ne, %convert_element_type3A_373, %cond3A_374 : i32
      scf.if %cond3A_375 {
        %dma_wait3A_569 = arith.constant 0 : i32
        %dma_wait3A_570 = arith.constant 0 : i32
        %dma_wait3A_571 = arith.constant 0 : i32
        %dma_wait3A_572 = arith.constant 0 : i32
        %dma_wait3A_573 = tpu.memref_slice %arg9[%dma_wait3A_569, %dma_wait3A_571, %dma_wait3A_572] : memref<8x40x128xf32, #tpu.memory_space<vmem>> -> memref<1x40x128xf32, #tpu.memory_space<vmem>>
        %dma_wait3A_574 = tpu.memref_squeeze %dma_wait3A_573 : memref<1x40x128xf32, #tpu.memory_space<vmem>> -> memref<40x128xf32, #tpu.memory_space<vmem>>
        %dma_wait3A_575 = arith.constant 0 : i32
        %dma_wait3A_576 = tpu.memref_slice %arg8[%dma_wait3A_570, %dma_wait3A_575] : memref<16x40xi32, #tpu.memory_space<vmem>> -> memref<1x40xi32, #tpu.memory_space<vmem>>
        %dma_wait3A_577 = tpu.memref_squeeze %dma_wait3A_576 : memref<1x40xi32, #tpu.memory_space<vmem>> -> memref<40xi32, #tpu.memory_space<vmem>>
        %dma_wait3A_578 = arith.constant 0 : i32
        %dma_wait3A_579 = arith.constant 0 : i32
        %dma_wait3A_580 = tpu.memref_slice %arg10[%dma_wait3A_578, %dma_wait3A_579] : memref<10008x128xf32, #tpu.memory_space<vmem_shared>> -> memref<10008x128xf32, #tpu.memory_space<vmem_shared>>
        tpu.wait_indirect_dma semaphore(%arg26 : memref<!tpu.dma_semaphore, #tpu.memory_space<semaphore_mem>>) src(%dma_wait3A_574 : memref<40x128xf32, #tpu.memory_space<vmem>>) dst(%dma_wait3A_580 : memref<10008x128xf32, #tpu.memory_space<vmem_shared>>)
      } else {
      }
      %add3A_376 = arith.constant 3 : i32
      %add3A_377 = arith.addi %mul3A_186, %add3A_376 : i32
      %add3A_378 = arith.constant 4 : i32
      %add3A_379 = arith.addi %add3A_377, %add3A_378 : i32
      %dma_start3A_380 = arith.constant 7 : i32
      %dma_start3A_381 = arith.constant 0 : i32
      %dma_start3A_382 = arith.constant 0 : i32
      %dma_start3A_383 = tpu.memref_slice %arg9[%dma_start3A_380, %dma_start3A_381, %dma_start3A_382] : memref<8x40x128xf32, #tpu.memory_space<vmem>> -> memref<1x40x128xf32, #tpu.memory_space<vmem>>
      %dma_start3A_384 = tpu.memref_squeeze %dma_start3A_383 : memref<1x40x128xf32, #tpu.memory_space<vmem>> -> memref<40x128xf32, #tpu.memory_space<vmem>>
      %dma_start3A_385 = arith.constant 0 : i32
      %dma_start3A_386 = tpu.memref_slice %arg7[%add3A_379, %dma_start3A_385] : memref<16x40xi32, #tpu.memory_space<vmem>> -> memref<1x40xi32, #tpu.memory_space<vmem>>
      %dma_start3A_387 = tpu.memref_squeeze %dma_start3A_386 : memref<1x40xi32, #tpu.memory_space<vmem>> -> memref<40xi32, #tpu.memory_space<vmem>>
      %dma_start3A_388 = arith.constant 0 : i32
      %dma_start3A_389 = arith.constant 0 : i32
      %dma_start3A_390 = tpu.memref_slice %arg2[%dma_start3A_388, %dma_start3A_389] : memref<80000x128xf32, #tpu.memory_space<hbm>> -> memref<80000x128xf32, #tpu.memory_space<hbm>>
      tpu.enqueue_indirect_dma source(%dma_start3A_390 : memref<80000x128xf32, #tpu.memory_space<hbm>>) target(%dma_start3A_384 : memref<40x128xf32, #tpu.memory_space<vmem>>) offsets(%dma_start3A_387 : memref<40xi32, #tpu.memory_space<vmem>>) semaphore(%arg18 : memref<!tpu.dma_semaphore, #tpu.memory_space<semaphore_mem>>)
      %dma_wait3A_391 = arith.constant 0 : i32
      %dma_wait3A_392 = arith.constant 0 : i32
      %dma_wait3A_393 = arith.constant 0 : i32
      %dma_wait3A_394 = arith.constant 0 : i32
      %dma_wait3A_395 = tpu.memref_slice %arg9[%dma_wait3A_392, %dma_wait3A_393, %dma_wait3A_394] : memref<8x40x128xf32, #tpu.memory_space<vmem>> -> memref<1x40x128xf32, #tpu.memory_space<vmem>>
      %dma_wait3A_396 = tpu.memref_squeeze %dma_wait3A_395 : memref<1x40x128xf32, #tpu.memory_space<vmem>> -> memref<40x128xf32, #tpu.memory_space<vmem>>
      %dma_wait3A_397 = arith.constant 0 : i32
      %dma_wait3A_398 = tpu.memref_slice %arg7[%dma_wait3A_391, %dma_wait3A_397] : memref<16x40xi32, #tpu.memory_space<vmem>> -> memref<1x40xi32, #tpu.memory_space<vmem>>
      %dma_wait3A_399 = tpu.memref_squeeze %dma_wait3A_398 : memref<1x40xi32, #tpu.memory_space<vmem>> -> memref<40xi32, #tpu.memory_space<vmem>>
      %dma_wait3A_400 = arith.constant 0 : i32
      %dma_wait3A_401 = arith.constant 0 : i32
      %dma_wait3A_402 = tpu.memref_slice %arg2[%dma_wait3A_400, %dma_wait3A_401] : memref<80000x128xf32, #tpu.memory_space<hbm>> -> memref<80000x128xf32, #tpu.memory_space<hbm>>
      tpu.wait_indirect_dma semaphore(%arg15 : memref<!tpu.dma_semaphore, #tpu.memory_space<semaphore_mem>>) src(%dma_wait3A_402 : memref<80000x128xf32, #tpu.memory_space<hbm>>) dst(%dma_wait3A_396 : memref<40x128xf32, #tpu.memory_space<vmem>>)
      %add3A_403 = arith.constant 4 : i32
      %add3A_404 = arith.addi %mul3A_186, %add3A_403 : i32
      %dma_start3A_405 = arith.constant 4 : i32
      %dma_start3A_406 = arith.constant 0 : i32
      %dma_start3A_407 = arith.constant 0 : i32
      %dma_start3A_408 = tpu.memref_slice %arg9[%dma_start3A_405, %dma_start3A_406, %dma_start3A_407] : memref<8x40x128xf32, #tpu.memory_space<vmem>> -> memref<1x40x128xf32, #tpu.memory_space<vmem>>
      %dma_start3A_409 = tpu.memref_squeeze %dma_start3A_408 : memref<1x40x128xf32, #tpu.memory_space<vmem>> -> memref<40x128xf32, #tpu.memory_space<vmem>>
      %dma_start3A_410 = arith.constant 0 : i32
      %dma_start3A_411 = tpu.memref_slice %arg8[%add3A_404, %dma_start3A_410] : memref<16x40xi32, #tpu.memory_space<vmem>> -> memref<1x40xi32, #tpu.memory_space<vmem>>
      %dma_start3A_412 = tpu.memref_squeeze %dma_start3A_411 : memref<1x40xi32, #tpu.memory_space<vmem>> -> memref<40xi32, #tpu.memory_space<vmem>>
      %dma_start3A_413 = arith.constant 0 : i32
      %dma_start3A_414 = arith.constant 0 : i32
      %dma_start3A_415 = tpu.memref_slice %arg10[%dma_start3A_413, %dma_start3A_414] : memref<10008x128xf32, #tpu.memory_space<vmem_shared>> -> memref<10008x128xf32, #tpu.memory_space<vmem_shared>>
      tpu.enqueue_indirect_dma source(%dma_start3A_409 : memref<40x128xf32, #tpu.memory_space<vmem>>) target(%dma_start3A_415 : memref<10008x128xf32, #tpu.memory_space<vmem_shared>>) offsets(%dma_start3A_412 : memref<40xi32, #tpu.memory_space<vmem>>) semaphore(%arg23 : memref<!tpu.dma_semaphore, #tpu.memory_space<semaphore_mem>>) {add = true}
      %dma_wait3A_416 = arith.constant 0 : i32
      %dma_wait3A_417 = arith.constant 0 : i32
      %dma_wait3A_418 = arith.constant 0 : i32
      %dma_wait3A_419 = arith.constant 0 : i32
      %dma_wait3A_420 = tpu.memref_slice %arg9[%dma_wait3A_416, %dma_wait3A_418, %dma_wait3A_419] : memref<8x40x128xf32, #tpu.memory_space<vmem>> -> memref<1x40x128xf32, #tpu.memory_space<vmem>>
      %dma_wait3A_421 = tpu.memref_squeeze %dma_wait3A_420 : memref<1x40x128xf32, #tpu.memory_space<vmem>> -> memref<40x128xf32, #tpu.memory_space<vmem>>
      %dma_wait3A_422 = arith.constant 0 : i32
      %dma_wait3A_423 = tpu.memref_slice %arg8[%dma_wait3A_417, %dma_wait3A_422] : memref<16x40xi32, #tpu.memory_space<vmem>> -> memref<1x40xi32, #tpu.memory_space<vmem>>
      %dma_wait3A_424 = tpu.memref_squeeze %dma_wait3A_423 : memref<1x40xi32, #tpu.memory_space<vmem>> -> memref<40xi32, #tpu.memory_space<vmem>>
      %dma_wait3A_425 = arith.constant 0 : i32
      %dma_wait3A_426 = arith.constant 0 : i32
      %dma_wait3A_427 = tpu.memref_slice %arg10[%dma_wait3A_425, %dma_wait3A_426] : memref<10008x128xf32, #tpu.memory_space<vmem_shared>> -> memref<10008x128xf32, #tpu.memory_space<vmem_shared>>
      tpu.wait_indirect_dma semaphore(%arg19 : memref<!tpu.dma_semaphore, #tpu.memory_space<semaphore_mem>>) src(%dma_wait3A_421 : memref<40x128xf32, #tpu.memory_space<vmem>>) dst(%dma_wait3A_427 : memref<10008x128xf32, #tpu.memory_space<vmem_shared>>)
      %lt3A_428 = arith.constant 31 : i32
      %lt3A_429 = arith.cmpi slt, %scan3A_173, %lt3A_428 : i32
      %convert_element_type3A_430 = arith.extui %lt3A_429 : i1 to i32
      %cond3A_431 = arith.constant 0 : i32
      %cond3A_432 = arith.cmpi ne, %convert_element_type3A_430, %cond3A_431 : i32
      scf.if %cond3A_432 {
        %add3A_569 = arith.constant 1 : i32
        %add3A_570 = arith.addi %scan3A_173, %add3A_569 : i32
        %mul3A_571 = arith.constant 8 : i32
        %mul3A_572 = arith.muli %add3A_570, %mul3A_571 : i32
        %jit3A_573 = arith.constant 2 : i32
        %eq3A_574 = arith.constant 0 : i32
        %eq3A_575 = arith.cmpi eq, %jit3A_573, %eq3A_574 : i32
        %jit3A_576 = arith.constant 1 : i32
        %select_n3A_577 = arith.select %eq3A_575, %jit3A_576, %jit3A_573 : i32
        %rem3A_578 = arith.remsi %add3A_570, %select_n3A_577 : i32
        %ne3A_579 = arith.constant 0 : i32
        %ne3A_580 = arith.cmpi ne, %rem3A_578, %ne3A_579 : i32
        %lt3A_581 = arith.constant 0 : i32
        %lt3A_582 = arith.cmpi slt, %rem3A_578, %lt3A_581 : i32
        %lt3A_583 = arith.constant 0 : i32
        %lt3A_584 = arith.cmpi slt, %select_n3A_577, %lt3A_583 : i32
        %ne3A_585 = arith.xori %lt3A_582, %lt3A_584 : i1
        %and3A_586 = arith.andi %ne3A_585, %ne3A_580 : i1
        %add3A_587 = arith.addi %rem3A_578, %select_n3A_577 : i32
        %select_n3A_588 = arith.select %and3A_586, %add3A_587, %rem3A_578 : i32
        %mul3A_589 = arith.constant 8 : i32
        %mul3A_590 = arith.muli %select_n3A_588, %mul3A_589 : i32
        %dma_start3A_591 = arith.constant 0 : i32
        %dma_start3A_592 = tpu.memref_slice %arg8[%mul3A_590, %dma_start3A_591] : memref<16x40xi32, #tpu.memory_space<vmem>> -> memref<8x40xi32, #tpu.memory_space<vmem>>
        %dma_start3A_593 = arith.constant 0 : i32
        %dma_start3A_594 = tpu.memref_slice %arg4[%add3A, %mul3A_572, %dma_start3A_593] : memref<32x256x40xi32, #tpu.memory_space<hbm>> -> memref<1x8x40xi32, #tpu.memory_space<hbm>>
        %dma_start3A_595 = tpu.memref_squeeze %dma_start3A_594 : memref<1x8x40xi32, #tpu.memory_space<hbm>> -> memref<8x40xi32, #tpu.memory_space<hbm>>
        %dma_start3A_596 = arith.constant 0 : i32
        %dma_start3A_597 = tpu.memref_slice %arg8[%mul3A_590, %dma_start3A_596] : memref<16x40xi32, #tpu.memory_space<vmem>> -> memref<8x40xi32, #tpu.memory_space<vmem>>
        %dma_start3A_598 = arith.constant 0 : i32
        %dma_start3A_599 = tpu.memref_slice %arg4[%add3A, %mul3A_572, %dma_start3A_598] : memref<32x256x40xi32, #tpu.memory_space<hbm>> -> memref<1x8x40xi32, #tpu.memory_space<hbm>>
        %dma_start3A_600 = tpu.memref_squeeze %dma_start3A_599 : memref<1x8x40xi32, #tpu.memory_space<hbm>> -> memref<8x40xi32, #tpu.memory_space<hbm>>
        tpu.enqueue_dma source(%dma_start3A_600 : memref<8x40xi32, #tpu.memory_space<hbm>>) target(%dma_start3A_597 : memref<8x40xi32, #tpu.memory_space<vmem>>) target_semaphore(%arg28 : memref<!tpu.dma_semaphore, #tpu.memory_space<semaphore_mem>>)
        %dma_wait3A_601 = arith.constant 0 : i32
        %dma_wait3A_602 = arith.constant 0 : i32
        %dma_wait3A_603 = tpu.memref_slice %arg7[%dma_wait3A_601, %dma_wait3A_602] : memref<16x40xi32, #tpu.memory_space<vmem>> -> memref<8x40xi32, #tpu.memory_space<vmem>>
        %dma_wait3A_604 = arith.constant 0 : i32
        %dma_wait3A_605 = arith.constant 0 : i32
        %dma_wait3A_606 = tpu.memref_slice %arg3[%add3A, %dma_wait3A_604, %dma_wait3A_605] : memref<32x256x40xi32, #tpu.memory_space<hbm>> -> memref<1x8x40xi32, #tpu.memory_space<hbm>>
        %dma_wait3A_607 = tpu.memref_squeeze %dma_wait3A_606 : memref<1x8x40xi32, #tpu.memory_space<hbm>> -> memref<8x40xi32, #tpu.memory_space<hbm>>
        %dma_wait3A_608 = arith.constant 0 : i32
        %dma_wait3A_609 = arith.constant 0 : i32
        %dma_wait3A_610 = tpu.memref_slice %arg7[%dma_wait3A_608, %dma_wait3A_609] : memref<16x40xi32, #tpu.memory_space<vmem>> -> memref<8x40xi32, #tpu.memory_space<vmem>>
        %dma_wait3A_611 = arith.constant 0 : i32
        %dma_wait3A_612 = arith.constant 0 : i32
        %dma_wait3A_613 = tpu.memref_slice %arg3[%add3A, %dma_wait3A_611, %dma_wait3A_612] : memref<32x256x40xi32, #tpu.memory_space<hbm>> -> memref<1x8x40xi32, #tpu.memory_space<hbm>>
        %dma_wait3A_614 = tpu.memref_squeeze %dma_wait3A_613 : memref<1x8x40xi32, #tpu.memory_space<hbm>> -> memref<8x40xi32, #tpu.memory_space<hbm>>
        tpu.wait_dma2 semaphore(%arg27 : memref<!tpu.dma_semaphore, #tpu.memory_space<semaphore_mem>>) src(%dma_wait3A_614 : memref<8x40xi32, #tpu.memory_space<hbm>>) dst(%dma_wait3A_610 : memref<8x40xi32, #tpu.memory_space<vmem>>)
      } else {
      }
      %lt3A_433 = arith.constant 31 : i32
      %lt3A_434 = arith.cmpi slt, %scan3A_173, %lt3A_433 : i32
      %convert_element_type3A_435 = arith.extui %lt3A_434 : i1 to i32
      %cond3A_436 = arith.constant 0 : i32
      %cond3A_437 = arith.cmpi ne, %convert_element_type3A_435, %cond3A_436 : i32
      scf.if %cond3A_437 {
        %add3A_569 = arith.constant 4 : i32
        %add3A_570 = arith.addi %mul3A_206, %add3A_569 : i32
        %sub3A = arith.constant 4 : i32
        %sub3A_571 = arith.subi %add3A_570, %sub3A : i32
        %dma_start3A_572 = arith.constant 0 : i32
        %dma_start3A_573 = arith.constant 0 : i32
        %dma_start3A_574 = arith.constant 0 : i32
        %dma_start3A_575 = tpu.memref_slice %arg9[%dma_start3A_572, %dma_start3A_573, %dma_start3A_574] : memref<8x40x128xf32, #tpu.memory_space<vmem>> -> memref<1x40x128xf32, #tpu.memory_space<vmem>>
        %dma_start3A_576 = tpu.memref_squeeze %dma_start3A_575 : memref<1x40x128xf32, #tpu.memory_space<vmem>> -> memref<40x128xf32, #tpu.memory_space<vmem>>
        %dma_start3A_577 = arith.constant 0 : i32
        %dma_start3A_578 = tpu.memref_slice %arg7[%sub3A_571, %dma_start3A_577] : memref<16x40xi32, #tpu.memory_space<vmem>> -> memref<1x40xi32, #tpu.memory_space<vmem>>
        %dma_start3A_579 = tpu.memref_squeeze %dma_start3A_578 : memref<1x40xi32, #tpu.memory_space<vmem>> -> memref<40xi32, #tpu.memory_space<vmem>>
        %dma_start3A_580 = arith.constant 0 : i32
        %dma_start3A_581 = arith.constant 0 : i32
        %dma_start3A_582 = tpu.memref_slice %arg2[%dma_start3A_580, %dma_start3A_581] : memref<80000x128xf32, #tpu.memory_space<hbm>> -> memref<80000x128xf32, #tpu.memory_space<hbm>>
        tpu.enqueue_indirect_dma source(%dma_start3A_582 : memref<80000x128xf32, #tpu.memory_space<hbm>>) target(%dma_start3A_576 : memref<40x128xf32, #tpu.memory_space<vmem>>) offsets(%dma_start3A_579 : memref<40xi32, #tpu.memory_space<vmem>>) semaphore(%arg11 : memref<!tpu.dma_semaphore, #tpu.memory_space<semaphore_mem>>)
      } else {
      }
      %dma_wait3A_438 = arith.constant 0 : i32
      %dma_wait3A_439 = arith.constant 0 : i32
      %dma_wait3A_440 = arith.constant 0 : i32
      %dma_wait3A_441 = arith.constant 0 : i32
      %dma_wait3A_442 = tpu.memref_slice %arg9[%dma_wait3A_439, %dma_wait3A_440, %dma_wait3A_441] : memref<8x40x128xf32, #tpu.memory_space<vmem>> -> memref<1x40x128xf32, #tpu.memory_space<vmem>>
      %dma_wait3A_443 = tpu.memref_squeeze %dma_wait3A_442 : memref<1x40x128xf32, #tpu.memory_space<vmem>> -> memref<40x128xf32, #tpu.memory_space<vmem>>
      %dma_wait3A_444 = arith.constant 0 : i32
      %dma_wait3A_445 = tpu.memref_slice %arg7[%dma_wait3A_438, %dma_wait3A_444] : memref<16x40xi32, #tpu.memory_space<vmem>> -> memref<1x40xi32, #tpu.memory_space<vmem>>
      %dma_wait3A_446 = tpu.memref_squeeze %dma_wait3A_445 : memref<1x40xi32, #tpu.memory_space<vmem>> -> memref<40xi32, #tpu.memory_space<vmem>>
      %dma_wait3A_447 = arith.constant 0 : i32
      %dma_wait3A_448 = arith.constant 0 : i32
      %dma_wait3A_449 = tpu.memref_slice %arg2[%dma_wait3A_447, %dma_wait3A_448] : memref<80000x128xf32, #tpu.memory_space<hbm>> -> memref<80000x128xf32, #tpu.memory_space<hbm>>
      tpu.wait_indirect_dma semaphore(%arg16 : memref<!tpu.dma_semaphore, #tpu.memory_space<semaphore_mem>>) src(%dma_wait3A_449 : memref<80000x128xf32, #tpu.memory_space<hbm>>) dst(%dma_wait3A_443 : memref<40x128xf32, #tpu.memory_space<vmem>>)
      %add3A_450 = arith.constant 5 : i32
      %add3A_451 = arith.addi %mul3A_186, %add3A_450 : i32
      %dma_start3A_452 = arith.constant 5 : i32
      %dma_start3A_453 = arith.constant 0 : i32
      %dma_start3A_454 = arith.constant 0 : i32
      %dma_start3A_455 = tpu.memref_slice %arg9[%dma_start3A_452, %dma_start3A_453, %dma_start3A_454] : memref<8x40x128xf32, #tpu.memory_space<vmem>> -> memref<1x40x128xf32, #tpu.memory_space<vmem>>
      %dma_start3A_456 = tpu.memref_squeeze %dma_start3A_455 : memref<1x40x128xf32, #tpu.memory_space<vmem>> -> memref<40x128xf32, #tpu.memory_space<vmem>>
      %dma_start3A_457 = arith.constant 0 : i32
      %dma_start3A_458 = tpu.memref_slice %arg8[%add3A_451, %dma_start3A_457] : memref<16x40xi32, #tpu.memory_space<vmem>> -> memref<1x40xi32, #tpu.memory_space<vmem>>
      %dma_start3A_459 = tpu.memref_squeeze %dma_start3A_458 : memref<1x40xi32, #tpu.memory_space<vmem>> -> memref<40xi32, #tpu.memory_space<vmem>>
      %dma_start3A_460 = arith.constant 0 : i32
      %dma_start3A_461 = arith.constant 0 : i32
      %dma_start3A_462 = tpu.memref_slice %arg10[%dma_start3A_460, %dma_start3A_461] : memref<10008x128xf32, #tpu.memory_space<vmem_shared>> -> memref<10008x128xf32, #tpu.memory_space<vmem_shared>>
      tpu.enqueue_indirect_dma source(%dma_start3A_456 : memref<40x128xf32, #tpu.memory_space<vmem>>) target(%dma_start3A_462 : memref<10008x128xf32, #tpu.memory_space<vmem_shared>>) offsets(%dma_start3A_459 : memref<40xi32, #tpu.memory_space<vmem>>) semaphore(%arg24 : memref<!tpu.dma_semaphore, #tpu.memory_space<semaphore_mem>>) {add = true}
      %dma_wait3A_463 = arith.constant 0 : i32
      %dma_wait3A_464 = arith.constant 0 : i32
      %dma_wait3A_465 = arith.constant 0 : i32
      %dma_wait3A_466 = arith.constant 0 : i32
      %dma_wait3A_467 = tpu.memref_slice %arg9[%dma_wait3A_463, %dma_wait3A_465, %dma_wait3A_466] : memref<8x40x128xf32, #tpu.memory_space<vmem>> -> memref<1x40x128xf32, #tpu.memory_space<vmem>>
      %dma_wait3A_468 = tpu.memref_squeeze %dma_wait3A_467 : memref<1x40x128xf32, #tpu.memory_space<vmem>> -> memref<40x128xf32, #tpu.memory_space<vmem>>
      %dma_wait3A_469 = arith.constant 0 : i32
      %dma_wait3A_470 = tpu.memref_slice %arg8[%dma_wait3A_464, %dma_wait3A_469] : memref<16x40xi32, #tpu.memory_space<vmem>> -> memref<1x40xi32, #tpu.memory_space<vmem>>
      %dma_wait3A_471 = tpu.memref_squeeze %dma_wait3A_470 : memref<1x40xi32, #tpu.memory_space<vmem>> -> memref<40xi32, #tpu.memory_space<vmem>>
      %dma_wait3A_472 = arith.constant 0 : i32
      %dma_wait3A_473 = arith.constant 0 : i32
      %dma_wait3A_474 = tpu.memref_slice %arg10[%dma_wait3A_472, %dma_wait3A_473] : memref<10008x128xf32, #tpu.memory_space<vmem_shared>> -> memref<10008x128xf32, #tpu.memory_space<vmem_shared>>
      tpu.wait_indirect_dma semaphore(%arg20 : memref<!tpu.dma_semaphore, #tpu.memory_space<semaphore_mem>>) src(%dma_wait3A_468 : memref<40x128xf32, #tpu.memory_space<vmem>>) dst(%dma_wait3A_474 : memref<10008x128xf32, #tpu.memory_space<vmem_shared>>)
      %lt3A_475 = arith.constant 31 : i32
      %lt3A_476 = arith.cmpi slt, %scan3A_173, %lt3A_475 : i32
      %convert_element_type3A_477 = arith.extui %lt3A_476 : i1 to i32
      %cond3A_478 = arith.constant 0 : i32
      %cond3A_479 = arith.cmpi ne, %convert_element_type3A_477, %cond3A_478 : i32
      scf.if %cond3A_479 {
        %add3A_569 = arith.constant 5 : i32
        %add3A_570 = arith.addi %mul3A_206, %add3A_569 : i32
        %sub3A = arith.constant 4 : i32
        %sub3A_571 = arith.subi %add3A_570, %sub3A : i32
        %dma_start3A_572 = arith.constant 1 : i32
        %dma_start3A_573 = arith.constant 0 : i32
        %dma_start3A_574 = arith.constant 0 : i32
        %dma_start3A_575 = tpu.memref_slice %arg9[%dma_start3A_572, %dma_start3A_573, %dma_start3A_574] : memref<8x40x128xf32, #tpu.memory_space<vmem>> -> memref<1x40x128xf32, #tpu.memory_space<vmem>>
        %dma_start3A_576 = tpu.memref_squeeze %dma_start3A_575 : memref<1x40x128xf32, #tpu.memory_space<vmem>> -> memref<40x128xf32, #tpu.memory_space<vmem>>
        %dma_start3A_577 = arith.constant 0 : i32
        %dma_start3A_578 = tpu.memref_slice %arg7[%sub3A_571, %dma_start3A_577] : memref<16x40xi32, #tpu.memory_space<vmem>> -> memref<1x40xi32, #tpu.memory_space<vmem>>
        %dma_start3A_579 = tpu.memref_squeeze %dma_start3A_578 : memref<1x40xi32, #tpu.memory_space<vmem>> -> memref<40xi32, #tpu.memory_space<vmem>>
        %dma_start3A_580 = arith.constant 0 : i32
        %dma_start3A_581 = arith.constant 0 : i32
        %dma_start3A_582 = tpu.memref_slice %arg2[%dma_start3A_580, %dma_start3A_581] : memref<80000x128xf32, #tpu.memory_space<hbm>> -> memref<80000x128xf32, #tpu.memory_space<hbm>>
        tpu.enqueue_indirect_dma source(%dma_start3A_582 : memref<80000x128xf32, #tpu.memory_space<hbm>>) target(%dma_start3A_576 : memref<40x128xf32, #tpu.memory_space<vmem>>) offsets(%dma_start3A_579 : memref<40xi32, #tpu.memory_space<vmem>>) semaphore(%arg12 : memref<!tpu.dma_semaphore, #tpu.memory_space<semaphore_mem>>)
      } else {
      }
      %dma_wait3A_480 = arith.constant 0 : i32
      %dma_wait3A_481 = arith.constant 0 : i32
      %dma_wait3A_482 = arith.constant 0 : i32
      %dma_wait3A_483 = arith.constant 0 : i32
      %dma_wait3A_484 = tpu.memref_slice %arg9[%dma_wait3A_481, %dma_wait3A_482, %dma_wait3A_483] : memref<8x40x128xf32, #tpu.memory_space<vmem>> -> memref<1x40x128xf32, #tpu.memory_space<vmem>>
      %dma_wait3A_485 = tpu.memref_squeeze %dma_wait3A_484 : memref<1x40x128xf32, #tpu.memory_space<vmem>> -> memref<40x128xf32, #tpu.memory_space<vmem>>
      %dma_wait3A_486 = arith.constant 0 : i32
      %dma_wait3A_487 = tpu.memref_slice %arg7[%dma_wait3A_480, %dma_wait3A_486] : memref<16x40xi32, #tpu.memory_space<vmem>> -> memref<1x40xi32, #tpu.memory_space<vmem>>
      %dma_wait3A_488 = tpu.memref_squeeze %dma_wait3A_487 : memref<1x40xi32, #tpu.memory_space<vmem>> -> memref<40xi32, #tpu.memory_space<vmem>>
      %dma_wait3A_489 = arith.constant 0 : i32
      %dma_wait3A_490 = arith.constant 0 : i32
      %dma_wait3A_491 = tpu.memref_slice %arg2[%dma_wait3A_489, %dma_wait3A_490] : memref<80000x128xf32, #tpu.memory_space<hbm>> -> memref<80000x128xf32, #tpu.memory_space<hbm>>
      tpu.wait_indirect_dma semaphore(%arg17 : memref<!tpu.dma_semaphore, #tpu.memory_space<semaphore_mem>>) src(%dma_wait3A_491 : memref<80000x128xf32, #tpu.memory_space<hbm>>) dst(%dma_wait3A_485 : memref<40x128xf32, #tpu.memory_space<vmem>>)
      %add3A_492 = arith.constant 6 : i32
      %add3A_493 = arith.addi %mul3A_186, %add3A_492 : i32
      %dma_start3A_494 = arith.constant 6 : i32
      %dma_start3A_495 = arith.constant 0 : i32
      %dma_start3A_496 = arith.constant 0 : i32
      %dma_start3A_497 = tpu.memref_slice %arg9[%dma_start3A_494, %dma_start3A_495, %dma_start3A_496] : memref<8x40x128xf32, #tpu.memory_space<vmem>> -> memref<1x40x128xf32, #tpu.memory_space<vmem>>
      %dma_start3A_498 = tpu.memref_squeeze %dma_start3A_497 : memref<1x40x128xf32, #tpu.memory_space<vmem>> -> memref<40x128xf32, #tpu.memory_space<vmem>>
      %dma_start3A_499 = arith.constant 0 : i32
      %dma_start3A_500 = tpu.memref_slice %arg8[%add3A_493, %dma_start3A_499] : memref<16x40xi32, #tpu.memory_space<vmem>> -> memref<1x40xi32, #tpu.memory_space<vmem>>
      %dma_start3A_501 = tpu.memref_squeeze %dma_start3A_500 : memref<1x40xi32, #tpu.memory_space<vmem>> -> memref<40xi32, #tpu.memory_space<vmem>>
      %dma_start3A_502 = arith.constant 0 : i32
      %dma_start3A_503 = arith.constant 0 : i32
      %dma_start3A_504 = tpu.memref_slice %arg10[%dma_start3A_502, %dma_start3A_503] : memref<10008x128xf32, #tpu.memory_space<vmem_shared>> -> memref<10008x128xf32, #tpu.memory_space<vmem_shared>>
      tpu.enqueue_indirect_dma source(%dma_start3A_498 : memref<40x128xf32, #tpu.memory_space<vmem>>) target(%dma_start3A_504 : memref<10008x128xf32, #tpu.memory_space<vmem_shared>>) offsets(%dma_start3A_501 : memref<40xi32, #tpu.memory_space<vmem>>) semaphore(%arg25 : memref<!tpu.dma_semaphore, #tpu.memory_space<semaphore_mem>>) {add = true}
      %dma_wait3A_505 = arith.constant 0 : i32
      %dma_wait3A_506 = arith.constant 0 : i32
      %dma_wait3A_507 = arith.constant 0 : i32
      %dma_wait3A_508 = arith.constant 0 : i32
      %dma_wait3A_509 = tpu.memref_slice %arg9[%dma_wait3A_505, %dma_wait3A_507, %dma_wait3A_508] : memref<8x40x128xf32, #tpu.memory_space<vmem>> -> memref<1x40x128xf32, #tpu.memory_space<vmem>>
      %dma_wait3A_510 = tpu.memref_squeeze %dma_wait3A_509 : memref<1x40x128xf32, #tpu.memory_space<vmem>> -> memref<40x128xf32, #tpu.memory_space<vmem>>
      %dma_wait3A_511 = arith.constant 0 : i32
      %dma_wait3A_512 = tpu.memref_slice %arg8[%dma_wait3A_506, %dma_wait3A_511] : memref<16x40xi32, #tpu.memory_space<vmem>> -> memref<1x40xi32, #tpu.memory_space<vmem>>
      %dma_wait3A_513 = tpu.memref_squeeze %dma_wait3A_512 : memref<1x40xi32, #tpu.memory_space<vmem>> -> memref<40xi32, #tpu.memory_space<vmem>>
      %dma_wait3A_514 = arith.constant 0 : i32
      %dma_wait3A_515 = arith.constant 0 : i32
      %dma_wait3A_516 = tpu.memref_slice %arg10[%dma_wait3A_514, %dma_wait3A_515] : memref<10008x128xf32, #tpu.memory_space<vmem_shared>> -> memref<10008x128xf32, #tpu.memory_space<vmem_shared>>
      tpu.wait_indirect_dma semaphore(%arg21 : memref<!tpu.dma_semaphore, #tpu.memory_space<semaphore_mem>>) src(%dma_wait3A_510 : memref<40x128xf32, #tpu.memory_space<vmem>>) dst(%dma_wait3A_516 : memref<10008x128xf32, #tpu.memory_space<vmem_shared>>)
      %lt3A_517 = arith.constant 31 : i32
      %lt3A_518 = arith.cmpi slt, %scan3A_173, %lt3A_517 : i32
      %convert_element_type3A_519 = arith.extui %lt3A_518 : i1 to i32
      %cond3A_520 = arith.constant 0 : i32
      %cond3A_521 = arith.cmpi ne, %convert_element_type3A_519, %cond3A_520 : i32
      scf.if %cond3A_521 {
        %add3A_569 = arith.constant 6 : i32
        %add3A_570 = arith.addi %mul3A_206, %add3A_569 : i32
        %sub3A = arith.constant 4 : i32
        %sub3A_571 = arith.subi %add3A_570, %sub3A : i32
        %dma_start3A_572 = arith.constant 2 : i32
        %dma_start3A_573 = arith.constant 0 : i32
        %dma_start3A_574 = arith.constant 0 : i32
        %dma_start3A_575 = tpu.memref_slice %arg9[%dma_start3A_572, %dma_start3A_573, %dma_start3A_574] : memref<8x40x128xf32, #tpu.memory_space<vmem>> -> memref<1x40x128xf32, #tpu.memory_space<vmem>>
        %dma_start3A_576 = tpu.memref_squeeze %dma_start3A_575 : memref<1x40x128xf32, #tpu.memory_space<vmem>> -> memref<40x128xf32, #tpu.memory_space<vmem>>
        %dma_start3A_577 = arith.constant 0 : i32
        %dma_start3A_578 = tpu.memref_slice %arg7[%sub3A_571, %dma_start3A_577] : memref<16x40xi32, #tpu.memory_space<vmem>> -> memref<1x40xi32, #tpu.memory_space<vmem>>
        %dma_start3A_579 = tpu.memref_squeeze %dma_start3A_578 : memref<1x40xi32, #tpu.memory_space<vmem>> -> memref<40xi32, #tpu.memory_space<vmem>>
        %dma_start3A_580 = arith.constant 0 : i32
        %dma_start3A_581 = arith.constant 0 : i32
        %dma_start3A_582 = tpu.memref_slice %arg2[%dma_start3A_580, %dma_start3A_581] : memref<80000x128xf32, #tpu.memory_space<hbm>> -> memref<80000x128xf32, #tpu.memory_space<hbm>>
        tpu.enqueue_indirect_dma source(%dma_start3A_582 : memref<80000x128xf32, #tpu.memory_space<hbm>>) target(%dma_start3A_576 : memref<40x128xf32, #tpu.memory_space<vmem>>) offsets(%dma_start3A_579 : memref<40xi32, #tpu.memory_space<vmem>>) semaphore(%arg13 : memref<!tpu.dma_semaphore, #tpu.memory_space<semaphore_mem>>)
      } else {
      }
      %dma_wait3A_522 = arith.constant 0 : i32
      %dma_wait3A_523 = arith.constant 0 : i32
      %dma_wait3A_524 = arith.constant 0 : i32
      %dma_wait3A_525 = arith.constant 0 : i32
      %dma_wait3A_526 = tpu.memref_slice %arg9[%dma_wait3A_523, %dma_wait3A_524, %dma_wait3A_525] : memref<8x40x128xf32, #tpu.memory_space<vmem>> -> memref<1x40x128xf32, #tpu.memory_space<vmem>>
      %dma_wait3A_527 = tpu.memref_squeeze %dma_wait3A_526 : memref<1x40x128xf32, #tpu.memory_space<vmem>> -> memref<40x128xf32, #tpu.memory_space<vmem>>
      %dma_wait3A_528 = arith.constant 0 : i32
      %dma_wait3A_529 = tpu.memref_slice %arg7[%dma_wait3A_522, %dma_wait3A_528] : memref<16x40xi32, #tpu.memory_space<vmem>> -> memref<1x40xi32, #tpu.memory_space<vmem>>
      %dma_wait3A_530 = tpu.memref_squeeze %dma_wait3A_529 : memref<1x40xi32, #tpu.memory_space<vmem>> -> memref<40xi32, #tpu.memory_space<vmem>>
      %dma_wait3A_531 = arith.constant 0 : i32
      %dma_wait3A_532 = arith.constant 0 : i32
      %dma_wait3A_533 = tpu.memref_slice %arg2[%dma_wait3A_531, %dma_wait3A_532] : memref<80000x128xf32, #tpu.memory_space<hbm>> -> memref<80000x128xf32, #tpu.memory_space<hbm>>
      tpu.wait_indirect_dma semaphore(%arg18 : memref<!tpu.dma_semaphore, #tpu.memory_space<semaphore_mem>>) src(%dma_wait3A_533 : memref<80000x128xf32, #tpu.memory_space<hbm>>) dst(%dma_wait3A_527 : memref<40x128xf32, #tpu.memory_space<vmem>>)
      %add3A_534 = arith.constant 7 : i32
      %add3A_535 = arith.addi %mul3A_186, %add3A_534 : i32
      %dma_start3A_536 = arith.constant 7 : i32
      %dma_start3A_537 = arith.constant 0 : i32
      %dma_start3A_538 = arith.constant 0 : i32
      %dma_start3A_539 = tpu.memref_slice %arg9[%dma_start3A_536, %dma_start3A_537, %dma_start3A_538] : memref<8x40x128xf32, #tpu.memory_space<vmem>> -> memref<1x40x128xf32, #tpu.memory_space<vmem>>
      %dma_start3A_540 = tpu.memref_squeeze %dma_start3A_539 : memref<1x40x128xf32, #tpu.memory_space<vmem>> -> memref<40x128xf32, #tpu.memory_space<vmem>>
      %dma_start3A_541 = arith.constant 0 : i32
      %dma_start3A_542 = tpu.memref_slice %arg8[%add3A_535, %dma_start3A_541] : memref<16x40xi32, #tpu.memory_space<vmem>> -> memref<1x40xi32, #tpu.memory_space<vmem>>
      %dma_start3A_543 = tpu.memref_squeeze %dma_start3A_542 : memref<1x40xi32, #tpu.memory_space<vmem>> -> memref<40xi32, #tpu.memory_space<vmem>>
      %dma_start3A_544 = arith.constant 0 : i32
      %dma_start3A_545 = arith.constant 0 : i32
      %dma_start3A_546 = tpu.memref_slice %arg10[%dma_start3A_544, %dma_start3A_545] : memref<10008x128xf32, #tpu.memory_space<vmem_shared>> -> memref<10008x128xf32, #tpu.memory_space<vmem_shared>>
      tpu.enqueue_indirect_dma source(%dma_start3A_540 : memref<40x128xf32, #tpu.memory_space<vmem>>) target(%dma_start3A_546 : memref<10008x128xf32, #tpu.memory_space<vmem_shared>>) offsets(%dma_start3A_543 : memref<40xi32, #tpu.memory_space<vmem>>) semaphore(%arg26 : memref<!tpu.dma_semaphore, #tpu.memory_space<semaphore_mem>>) {add = true}
      %dma_wait3A_547 = arith.constant 0 : i32
      %dma_wait3A_548 = arith.constant 0 : i32
      %dma_wait3A_549 = arith.constant 0 : i32
      %dma_wait3A_550 = arith.constant 0 : i32
      %dma_wait3A_551 = tpu.memref_slice %arg9[%dma_wait3A_547, %dma_wait3A_549, %dma_wait3A_550] : memref<8x40x128xf32, #tpu.memory_space<vmem>> -> memref<1x40x128xf32, #tpu.memory_space<vmem>>
      %dma_wait3A_552 = tpu.memref_squeeze %dma_wait3A_551 : memref<1x40x128xf32, #tpu.memory_space<vmem>> -> memref<40x128xf32, #tpu.memory_space<vmem>>
      %dma_wait3A_553 = arith.constant 0 : i32
      %dma_wait3A_554 = tpu.memref_slice %arg8[%dma_wait3A_548, %dma_wait3A_553] : memref<16x40xi32, #tpu.memory_space<vmem>> -> memref<1x40xi32, #tpu.memory_space<vmem>>
      %dma_wait3A_555 = tpu.memref_squeeze %dma_wait3A_554 : memref<1x40xi32, #tpu.memory_space<vmem>> -> memref<40xi32, #tpu.memory_space<vmem>>
      %dma_wait3A_556 = arith.constant 0 : i32
      %dma_wait3A_557 = arith.constant 0 : i32
      %dma_wait3A_558 = tpu.memref_slice %arg10[%dma_wait3A_556, %dma_wait3A_557] : memref<10008x128xf32, #tpu.memory_space<vmem_shared>> -> memref<10008x128xf32, #tpu.memory_space<vmem_shared>>
      tpu.wait_indirect_dma semaphore(%arg22 : memref<!tpu.dma_semaphore, #tpu.memory_space<semaphore_mem>>) src(%dma_wait3A_552 : memref<40x128xf32, #tpu.memory_space<vmem>>) dst(%dma_wait3A_558 : memref<10008x128xf32, #tpu.memory_space<vmem_shared>>)
      %lt3A_559 = arith.constant 31 : i32
      %lt3A_560 = arith.cmpi slt, %scan3A_173, %lt3A_559 : i32
      %convert_element_type3A_561 = arith.extui %lt3A_560 : i1 to i32
      %cond3A_562 = arith.constant 0 : i32
      %cond3A_563 = arith.cmpi ne, %convert_element_type3A_561, %cond3A_562 : i32
      scf.if %cond3A_563 {
        %add3A_569 = arith.constant 7 : i32
        %add3A_570 = arith.addi %mul3A_206, %add3A_569 : i32
        %sub3A = arith.constant 4 : i32
        %sub3A_571 = arith.subi %add3A_570, %sub3A : i32
        %dma_start3A_572 = arith.constant 3 : i32
        %dma_start3A_573 = arith.constant 0 : i32
        %dma_start3A_574 = arith.constant 0 : i32
        %dma_start3A_575 = tpu.memref_slice %arg9[%dma_start3A_572, %dma_start3A_573, %dma_start3A_574] : memref<8x40x128xf32, #tpu.memory_space<vmem>> -> memref<1x40x128xf32, #tpu.memory_space<vmem>>
        %dma_start3A_576 = tpu.memref_squeeze %dma_start3A_575 : memref<1x40x128xf32, #tpu.memory_space<vmem>> -> memref<40x128xf32, #tpu.memory_space<vmem>>
        %dma_start3A_577 = arith.constant 0 : i32
        %dma_start3A_578 = tpu.memref_slice %arg7[%sub3A_571, %dma_start3A_577] : memref<16x40xi32, #tpu.memory_space<vmem>> -> memref<1x40xi32, #tpu.memory_space<vmem>>
        %dma_start3A_579 = tpu.memref_squeeze %dma_start3A_578 : memref<1x40xi32, #tpu.memory_space<vmem>> -> memref<40xi32, #tpu.memory_space<vmem>>
        %dma_start3A_580 = arith.constant 0 : i32
        %dma_start3A_581 = arith.constant 0 : i32
        %dma_start3A_582 = tpu.memref_slice %arg2[%dma_start3A_580, %dma_start3A_581] : memref<80000x128xf32, #tpu.memory_space<hbm>> -> memref<80000x128xf32, #tpu.memory_space<hbm>>
        tpu.enqueue_indirect_dma source(%dma_start3A_582 : memref<80000x128xf32, #tpu.memory_space<hbm>>) target(%dma_start3A_576 : memref<40x128xf32, #tpu.memory_space<vmem>>) offsets(%dma_start3A_579 : memref<40xi32, #tpu.memory_space<vmem>>) semaphore(%arg14 : memref<!tpu.dma_semaphore, #tpu.memory_space<semaphore_mem>>)
      } else {
      }
      %lt3A_564 = arith.constant 31 : i32
      %lt3A_565 = arith.cmpi slt, %scan3A_173, %lt3A_564 : i32
      %convert_element_type3A_566 = arith.extui %lt3A_565 : i1 to i32
      %cond3A_567 = arith.constant 0 : i32
      %cond3A_568 = arith.cmpi ne, %convert_element_type3A_566, %cond3A_567 : i32
      scf.if %cond3A_568 {
        %dma_wait3A_569 = arith.constant 0 : i32
        %dma_wait3A_570 = arith.constant 0 : i32
        %dma_wait3A_571 = tpu.memref_slice %arg8[%dma_wait3A_569, %dma_wait3A_570] : memref<16x40xi32, #tpu.memory_space<vmem>> -> memref<8x40xi32, #tpu.memory_space<vmem>>
        %dma_wait3A_572 = arith.constant 0 : i32
        %dma_wait3A_573 = arith.constant 0 : i32
        %dma_wait3A_574 = tpu.memref_slice %arg4[%add3A, %dma_wait3A_572, %dma_wait3A_573] : memref<32x256x40xi32, #tpu.memory_space<hbm>> -> memref<1x8x40xi32, #tpu.memory_space<hbm>>
        %dma_wait3A_575 = tpu.memref_squeeze %dma_wait3A_574 : memref<1x8x40xi32, #tpu.memory_space<hbm>> -> memref<8x40xi32, #tpu.memory_space<hbm>>
        %dma_wait3A_576 = arith.constant 0 : i32
        %dma_wait3A_577 = arith.constant 0 : i32
        %dma_wait3A_578 = tpu.memref_slice %arg8[%dma_wait3A_576, %dma_wait3A_577] : memref<16x40xi32, #tpu.memory_space<vmem>> -> memref<8x40xi32, #tpu.memory_space<vmem>>
        %dma_wait3A_579 = arith.constant 0 : i32
        %dma_wait3A_580 = arith.constant 0 : i32
        %dma_wait3A_581 = tpu.memref_slice %arg4[%add3A, %dma_wait3A_579, %dma_wait3A_580] : memref<32x256x40xi32, #tpu.memory_space<hbm>> -> memref<1x8x40xi32, #tpu.memory_space<hbm>>
        %dma_wait3A_582 = tpu.memref_squeeze %dma_wait3A_581 : memref<1x8x40xi32, #tpu.memory_space<hbm>> -> memref<8x40xi32, #tpu.memory_space<hbm>>
        tpu.wait_dma2 semaphore(%arg28 : memref<!tpu.dma_semaphore, #tpu.memory_space<semaphore_mem>>) src(%dma_wait3A_582 : memref<8x40xi32, #tpu.memory_space<hbm>>) dst(%dma_wait3A_578 : memref<8x40xi32, #tpu.memory_space<vmem>>)
      } else {
      }
    }
    %scan3A_113 = arith.constant 32 : i32
    %dma_wait3A_114 = arith.constant 0 : i32
    %dma_wait3A_115 = arith.constant 0 : i32
    %dma_wait3A_116 = arith.constant 0 : i32
    %dma_wait3A_117 = arith.constant 0 : i32
    %dma_wait3A_118 = tpu.memref_slice %arg9[%dma_wait3A_114, %dma_wait3A_116, %dma_wait3A_117] : memref<8x40x128xf32, #tpu.memory_space<vmem>> -> memref<1x40x128xf32, #tpu.memory_space<vmem>>
    %dma_wait3A_119 = tpu.memref_squeeze %dma_wait3A_118 : memref<1x40x128xf32, #tpu.memory_space<vmem>> -> memref<40x128xf32, #tpu.memory_space<vmem>>
    %dma_wait3A_120 = arith.constant 0 : i32
    %dma_wait3A_121 = tpu.memref_slice %arg8[%dma_wait3A_115, %dma_wait3A_120] : memref<16x40xi32, #tpu.memory_space<vmem>> -> memref<1x40xi32, #tpu.memory_space<vmem>>
    %dma_wait3A_122 = tpu.memref_squeeze %dma_wait3A_121 : memref<1x40xi32, #tpu.memory_space<vmem>> -> memref<40xi32, #tpu.memory_space<vmem>>
    %dma_wait3A_123 = arith.constant 0 : i32
    %dma_wait3A_124 = arith.constant 0 : i32
    %dma_wait3A_125 = tpu.memref_slice %arg10[%dma_wait3A_123, %dma_wait3A_124] : memref<10008x128xf32, #tpu.memory_space<vmem_shared>> -> memref<10008x128xf32, #tpu.memory_space<vmem_shared>>
    tpu.wait_indirect_dma semaphore(%arg23 : memref<!tpu.dma_semaphore, #tpu.memory_space<semaphore_mem>>) src(%dma_wait3A_119 : memref<40x128xf32, #tpu.memory_space<vmem>>) dst(%dma_wait3A_125 : memref<10008x128xf32, #tpu.memory_space<vmem_shared>>)
    %dma_wait3A_126 = arith.constant 0 : i32
    %dma_wait3A_127 = arith.constant 0 : i32
    %dma_wait3A_128 = arith.constant 0 : i32
    %dma_wait3A_129 = arith.constant 0 : i32
    %dma_wait3A_130 = tpu.memref_slice %arg9[%dma_wait3A_126, %dma_wait3A_128, %dma_wait3A_129] : memref<8x40x128xf32, #tpu.memory_space<vmem>> -> memref<1x40x128xf32, #tpu.memory_space<vmem>>
    %dma_wait3A_131 = tpu.memref_squeeze %dma_wait3A_130 : memref<1x40x128xf32, #tpu.memory_space<vmem>> -> memref<40x128xf32, #tpu.memory_space<vmem>>
    %dma_wait3A_132 = arith.constant 0 : i32
    %dma_wait3A_133 = tpu.memref_slice %arg8[%dma_wait3A_127, %dma_wait3A_132] : memref<16x40xi32, #tpu.memory_space<vmem>> -> memref<1x40xi32, #tpu.memory_space<vmem>>
    %dma_wait3A_134 = tpu.memref_squeeze %dma_wait3A_133 : memref<1x40xi32, #tpu.memory_space<vmem>> -> memref<40xi32, #tpu.memory_space<vmem>>
    %dma_wait3A_135 = arith.constant 0 : i32
    %dma_wait3A_136 = arith.constant 0 : i32
    %dma_wait3A_137 = tpu.memref_slice %arg10[%dma_wait3A_135, %dma_wait3A_136] : memref<10008x128xf32, #tpu.memory_space<vmem_shared>> -> memref<10008x128xf32, #tpu.memory_space<vmem_shared>>
    tpu.wait_indirect_dma semaphore(%arg24 : memref<!tpu.dma_semaphore, #tpu.memory_space<semaphore_mem>>) src(%dma_wait3A_131 : memref<40x128xf32, #tpu.memory_space<vmem>>) dst(%dma_wait3A_137 : memref<10008x128xf32, #tpu.memory_space<vmem_shared>>)
    %dma_wait3A_138 = arith.constant 0 : i32
    %dma_wait3A_139 = arith.constant 0 : i32
    %dma_wait3A_140 = arith.constant 0 : i32
    %dma_wait3A_141 = arith.constant 0 : i32
    %dma_wait3A_142 = tpu.memref_slice %arg9[%dma_wait3A_138, %dma_wait3A_140, %dma_wait3A_141] : memref<8x40x128xf32, #tpu.memory_space<vmem>> -> memref<1x40x128xf32, #tpu.memory_space<vmem>>
    %dma_wait3A_143 = tpu.memref_squeeze %dma_wait3A_142 : memref<1x40x128xf32, #tpu.memory_space<vmem>> -> memref<40x128xf32, #tpu.memory_space<vmem>>
    %dma_wait3A_144 = arith.constant 0 : i32
    %dma_wait3A_145 = tpu.memref_slice %arg8[%dma_wait3A_139, %dma_wait3A_144] : memref<16x40xi32, #tpu.memory_space<vmem>> -> memref<1x40xi32, #tpu.memory_space<vmem>>
    %dma_wait3A_146 = tpu.memref_squeeze %dma_wait3A_145 : memref<1x40xi32, #tpu.memory_space<vmem>> -> memref<40xi32, #tpu.memory_space<vmem>>
    %dma_wait3A_147 = arith.constant 0 : i32
    %dma_wait3A_148 = arith.constant 0 : i32
    %dma_wait3A_149 = tpu.memref_slice %arg10[%dma_wait3A_147, %dma_wait3A_148] : memref<10008x128xf32, #tpu.memory_space<vmem_shared>> -> memref<10008x128xf32, #tpu.memory_space<vmem_shared>>
    tpu.wait_indirect_dma semaphore(%arg25 : memref<!tpu.dma_semaphore, #tpu.memory_space<semaphore_mem>>) src(%dma_wait3A_143 : memref<40x128xf32, #tpu.memory_space<vmem>>) dst(%dma_wait3A_149 : memref<10008x128xf32, #tpu.memory_space<vmem_shared>>)
    %dma_wait3A_150 = arith.constant 0 : i32
    %dma_wait3A_151 = arith.constant 0 : i32
    %dma_wait3A_152 = arith.constant 0 : i32
    %dma_wait3A_153 = arith.constant 0 : i32
    %dma_wait3A_154 = tpu.memref_slice %arg9[%dma_wait3A_150, %dma_wait3A_152, %dma_wait3A_153] : memref<8x40x128xf32, #tpu.memory_space<vmem>> -> memref<1x40x128xf32, #tpu.memory_space<vmem>>
    %dma_wait3A_155 = tpu.memref_squeeze %dma_wait3A_154 : memref<1x40x128xf32, #tpu.memory_space<vmem>> -> memref<40x128xf32, #tpu.memory_space<vmem>>
    %dma_wait3A_156 = arith.constant 0 : i32
    %dma_wait3A_157 = tpu.memref_slice %arg8[%dma_wait3A_151, %dma_wait3A_156] : memref<16x40xi32, #tpu.memory_space<vmem>> -> memref<1x40xi32, #tpu.memory_space<vmem>>
    %dma_wait3A_158 = tpu.memref_squeeze %dma_wait3A_157 : memref<1x40xi32, #tpu.memory_space<vmem>> -> memref<40xi32, #tpu.memory_space<vmem>>
    %dma_wait3A_159 = arith.constant 0 : i32
    %dma_wait3A_160 = arith.constant 0 : i32
    %dma_wait3A_161 = tpu.memref_slice %arg10[%dma_wait3A_159, %dma_wait3A_160] : memref<10008x128xf32, #tpu.memory_space<vmem_shared>> -> memref<10008x128xf32, #tpu.memory_space<vmem_shared>>
    tpu.wait_indirect_dma semaphore(%arg26 : memref<!tpu.dma_semaphore, #tpu.memory_space<semaphore_mem>>) src(%dma_wait3A_155 : memref<40x128xf32, #tpu.memory_space<vmem>>) dst(%dma_wait3A_161 : memref<10008x128xf32, #tpu.memory_space<vmem_shared>>)
    %barrier3A_162 = arith.constant 0 : index
    tpu.barrier barrier_id(%barrier3A_162)
    %lt3A_163 = arith.constant 15 : i32
    %lt3A_164 = arith.cmpi slt, %arg1, %lt3A_163 : i32
    %convert_element_type3A_165 = arith.extui %lt3A_164 : i1 to i32
    %cond3A_166 = arith.constant 0 : i32
    %cond3A_167 = arith.cmpi ne, %convert_element_type3A_165, %cond3A_166 : i32
    scf.if %cond3A_167 {
      %mul3A_173 = arith.constant 632 : i32
      %mul3A_174 = arith.muli %arg1, %mul3A_173 : i32
      %mul3A_175 = arith.constant 10000 : i32
      %mul3A_176 = arith.muli %arg0, %mul3A_175 : i32
      %mul3A_177 = arith.constant 632 : i32
      %mul3A_178 = arith.muli %arg1, %mul3A_177 : i32
      %add3A_179 = arith.addi %mul3A_176, %mul3A_178 : i32
      "tpu.region"() ({
        %run_scoped3A = tpu.sem_alloc : memref<!tpu.dma_semaphore, #tpu.memory_space<semaphore_mem>>
        %dma_start3A_180 = arith.constant 0 : i32
        %dma_start3A_181 = tpu.memref_slice %arg6[%add3A_179, %dma_start3A_180] : memref<20000x128xf32, #tpu.memory_space<hbm>> -> memref<632x128xf32, #tpu.memory_space<hbm>>
        %dma_start3A_182 = arith.constant 0 : i32
        %dma_start3A_183 = tpu.memref_slice %arg10[%mul3A_174, %dma_start3A_182] : memref<10008x128xf32, #tpu.memory_space<vmem_shared>> -> memref<632x128xf32, #tpu.memory_space<vmem_shared>>
        tpu.enqueue_dma source(%dma_start3A_183 : memref<632x128xf32, #tpu.memory_space<vmem_shared>>) target(%dma_start3A_181 : memref<632x128xf32, #tpu.memory_space<hbm>>) target_semaphore(%run_scoped3A : memref<!tpu.dma_semaphore, #tpu.memory_space<semaphore_mem>>)
        %dma_wait3A_184 = arith.constant 0 : i32
        %dma_wait3A_185 = tpu.memref_slice %arg6[%add3A_179, %dma_wait3A_184] : memref<20000x128xf32, #tpu.memory_space<hbm>> -> memref<632x128xf32, #tpu.memory_space<hbm>>
        %dma_wait3A_186 = arith.constant 0 : i32
        %dma_wait3A_187 = tpu.memref_slice %arg10[%mul3A_174, %dma_wait3A_186] : memref<10008x128xf32, #tpu.memory_space<vmem_shared>> -> memref<632x128xf32, #tpu.memory_space<vmem_shared>>
        tpu.wait_dma2 semaphore(%run_scoped3A : memref<!tpu.dma_semaphore, #tpu.memory_space<semaphore_mem>>) src(%dma_wait3A_187 : memref<632x128xf32, #tpu.memory_space<vmem_shared>>) dst(%dma_wait3A_185 : memref<632x128xf32, #tpu.memory_space<hbm>>)
        tpu.yield
      }) : () -> ()
    } else {
    }
    %eq3A_168 = arith.constant 15 : i32
    %eq3A_169 = arith.cmpi eq, %arg1, %eq3A_168 : i32
    %convert_element_type3A_170 = arith.extui %eq3A_169 : i1 to i32
    %cond3A_171 = arith.constant 0 : i32
    %cond3A_172 = arith.cmpi ne, %convert_element_type3A_170, %cond3A_171 : i32
    scf.if %cond3A_172 {
      %mul3A_173 = arith.constant 10000 : i32
      %mul3A_174 = arith.muli %arg0, %mul3A_173 : i32
      %add3A_175 = arith.constant 9480 : i32
      %add3A_176 = arith.addi %mul3A_174, %add3A_175 : i32
      "tpu.region"() ({
        %run_scoped3A = tpu.sem_alloc : memref<!tpu.dma_semaphore, #tpu.memory_space<semaphore_mem>>
        %dma_start3A_177 = arith.constant 0 : i32
        %dma_start3A_178 = tpu.memref_slice %arg6[%add3A_176, %dma_start3A_177] : memref<20000x128xf32, #tpu.memory_space<hbm>> -> memref<520x128xf32, #tpu.memory_space<hbm>>
        %dma_start3A_179 = arith.constant 9480 : i32
        %dma_start3A_180 = arith.constant 0 : i32
        %dma_start3A_181 = tpu.memref_slice %arg10[%dma_start3A_179, %dma_start3A_180] : memref<10008x128xf32, #tpu.memory_space<vmem_shared>> -> memref<520x128xf32, #tpu.memory_space<vmem_shared>>
        tpu.enqueue_dma source(%dma_start3A_181 : memref<520x128xf32, #tpu.memory_space<vmem_shared>>) target(%dma_start3A_178 : memref<520x128xf32, #tpu.memory_space<hbm>>) target_semaphore(%run_scoped3A : memref<!tpu.dma_semaphore, #tpu.memory_space<semaphore_mem>>)
        %dma_wait3A_182 = arith.constant 0 : i32
        %dma_wait3A_183 = tpu.memref_slice %arg6[%add3A_176, %dma_wait3A_182] : memref<20000x128xf32, #tpu.memory_space<hbm>> -> memref<520x128xf32, #tpu.memory_space<hbm>>
        %dma_wait3A_184 = arith.constant 9480 : i32
        %dma_wait3A_185 = arith.constant 0 : i32
        %dma_wait3A_186 = tpu.memref_slice %arg10[%dma_wait3A_184, %dma_wait3A_185] : memref<10008x128xf32, #tpu.memory_space<vmem_shared>> -> memref<520x128xf32, #tpu.memory_space<vmem_shared>>
        tpu.wait_dma2 semaphore(%run_scoped3A : memref<!tpu.dma_semaphore, #tpu.memory_space<semaphore_mem>>) src(%dma_wait3A_186 : memref<520x128xf32, #tpu.memory_space<vmem_shared>>) dst(%dma_wait3A_183 : memref<520x128xf32, #tpu.memory_space<hbm>>)
        tpu.yield
      }) : () -> ()
    } else {
    }
    return
  }
}

#map = affine_map<(d0, d1) -> (0, 0)>
#map1 = affine_map<(d0, d1) -> (0, 0, 0)>
module attributes {stable_mosaic.version = 14 : i64} {
  func.func @_sc_layer_body(%arg0: i32, %arg1: i32, %arg2: memref<80000x128xf32, #tpu.memory_space<hbm>>, %arg3: memref<32x256x40xi32, #tpu.memory_space<hbm>>, %arg4: memref<32x256x40xi32, #tpu.memory_space<hbm>>, %arg5: memref<10000x128xf32, #tpu.memory_space<hbm>>, %arg6: memref<20000x128xf32, #tpu.memory_space<hbm>>, %arg7: memref<16x40xi32, #tpu.memory_space<vmem>>, %arg8: memref<16x40xi32, #tpu.memory_space<vmem>>, %arg9: memref<8x40x128xf32, #tpu.memory_space<vmem>>, %arg10: memref<10008x128xf32, #tpu.memory_space<vmem_shared>>, %arg11: memref<!tpu.dma_semaphore, #tpu.memory_space<semaphore_mem>>, %arg12: memref<!tpu.dma_semaphore, #tpu.memory_space<semaphore_mem>>, %arg13: memref<!tpu.dma_semaphore, #tpu.memory_space<semaphore_mem>>, %arg14: memref<!tpu.dma_semaphore, #tpu.memory_space<semaphore_mem>>, %arg15: memref<!tpu.dma_semaphore, #tpu.memory_space<semaphore_mem>>, %arg16: memref<!tpu.dma_semaphore, #tpu.memory_space<semaphore_mem>>, %arg17: memref<!tpu.dma_semaphore, #tpu.memory_space<semaphore_mem>>, %arg18: memref<!tpu.dma_semaphore, #tpu.memory_space<semaphore_mem>>, %arg19: memref<!tpu.dma_semaphore, #tpu.memory_space<semaphore_mem>>, %arg20: memref<!tpu.dma_semaphore, #tpu.memory_space<semaphore_mem>>, %arg21: memref<!tpu.dma_semaphore, #tpu.memory_space<semaphore_mem>>, %arg22: memref<!tpu.dma_semaphore, #tpu.memory_space<semaphore_mem>>, %arg23: memref<!tpu.dma_semaphore, #tpu.memory_space<semaphore_mem>>, %arg24: memref<!tpu.dma_semaphore, #tpu.memory_space<semaphore_mem>>, %arg25: memref<!tpu.dma_semaphore, #tpu.memory_space<semaphore_mem>>, %arg26: memref<!tpu.dma_semaphore, #tpu.memory_space<semaphore_mem>>, %arg27: memref<!tpu.dma_semaphore, #tpu.memory_space<semaphore_mem>>, %arg28: memref<!tpu.dma_semaphore, #tpu.memory_space<semaphore_mem>>) attributes {dimension_semantics = [#tpu.dimension_semantics<core_parallel>, #tpu.dimension_semantics<subcore_parallel>], iteration_bounds = array<i64: 2, 16>, scalar_prefetch = 0 : i64, scratch_operands = 22 : i64, tpu.core_type = #tpu.core_type<sc_vector_subcore>, window_params = [{transform_indices = #map}, {transform_indices = #map1}, {transform_indices = #map1}, {transform_indices = #map}, {transform_indices = #map}]} {
    %mul3A = arith.constant 2 : i32
    %mul3A_0 = arith.muli %arg1, %mul3A : i32
    %add3A = arith.addi %mul3A_0, %arg0 : i32
    %lt3A = arith.constant 15 : i32
    %lt3A_1 = arith.cmpi slt, %arg1, %lt3A : i32
    %convert_element_type3A = arith.extui %lt3A_1 : i1 to i32
    %cond3A = arith.constant 0 : i32
    %cond3A_2 = arith.cmpi ne, %convert_element_type3A, %cond3A : i32
    scf.if %cond3A_2 {
      %mul3A_173 = arith.constant 632 : i32
      %mul3A_174 = arith.muli %arg1, %mul3A_173 : i32
      %mul3A_175 = arith.constant 632 : i32
      %mul3A_176 = arith.muli %arg1, %mul3A_175 : i32
      "tpu.region"() ({
        %run_scoped3A = tpu.sem_alloc : memref<!tpu.dma_semaphore, #tpu.memory_space<semaphore_mem>>
        %dma_start3A_177 = arith.constant 0 : i32
        %dma_start3A_178 = tpu.memref_slice %arg10[%mul3A_176, %dma_start3A_177] : memref<10008x128xf32, #tpu.memory_space<vmem_shared>> -> memref<632x128xf32, #tpu.memory_space<vmem_shared>>
        %dma_start3A_179 = arith.constant 0 : i32
        %dma_start3A_180 = tpu.memref_slice %arg5[%mul3A_174, %dma_start3A_179] : memref<10000x128xf32, #tpu.memory_space<hbm>> -> memref<632x128xf32, #tpu.memory_space<hbm>>
        tpu.enqueue_dma source(%dma_start3A_180 : memref<632x128xf32, #tpu.memory_space<hbm>>) target(%dma_start3A_178 : memref<632x128xf32, #tpu.memory_space<vmem_shared>>) target_semaphore(%run_scoped3A : memref<!tpu.dma_semaphore, #tpu.memory_space<semaphore_mem>>)
        %dma_wait3A_181 = arith.constant 0 : i32
        %dma_wait3A_182 = tpu.memref_slice %arg10[%mul3A_176, %dma_wait3A_181] : memref<10008x128xf32, #tpu.memory_space<vmem_shared>> -> memref<632x128xf32, #tpu.memory_space<vmem_shared>>
        %dma_wait3A_183 = arith.constant 0 : i32
        %dma_wait3A_184 = tpu.memref_slice %arg5[%mul3A_174, %dma_wait3A_183] : memref<10000x128xf32, #tpu.memory_space<hbm>> -> memref<632x128xf32, #tpu.memory_space<hbm>>
        tpu.wait_dma2 semaphore(%run_scoped3A : memref<!tpu.dma_semaphore, #tpu.memory_space<semaphore_mem>>) src(%dma_wait3A_184 : memref<632x128xf32, #tpu.memory_space<hbm>>) dst(%dma_wait3A_182 : memref<632x128xf32, #tpu.memory_space<vmem_shared>>)
        tpu.yield
      }) : () -> ()
    } else {
    }
    %eq3A = arith.constant 15 : i32
    %eq3A_3 = arith.cmpi eq, %arg1, %eq3A : i32
    %convert_element_type3A_4 = arith.extui %eq3A_3 : i1 to i32
    %cond3A_5 = arith.constant 0 : i32
    %cond3A_6 = arith.cmpi ne, %convert_element_type3A_4, %cond3A_5 : i32
    scf.if %cond3A_6 {
      "tpu.region"() ({
        %run_scoped3A = tpu.sem_alloc : memref<!tpu.dma_semaphore, #tpu.memory_space<semaphore_mem>>
        %dma_start3A_173 = arith.constant 9480 : i32
        %dma_start3A_174 = arith.constant 0 : i32
        %dma_start3A_175 = tpu.memref_slice %arg10[%dma_start3A_173, %dma_start3A_174] : memref<10008x128xf32, #tpu.memory_space<vmem_shared>> -> memref<520x128xf32, #tpu.memory_space<vmem_shared>>
        %dma_start3A_176 = arith.constant 9480 : i32
        %dma_start3A_177 = arith.constant 0 : i32
        %dma_start3A_178 = tpu.memref_slice %arg5[%dma_start3A_176, %dma_start3A_177] : memref<10000x128xf32, #tpu.memory_space<hbm>> -> memref<520x128xf32, #tpu.memory_space<hbm>>
        tpu.enqueue_dma source(%dma_start3A_178 : memref<520x128xf32, #tpu.memory_space<hbm>>) target(%dma_start3A_175 : memref<520x128xf32, #tpu.memory_space<vmem_shared>>) target_semaphore(%run_scoped3A : memref<!tpu.dma_semaphore, #tpu.memory_space<semaphore_mem>>)
        %dma_wait3A_179 = arith.constant 9480 : i32
        %dma_wait3A_180 = arith.constant 0 : i32
        %dma_wait3A_181 = tpu.memref_slice %arg10[%dma_wait3A_179, %dma_wait3A_180] : memref<10008x128xf32, #tpu.memory_space<vmem_shared>> -> memref<520x128xf32, #tpu.memory_space<vmem_shared>>
        %dma_wait3A_182 = arith.constant 9480 : i32
        %dma_wait3A_183 = arith.constant 0 : i32
        %dma_wait3A_184 = tpu.memref_slice %arg5[%dma_wait3A_182, %dma_wait3A_183] : memref<10000x128xf32, #tpu.memory_space<hbm>> -> memref<520x128xf32, #tpu.memory_space<hbm>>
        tpu.wait_dma2 semaphore(%run_scoped3A : memref<!tpu.dma_semaphore, #tpu.memory_space<semaphore_mem>>) src(%dma_wait3A_184 : memref<520x128xf32, #tpu.memory_space<hbm>>) dst(%dma_wait3A_181 : memref<520x128xf32, #tpu.memory_space<vmem_shared>>)
        tpu.yield
      }) : () -> ()
    } else {
    }
    %dma_start3A = arith.constant 0 : i32
    %dma_start3A_7 = arith.constant 0 : i32
    %dma_start3A_8 = tpu.memref_slice %arg7[%dma_start3A, %dma_start3A_7] : memref<16x40xi32, #tpu.memory_space<vmem>> -> memref<8x40xi32, #tpu.memory_space<vmem>>
    %dma_start3A_9 = arith.constant 0 : i32
    %dma_start3A_10 = arith.constant 0 : i32
    %dma_start3A_11 = tpu.memref_slice %arg3[%add3A, %dma_start3A_9, %dma_start3A_10] : memref<32x256x40xi32, #tpu.memory_space<hbm>> -> memref<1x8x40xi32, #tpu.memory_space<hbm>>
    %dma_start3A_12 = tpu.memref_squeeze %dma_start3A_11 : memref<1x8x40xi32, #tpu.memory_space<hbm>> -> memref<8x40xi32, #tpu.memory_space<hbm>>
    %dma_start3A_13 = arith.constant 0 : i32
    %dma_start3A_14 = arith.constant 0 : i32
    %dma_start3A_15 = tpu.memref_slice %arg7[%dma_start3A_13, %dma_start3A_14] : memref<16x40xi32, #tpu.memory_space<vmem>> -> memref<8x40xi32, #tpu.memory_space<vmem>>
    %dma_start3A_16 = arith.constant 0 : i32
    %dma_start3A_17 = arith.constant 0 : i32
    %dma_start3A_18 = tpu.memref_slice %arg3[%add3A, %dma_start3A_16, %dma_start3A_17] : memref<32x256x40xi32, #tpu.memory_space<hbm>> -> memref<1x8x40xi32, #tpu.memory_space<hbm>>
    %dma_start3A_19 = tpu.memref_squeeze %dma_start3A_18 : memref<1x8x40xi32, #tpu.memory_space<hbm>> -> memref<8x40xi32, #tpu.memory_space<hbm>>
    tpu.enqueue_dma source(%dma_start3A_19 : memref<8x40xi32, #tpu.memory_space<hbm>>) target(%dma_start3A_15 : memref<8x40xi32, #tpu.memory_space<vmem>>) target_semaphore(%arg27 : memref<!tpu.dma_semaphore, #tpu.memory_space<semaphore_mem>>)
    %dma_start3A_20 = arith.constant 0 : i32
    %dma_start3A_21 = arith.constant 0 : i32
    %dma_start3A_22 = tpu.memref_slice %arg8[%dma_start3A_20, %dma_start3A_21] : memref<16x40xi32, #tpu.memory_space<vmem>> -> memref<8x40xi32, #tpu.memory_space<vmem>>
    %dma_start3A_23 = arith.constant 0 : i32
    %dma_start3A_24 = arith.constant 0 : i32
    %dma_start3A_25 = tpu.memref_slice %arg4[%add3A, %dma_start3A_23, %dma_start3A_24] : memref<32x256x40xi32, #tpu.memory_space<hbm>> -> memref<1x8x40xi32, #tpu.memory_space<hbm>>
    %dma_start3A_26 = tpu.memref_squeeze %dma_start3A_25 : memref<1x8x40xi32, #tpu.memory_space<hbm>> -> memref<8x40xi32, #tpu.memory_space<hbm>>
    %dma_start3A_27 = arith.constant 0 : i32
    %dma_start3A_28 = arith.constant 0 : i32
    %dma_start3A_29 = tpu.memref_slice %arg8[%dma_start3A_27, %dma_start3A_28] : memref<16x40xi32, #tpu.memory_space<vmem>> -> memref<8x40xi32, #tpu.memory_space<vmem>>
    %dma_start3A_30 = arith.constant 0 : i32
    %dma_start3A_31 = arith.constant 0 : i32
    %dma_start3A_32 = tpu.memref_slice %arg4[%add3A, %dma_start3A_30, %dma_start3A_31] : memref<32x256x40xi32, #tpu.memory_space<hbm>> -> memref<1x8x40xi32, #tpu.memory_space<hbm>>
    %dma_start3A_33 = tpu.memref_squeeze %dma_start3A_32 : memref<1x8x40xi32, #tpu.memory_space<hbm>> -> memref<8x40xi32, #tpu.memory_space<hbm>>
    tpu.enqueue_dma source(%dma_start3A_33 : memref<8x40xi32, #tpu.memory_space<hbm>>) target(%dma_start3A_29 : memref<8x40xi32, #tpu.memory_space<vmem>>) target_semaphore(%arg28 : memref<!tpu.dma_semaphore, #tpu.memory_space<semaphore_mem>>)
    %dma_wait3A = arith.constant 0 : i32
    %dma_wait3A_34 = arith.constant 0 : i32
    %dma_wait3A_35 = tpu.memref_slice %arg7[%dma_wait3A, %dma_wait3A_34] : memref<16x40xi32, #tpu.memory_space<vmem>> -> memref<8x40xi32, #tpu.memory_space<vmem>>
    %dma_wait3A_36 = arith.constant 0 : i32
    %dma_wait3A_37 = arith.constant 0 : i32
    %dma_wait3A_38 = tpu.memref_slice %arg3[%add3A, %dma_wait3A_36, %dma_wait3A_37] : memref<32x256x40xi32, #tpu.memory_space<hbm>> -> memref<1x8x40xi32, #tpu.memory_space<hbm>>
    %dma_wait3A_39 = tpu.memref_squeeze %dma_wait3A_38 : memref<1x8x40xi32, #tpu.memory_space<hbm>> -> memref<8x40xi32, #tpu.memory_space<hbm>>
    %dma_wait3A_40 = arith.constant 0 : i32
    %dma_wait3A_41 = arith.constant 0 : i32
    %dma_wait3A_42 = tpu.memref_slice %arg7[%dma_wait3A_40, %dma_wait3A_41] : memref<16x40xi32, #tpu.memory_space<vmem>> -> memref<8x40xi32, #tpu.memory_space<vmem>>
    %dma_wait3A_43 = arith.constant 0 : i32
    %dma_wait3A_44 = arith.constant 0 : i32
    %dma_wait3A_45 = tpu.memref_slice %arg3[%add3A, %dma_wait3A_43, %dma_wait3A_44] : memref<32x256x40xi32, #tpu.memory_space<hbm>> -> memref<1x8x40xi32, #tpu.memory_space<hbm>>
    %dma_wait3A_46 = tpu.memref_squeeze %dma_wait3A_45 : memref<1x8x40xi32, #tpu.memory_space<hbm>> -> memref<8x40xi32, #tpu.memory_space<hbm>>
    tpu.wait_dma2 semaphore(%arg27 : memref<!tpu.dma_semaphore, #tpu.memory_space<semaphore_mem>>) src(%dma_wait3A_46 : memref<8x40xi32, #tpu.memory_space<hbm>>) dst(%dma_wait3A_42 : memref<8x40xi32, #tpu.memory_space<vmem>>)
    %dma_wait3A_47 = arith.constant 0 : i32
    %dma_wait3A_48 = arith.constant 0 : i32
    %dma_wait3A_49 = tpu.memref_slice %arg8[%dma_wait3A_47, %dma_wait3A_48] : memref<16x40xi32, #tpu.memory_space<vmem>> -> memref<8x40xi32, #tpu.memory_space<vmem>>
    %dma_wait3A_50 = arith.constant 0 : i32
    %dma_wait3A_51 = arith.constant 0 : i32
    %dma_wait3A_52 = tpu.memref_slice %arg4[%add3A, %dma_wait3A_50, %dma_wait3A_51] : memref<32x256x40xi32, #tpu.memory_space<hbm>> -> memref<1x8x40xi32, #tpu.memory_space<hbm>>
    %dma_wait3A_53 = tpu.memref_squeeze %dma_wait3A_52 : memref<1x8x40xi32, #tpu.memory_space<hbm>> -> memref<8x40xi32, #tpu.memory_space<hbm>>
    %dma_wait3A_54 = arith.constant 0 : i32
    %dma_wait3A_55 = arith.constant 0 : i32
    %dma_wait3A_56 = tpu.memref_slice %arg8[%dma_wait3A_54, %dma_wait3A_55] : memref<16x40xi32, #tpu.memory_space<vmem>> -> memref<8x40xi32, #tpu.memory_space<vmem>>
    %dma_wait3A_57 = arith.constant 0 : i32
    %dma_wait3A_58 = arith.constant 0 : i32
    %dma_wait3A_59 = tpu.memref_slice %arg4[%add3A, %dma_wait3A_57, %dma_wait3A_58] : memref<32x256x40xi32, #tpu.memory_space<hbm>> -> memref<1x8x40xi32, #tpu.memory_space<hbm>>
    %dma_wait3A_60 = tpu.memref_squeeze %dma_wait3A_59 : memref<1x8x40xi32, #tpu.memory_space<hbm>> -> memref<8x40xi32, #tpu.memory_space<hbm>>
    tpu.wait_dma2 semaphore(%arg28 : memref<!tpu.dma_semaphore, #tpu.memory_space<semaphore_mem>>) src(%dma_wait3A_60 : memref<8x40xi32, #tpu.memory_space<hbm>>) dst(%dma_wait3A_56 : memref<8x40xi32, #tpu.memory_space<vmem>>)
    %barrier3A = arith.constant 0 : index
    tpu.barrier barrier_id(%barrier3A)
    %dma_start3A_61 = arith.constant 0 : i32
    %dma_start3A_62 = arith.constant 0 : i32
    %dma_start3A_63 = arith.constant 0 : i32
    %dma_start3A_64 = arith.constant 0 : i32
    %dma_start3A_65 = tpu.memref_slice %arg9[%dma_start3A_62, %dma_start3A_63, %dma_start3A_64] : memref<8x40x128xf32, #tpu.memory_space<vmem>> -> memref<1x40x128xf32, #tpu.memory_space<vmem>>
    %dma_start3A_66 = tpu.memref_squeeze %dma_start3A_65 : memref<1x40x128xf32, #tpu.memory_space<vmem>> -> memref<40x128xf32, #tpu.memory_space<vmem>>
    %dma_start3A_67 = arith.constant 0 : i32
    %dma_start3A_68 = tpu.memref_slice %arg7[%dma_start3A_61, %dma_start3A_67] : memref<16x40xi32, #tpu.memory_space<vmem>> -> memref<1x40xi32, #tpu.memory_space<vmem>>
    %dma_start3A_69 = tpu.memref_squeeze %dma_start3A_68 : memref<1x40xi32, #tpu.memory_space<vmem>> -> memref<40xi32, #tpu.memory_space<vmem>>
    %dma_start3A_70 = arith.constant 0 : i32
    %dma_start3A_71 = arith.constant 0 : i32
    %dma_start3A_72 = tpu.memref_slice %arg2[%dma_start3A_70, %dma_start3A_71] : memref<80000x128xf32, #tpu.memory_space<hbm>> -> memref<80000x128xf32, #tpu.memory_space<hbm>>
    tpu.enqueue_indirect_dma source(%dma_start3A_72 : memref<80000x128xf32, #tpu.memory_space<hbm>>) target(%dma_start3A_66 : memref<40x128xf32, #tpu.memory_space<vmem>>) offsets(%dma_start3A_69 : memref<40xi32, #tpu.memory_space<vmem>>) semaphore(%arg11 : memref<!tpu.dma_semaphore, #tpu.memory_space<semaphore_mem>>)
    %dma_start3A_73 = arith.constant 1 : i32
    %dma_start3A_74 = arith.constant 1 : i32
    %dma_start3A_75 = arith.constant 0 : i32
    %dma_start3A_76 = arith.constant 0 : i32
    %dma_start3A_77 = tpu.memref_slice %arg9[%dma_start3A_74, %dma_start3A_75, %dma_start3A_76] : memref<8x40x128xf32, #tpu.memory_space<vmem>> -> memref<1x40x128xf32, #tpu.memory_space<vmem>>
    %dma_start3A_78 = tpu.memref_squeeze %dma_start3A_77 : memref<1x40x128xf32, #tpu.memory_space<vmem>> -> memref<40x128xf32, #tpu.memory_space<vmem>>
    %dma_start3A_79 = arith.constant 0 : i32
    %dma_start3A_80 = tpu.memref_slice %arg7[%dma_start3A_73, %dma_start3A_79] : memref<16x40xi32, #tpu.memory_space<vmem>> -> memref<1x40xi32, #tpu.memory_space<vmem>>
    %dma_start3A_81 = tpu.memref_squeeze %dma_start3A_80 : memref<1x40xi32, #tpu.memory_space<vmem>> -> memref<40xi32, #tpu.memory_space<vmem>>
    %dma_start3A_82 = arith.constant 0 : i32
    %dma_start3A_83 = arith.constant 0 : i32
    %dma_start3A_84 = tpu.memref_slice %arg2[%dma_start3A_82, %dma_start3A_83] : memref<80000x128xf32, #tpu.memory_space<hbm>> -> memref<80000x128xf32, #tpu.memory_space<hbm>>
    tpu.enqueue_indirect_dma source(%dma_start3A_84 : memref<80000x128xf32, #tpu.memory_space<hbm>>) target(%dma_start3A_78 : memref<40x128xf32, #tpu.memory_space<vmem>>) offsets(%dma_start3A_81 : memref<40xi32, #tpu.memory_space<vmem>>) semaphore(%arg12 : memref<!tpu.dma_semaphore, #tpu.memory_space<semaphore_mem>>)
    %dma_start3A_85 = arith.constant 2 : i32
    %dma_start3A_86 = arith.constant 2 : i32
    %dma_start3A_87 = arith.constant 0 : i32
    %dma_start3A_88 = arith.constant 0 : i32
    %dma_start3A_89 = tpu.memref_slice %arg9[%dma_start3A_86, %dma_start3A_87, %dma_start3A_88] : memref<8x40x128xf32, #tpu.memory_space<vmem>> -> memref<1x40x128xf32, #tpu.memory_space<vmem>>
    %dma_start3A_90 = tpu.memref_squeeze %dma_start3A_89 : memref<1x40x128xf32, #tpu.memory_space<vmem>> -> memref<40x128xf32, #tpu.memory_space<vmem>>
    %dma_start3A_91 = arith.constant 0 : i32
    %dma_start3A_92 = tpu.memref_slice %arg7[%dma_start3A_85, %dma_start3A_91] : memref<16x40xi32, #tpu.memory_space<vmem>> -> memref<1x40xi32, #tpu.memory_space<vmem>>
    %dma_start3A_93 = tpu.memref_squeeze %dma_start3A_92 : memref<1x40xi32, #tpu.memory_space<vmem>> -> memref<40xi32, #tpu.memory_space<vmem>>
    %dma_start3A_94 = arith.constant 0 : i32
    %dma_start3A_95 = arith.constant 0 : i32
    %dma_start3A_96 = tpu.memref_slice %arg2[%dma_start3A_94, %dma_start3A_95] : memref<80000x128xf32, #tpu.memory_space<hbm>> -> memref<80000x128xf32, #tpu.memory_space<hbm>>
    tpu.enqueue_indirect_dma source(%dma_start3A_96 : memref<80000x128xf32, #tpu.memory_space<hbm>>) target(%dma_start3A_90 : memref<40x128xf32, #tpu.memory_space<vmem>>) offsets(%dma_start3A_93 : memref<40xi32, #tpu.memory_space<vmem>>) semaphore(%arg13 : memref<!tpu.dma_semaphore, #tpu.memory_space<semaphore_mem>>)
    %dma_start3A_97 = arith.constant 3 : i32
    %dma_start3A_98 = arith.constant 3 : i32
    %dma_start3A_99 = arith.constant 0 : i32
    %dma_start3A_100 = arith.constant 0 : i32
    %dma_start3A_101 = tpu.memref_slice %arg9[%dma_start3A_98, %dma_start3A_99, %dma_start3A_100] : memref<8x40x128xf32, #tpu.memory_space<vmem>> -> memref<1x40x128xf32, #tpu.memory_space<vmem>>
    %dma_start3A_102 = tpu.memref_squeeze %dma_start3A_101 : memref<1x40x128xf32, #tpu.memory_space<vmem>> -> memref<40x128xf32, #tpu.memory_space<vmem>>
    %dma_start3A_103 = arith.constant 0 : i32
    %dma_start3A_104 = tpu.memref_slice %arg7[%dma_start3A_97, %dma_start3A_103] : memref<16x40xi32, #tpu.memory_space<vmem>> -> memref<1x40xi32, #tpu.memory_space<vmem>>
    %dma_start3A_105 = tpu.memref_squeeze %dma_start3A_104 : memref<1x40xi32, #tpu.memory_space<vmem>> -> memref<40xi32, #tpu.memory_space<vmem>>
    %dma_start3A_106 = arith.constant 0 : i32
    %dma_start3A_107 = arith.constant 0 : i32
    %dma_start3A_108 = tpu.memref_slice %arg2[%dma_start3A_106, %dma_start3A_107] : memref<80000x128xf32, #tpu.memory_space<hbm>> -> memref<80000x128xf32, #tpu.memory_space<hbm>>
    tpu.enqueue_indirect_dma source(%dma_start3A_108 : memref<80000x128xf32, #tpu.memory_space<hbm>>) target(%dma_start3A_102 : memref<40x128xf32, #tpu.memory_space<vmem>>) offsets(%dma_start3A_105 : memref<40xi32, #tpu.memory_space<vmem>>) semaphore(%arg14 : memref<!tpu.dma_semaphore, #tpu.memory_space<semaphore_mem>>)
    %scan3A = arith.constant 0 : i32
    %scan3A_109 = arith.constant 0 : i32
    %scan3A_110 = arith.constant 32 : i32
    %scan3A_111 = arith.addi %scan3A_109, %scan3A_110 : i32
    %scan3A_112 = arith.constant 1 : i32
    scf.for %scan3A_173 = %scan3A_109 to %scan3A_111 step %scan3A_112  : i32 {
      %jit3A = arith.constant 2 : i32
      %eq3A_174 = arith.constant 0 : i32
      %eq3A_175 = arith.cmpi eq, %jit3A, %eq3A_174 : i32
      %jit3A_176 = arith.constant 1 : i32
      %select_n3A = arith.select %eq3A_175, %jit3A_176, %jit3A : i32
      %rem3A = arith.remsi %scan3A_173, %select_n3A : i32
      %ne3A = arith.constant 0 : i32
      %ne3A_177 = arith.cmpi ne, %rem3A, %ne3A : i32
      %lt3A_178 = arith.constant 0 : i32
      %lt3A_179 = arith.cmpi slt, %rem3A, %lt3A_178 : i32
      %lt3A_180 = arith.constant 0 : i32
      %lt3A_181 = arith.cmpi slt, %select_n3A, %lt3A_180 : i32
      %ne3A_182 = arith.xori %lt3A_179, %lt3A_181 : i1
      %and3A = arith.andi %ne3A_182, %ne3A_177 : i1
      %add3A_183 = arith.addi %rem3A, %select_n3A : i32
      %select_n3A_184 = arith.select %and3A, %add3A_183, %rem3A : i32
      %mul3A_185 = arith.constant 8 : i32
      %mul3A_186 = arith.muli %select_n3A_184, %mul3A_185 : i32
      %add3A_187 = arith.constant 1 : i32
      %add3A_188 = arith.addi %scan3A_173, %add3A_187 : i32
      %jit3A_189 = arith.constant 2 : i32
      %eq3A_190 = arith.constant 0 : i32
      %eq3A_191 = arith.cmpi eq, %jit3A_189, %eq3A_190 : i32
      %jit3A_192 = arith.constant 1 : i32
      %select_n3A_193 = arith.select %eq3A_191, %jit3A_192, %jit3A_189 : i32
      %rem3A_194 = arith.remsi %add3A_188, %select_n3A_193 : i32
      %ne3A_195 = arith.constant 0 : i32
      %ne3A_196 = arith.cmpi ne, %rem3A_194, %ne3A_195 : i32
      %lt3A_197 = arith.constant 0 : i32
      %lt3A_198 = arith.cmpi slt, %rem3A_194, %lt3A_197 : i32
      %lt3A_199 = arith.constant 0 : i32
      %lt3A_200 = arith.cmpi slt, %select_n3A_193, %lt3A_199 : i32
      %ne3A_201 = arith.xori %lt3A_198, %lt3A_200 : i1
      %and3A_202 = arith.andi %ne3A_201, %ne3A_196 : i1
      %add3A_203 = arith.addi %rem3A_194, %select_n3A_193 : i32
      %select_n3A_204 = arith.select %and3A_202, %add3A_203, %rem3A_194 : i32
      %mul3A_205 = arith.constant 8 : i32
      %mul3A_206 = arith.muli %select_n3A_204, %mul3A_205 : i32
      %dma_wait3A_207 = arith.constant 0 : i32
      %dma_wait3A_208 = arith.constant 0 : i32
      %dma_wait3A_209 = arith.constant 0 : i32
      %dma_wait3A_210 = arith.constant 0 : i32
      %dma_wait3A_211 = tpu.memref_slice %arg9[%dma_wait3A_208, %dma_wait3A_209, %dma_wait3A_210] : memref<8x40x128xf32, #tpu.memory_space<vmem>> -> memref<1x40x128xf32, #tpu.memory_space<vmem>>
      %dma_wait3A_212 = tpu.memref_squeeze %dma_wait3A_211 : memref<1x40x128xf32, #tpu.memory_space<vmem>> -> memref<40x128xf32, #tpu.memory_space<vmem>>
      %dma_wait3A_213 = arith.constant 0 : i32
      %dma_wait3A_214 = tpu.memref_slice %arg7[%dma_wait3A_207, %dma_wait3A_213] : memref<16x40xi32, #tpu.memory_space<vmem>> -> memref<1x40xi32, #tpu.memory_space<vmem>>
      %dma_wait3A_215 = tpu.memref_squeeze %dma_wait3A_214 : memref<1x40xi32, #tpu.memory_space<vmem>> -> memref<40xi32, #tpu.memory_space<vmem>>
      %dma_wait3A_216 = arith.constant 0 : i32
      %dma_wait3A_217 = arith.constant 0 : i32
      %dma_wait3A_218 = tpu.memref_slice %arg2[%dma_wait3A_216, %dma_wait3A_217] : memref<80000x128xf32, #tpu.memory_space<hbm>> -> memref<80000x128xf32, #tpu.memory_space<hbm>>
      tpu.wait_indirect_dma semaphore(%arg11 : memref<!tpu.dma_semaphore, #tpu.memory_space<semaphore_mem>>) src(%dma_wait3A_218 : memref<80000x128xf32, #tpu.memory_space<hbm>>) dst(%dma_wait3A_212 : memref<40x128xf32, #tpu.memory_space<vmem>>)
      %add3A_219 = arith.constant 0 : i32
      %add3A_220 = arith.addi %mul3A_186, %add3A_219 : i32
      %dma_start3A_221 = arith.constant 0 : i32
      %dma_start3A_222 = arith.constant 0 : i32
      %dma_start3A_223 = arith.constant 0 : i32
      %dma_start3A_224 = tpu.memref_slice %arg9[%dma_start3A_221, %dma_start3A_222, %dma_start3A_223] : memref<8x40x128xf32, #tpu.memory_space<vmem>> -> memref<1x40x128xf32, #tpu.memory_space<vmem>>
      %dma_start3A_225 = tpu.memref_squeeze %dma_start3A_224 : memref<1x40x128xf32, #tpu.memory_space<vmem>> -> memref<40x128xf32, #tpu.memory_space<vmem>>
      %dma_start3A_226 = arith.constant 0 : i32
      %dma_start3A_227 = tpu.memref_slice %arg8[%add3A_220, %dma_start3A_226] : memref<16x40xi32, #tpu.memory_space<vmem>> -> memref<1x40xi32, #tpu.memory_space<vmem>>
      %dma_start3A_228 = tpu.memref_squeeze %dma_start3A_227 : memref<1x40xi32, #tpu.memory_space<vmem>> -> memref<40xi32, #tpu.memory_space<vmem>>
      %dma_start3A_229 = arith.constant 0 : i32
      %dma_start3A_230 = arith.constant 0 : i32
      %dma_start3A_231 = tpu.memref_slice %arg10[%dma_start3A_229, %dma_start3A_230] : memref<10008x128xf32, #tpu.memory_space<vmem_shared>> -> memref<10008x128xf32, #tpu.memory_space<vmem_shared>>
      tpu.enqueue_indirect_dma source(%dma_start3A_225 : memref<40x128xf32, #tpu.memory_space<vmem>>) target(%dma_start3A_231 : memref<10008x128xf32, #tpu.memory_space<vmem_shared>>) offsets(%dma_start3A_228 : memref<40xi32, #tpu.memory_space<vmem>>) semaphore(%arg19 : memref<!tpu.dma_semaphore, #tpu.memory_space<semaphore_mem>>) {add = true}
      %lt3A_232 = arith.constant 31 : i32
      %lt3A_233 = arith.cmpi slt, %scan3A_173, %lt3A_232 : i32
      %convert_element_type3A_234 = arith.extui %lt3A_233 : i1 to i32
      %cond3A_235 = arith.constant 0 : i32
      %cond3A_236 = arith.cmpi ne, %convert_element_type3A_234, %cond3A_235 : i32
      scf.if %cond3A_236 {
        %add3A_569 = arith.constant 1 : i32
        %add3A_570 = arith.addi %scan3A_173, %add3A_569 : i32
        %mul3A_571 = arith.constant 8 : i32
        %mul3A_572 = arith.muli %add3A_570, %mul3A_571 : i32
        %jit3A_573 = arith.constant 2 : i32
        %eq3A_574 = arith.constant 0 : i32
        %eq3A_575 = arith.cmpi eq, %jit3A_573, %eq3A_574 : i32
        %jit3A_576 = arith.constant 1 : i32
        %select_n3A_577 = arith.select %eq3A_575, %jit3A_576, %jit3A_573 : i32
        %rem3A_578 = arith.remsi %add3A_570, %select_n3A_577 : i32
        %ne3A_579 = arith.constant 0 : i32
        %ne3A_580 = arith.cmpi ne, %rem3A_578, %ne3A_579 : i32
        %lt3A_581 = arith.constant 0 : i32
        %lt3A_582 = arith.cmpi slt, %rem3A_578, %lt3A_581 : i32
        %lt3A_583 = arith.constant 0 : i32
        %lt3A_584 = arith.cmpi slt, %select_n3A_577, %lt3A_583 : i32
        %ne3A_585 = arith.xori %lt3A_582, %lt3A_584 : i1
        %and3A_586 = arith.andi %ne3A_585, %ne3A_580 : i1
        %add3A_587 = arith.addi %rem3A_578, %select_n3A_577 : i32
        %select_n3A_588 = arith.select %and3A_586, %add3A_587, %rem3A_578 : i32
        %mul3A_589 = arith.constant 8 : i32
        %mul3A_590 = arith.muli %select_n3A_588, %mul3A_589 : i32
        %dma_start3A_591 = arith.constant 0 : i32
        %dma_start3A_592 = tpu.memref_slice %arg7[%mul3A_590, %dma_start3A_591] : memref<16x40xi32, #tpu.memory_space<vmem>> -> memref<8x40xi32, #tpu.memory_space<vmem>>
        %dma_start3A_593 = arith.constant 0 : i32
        %dma_start3A_594 = tpu.memref_slice %arg3[%add3A, %mul3A_572, %dma_start3A_593] : memref<32x256x40xi32, #tpu.memory_space<hbm>> -> memref<1x8x40xi32, #tpu.memory_space<hbm>>
        %dma_start3A_595 = tpu.memref_squeeze %dma_start3A_594 : memref<1x8x40xi32, #tpu.memory_space<hbm>> -> memref<8x40xi32, #tpu.memory_space<hbm>>
        %dma_start3A_596 = arith.constant 0 : i32
        %dma_start3A_597 = tpu.memref_slice %arg7[%mul3A_590, %dma_start3A_596] : memref<16x40xi32, #tpu.memory_space<vmem>> -> memref<8x40xi32, #tpu.memory_space<vmem>>
        %dma_start3A_598 = arith.constant 0 : i32
        %dma_start3A_599 = tpu.memref_slice %arg3[%add3A, %mul3A_572, %dma_start3A_598] : memref<32x256x40xi32, #tpu.memory_space<hbm>> -> memref<1x8x40xi32, #tpu.memory_space<hbm>>
        %dma_start3A_600 = tpu.memref_squeeze %dma_start3A_599 : memref<1x8x40xi32, #tpu.memory_space<hbm>> -> memref<8x40xi32, #tpu.memory_space<hbm>>
        tpu.enqueue_dma source(%dma_start3A_600 : memref<8x40xi32, #tpu.memory_space<hbm>>) target(%dma_start3A_597 : memref<8x40xi32, #tpu.memory_space<vmem>>) target_semaphore(%arg27 : memref<!tpu.dma_semaphore, #tpu.memory_space<semaphore_mem>>)
      } else {
      }
      %gt3A = arith.constant 0 : i32
      %gt3A_237 = arith.cmpi sgt, %scan3A_173, %gt3A : i32
      %convert_element_type3A_238 = arith.extui %gt3A_237 : i1 to i32
      %cond3A_239 = arith.constant 0 : i32
      %cond3A_240 = arith.cmpi ne, %convert_element_type3A_238, %cond3A_239 : i32
      scf.if %cond3A_240 {
        %dma_wait3A_569 = arith.constant 0 : i32
        %dma_wait3A_570 = arith.constant 0 : i32
        %dma_wait3A_571 = arith.constant 0 : i32
        %dma_wait3A_572 = arith.constant 0 : i32
        %dma_wait3A_573 = tpu.memref_slice %arg9[%dma_wait3A_569, %dma_wait3A_571, %dma_wait3A_572] : memref<8x40x128xf32, #tpu.memory_space<vmem>> -> memref<1x40x128xf32, #tpu.memory_space<vmem>>
        %dma_wait3A_574 = tpu.memref_squeeze %dma_wait3A_573 : memref<1x40x128xf32, #tpu.memory_space<vmem>> -> memref<40x128xf32, #tpu.memory_space<vmem>>
        %dma_wait3A_575 = arith.constant 0 : i32
        %dma_wait3A_576 = tpu.memref_slice %arg8[%dma_wait3A_570, %dma_wait3A_575] : memref<16x40xi32, #tpu.memory_space<vmem>> -> memref<1x40xi32, #tpu.memory_space<vmem>>
        %dma_wait3A_577 = tpu.memref_squeeze %dma_wait3A_576 : memref<1x40xi32, #tpu.memory_space<vmem>> -> memref<40xi32, #tpu.memory_space<vmem>>
        %dma_wait3A_578 = arith.constant 0 : i32
        %dma_wait3A_579 = arith.constant 0 : i32
        %dma_wait3A_580 = tpu.memref_slice %arg10[%dma_wait3A_578, %dma_wait3A_579] : memref<10008x128xf32, #tpu.memory_space<vmem_shared>> -> memref<10008x128xf32, #tpu.memory_space<vmem_shared>>
        tpu.wait_indirect_dma semaphore(%arg23 : memref<!tpu.dma_semaphore, #tpu.memory_space<semaphore_mem>>) src(%dma_wait3A_574 : memref<40x128xf32, #tpu.memory_space<vmem>>) dst(%dma_wait3A_580 : memref<10008x128xf32, #tpu.memory_space<vmem_shared>>)
      } else {
      }
      %add3A_241 = arith.constant 0 : i32
      %add3A_242 = arith.addi %mul3A_186, %add3A_241 : i32
      %add3A_243 = arith.constant 4 : i32
      %add3A_244 = arith.addi %add3A_242, %add3A_243 : i32
      %dma_start3A_245 = arith.constant 4 : i32
      %dma_start3A_246 = arith.constant 0 : i32
      %dma_start3A_247 = arith.constant 0 : i32
      %dma_start3A_248 = tpu.memref_slice %arg9[%dma_start3A_245, %dma_start3A_246, %dma_start3A_247] : memref<8x40x128xf32, #tpu.memory_space<vmem>> -> memref<1x40x128xf32, #tpu.memory_space<vmem>>
      %dma_start3A_249 = tpu.memref_squeeze %dma_start3A_248 : memref<1x40x128xf32, #tpu.memory_space<vmem>> -> memref<40x128xf32, #tpu.memory_space<vmem>>
      %dma_start3A_250 = arith.constant 0 : i32
      %dma_start3A_251 = tpu.memref_slice %arg7[%add3A_244, %dma_start3A_250] : memref<16x40xi32, #tpu.memory_space<vmem>> -> memref<1x40xi32, #tpu.memory_space<vmem>>
      %dma_start3A_252 = tpu.memref_squeeze %dma_start3A_251 : memref<1x40xi32, #tpu.memory_space<vmem>> -> memref<40xi32, #tpu.memory_space<vmem>>
      %dma_start3A_253 = arith.constant 0 : i32
      %dma_start3A_254 = arith.constant 0 : i32
      %dma_start3A_255 = tpu.memref_slice %arg2[%dma_start3A_253, %dma_start3A_254] : memref<80000x128xf32, #tpu.memory_space<hbm>> -> memref<80000x128xf32, #tpu.memory_space<hbm>>
      tpu.enqueue_indirect_dma source(%dma_start3A_255 : memref<80000x128xf32, #tpu.memory_space<hbm>>) target(%dma_start3A_249 : memref<40x128xf32, #tpu.memory_space<vmem>>) offsets(%dma_start3A_252 : memref<40xi32, #tpu.memory_space<vmem>>) semaphore(%arg15 : memref<!tpu.dma_semaphore, #tpu.memory_space<semaphore_mem>>)
      %dma_wait3A_256 = arith.constant 0 : i32
      %dma_wait3A_257 = arith.constant 0 : i32
      %dma_wait3A_258 = arith.constant 0 : i32
      %dma_wait3A_259 = arith.constant 0 : i32
      %dma_wait3A_260 = tpu.memref_slice %arg9[%dma_wait3A_257, %dma_wait3A_258, %dma_wait3A_259] : memref<8x40x128xf32, #tpu.memory_space<vmem>> -> memref<1x40x128xf32, #tpu.memory_space<vmem>>
      %dma_wait3A_261 = tpu.memref_squeeze %dma_wait3A_260 : memref<1x40x128xf32, #tpu.memory_space<vmem>> -> memref<40x128xf32, #tpu.memory_space<vmem>>
      %dma_wait3A_262 = arith.constant 0 : i32
      %dma_wait3A_263 = tpu.memref_slice %arg7[%dma_wait3A_256, %dma_wait3A_262] : memref<16x40xi32, #tpu.memory_space<vmem>> -> memref<1x40xi32, #tpu.memory_space<vmem>>
      %dma_wait3A_264 = tpu.memref_squeeze %dma_wait3A_263 : memref<1x40xi32, #tpu.memory_space<vmem>> -> memref<40xi32, #tpu.memory_space<vmem>>
      %dma_wait3A_265 = arith.constant 0 : i32
      %dma_wait3A_266 = arith.constant 0 : i32
      %dma_wait3A_267 = tpu.memref_slice %arg2[%dma_wait3A_265, %dma_wait3A_266] : memref<80000x128xf32, #tpu.memory_space<hbm>> -> memref<80000x128xf32, #tpu.memory_space<hbm>>
      tpu.wait_indirect_dma semaphore(%arg12 : memref<!tpu.dma_semaphore, #tpu.memory_space<semaphore_mem>>) src(%dma_wait3A_267 : memref<80000x128xf32, #tpu.memory_space<hbm>>) dst(%dma_wait3A_261 : memref<40x128xf32, #tpu.memory_space<vmem>>)
      %add3A_268 = arith.constant 1 : i32
      %add3A_269 = arith.addi %mul3A_186, %add3A_268 : i32
      %dma_start3A_270 = arith.constant 1 : i32
      %dma_start3A_271 = arith.constant 0 : i32
      %dma_start3A_272 = arith.constant 0 : i32
      %dma_start3A_273 = tpu.memref_slice %arg9[%dma_start3A_270, %dma_start3A_271, %dma_start3A_272] : memref<8x40x128xf32, #tpu.memory_space<vmem>> -> memref<1x40x128xf32, #tpu.memory_space<vmem>>
      %dma_start3A_274 = tpu.memref_squeeze %dma_start3A_273 : memref<1x40x128xf32, #tpu.memory_space<vmem>> -> memref<40x128xf32, #tpu.memory_space<vmem>>
      %dma_start3A_275 = arith.constant 0 : i32
      %dma_start3A_276 = tpu.memref_slice %arg8[%add3A_269, %dma_start3A_275] : memref<16x40xi32, #tpu.memory_space<vmem>> -> memref<1x40xi32, #tpu.memory_space<vmem>>
      %dma_start3A_277 = tpu.memref_squeeze %dma_start3A_276 : memref<1x40xi32, #tpu.memory_space<vmem>> -> memref<40xi32, #tpu.memory_space<vmem>>
      %dma_start3A_278 = arith.constant 0 : i32
      %dma_start3A_279 = arith.constant 0 : i32
      %dma_start3A_280 = tpu.memref_slice %arg10[%dma_start3A_278, %dma_start3A_279] : memref<10008x128xf32, #tpu.memory_space<vmem_shared>> -> memref<10008x128xf32, #tpu.memory_space<vmem_shared>>
      tpu.enqueue_indirect_dma source(%dma_start3A_274 : memref<40x128xf32, #tpu.memory_space<vmem>>) target(%dma_start3A_280 : memref<10008x128xf32, #tpu.memory_space<vmem_shared>>) offsets(%dma_start3A_277 : memref<40xi32, #tpu.memory_space<vmem>>) semaphore(%arg20 : memref<!tpu.dma_semaphore, #tpu.memory_space<semaphore_mem>>) {add = true}
      %gt3A_281 = arith.constant 0 : i32
      %gt3A_282 = arith.cmpi sgt, %scan3A_173, %gt3A_281 : i32
      %convert_element_type3A_283 = arith.extui %gt3A_282 : i1 to i32
      %cond3A_284 = arith.constant 0 : i32
      %cond3A_285 = arith.cmpi ne, %convert_element_type3A_283, %cond3A_284 : i32
      scf.if %cond3A_285 {
        %dma_wait3A_569 = arith.constant 0 : i32
        %dma_wait3A_570 = arith.constant 0 : i32
        %dma_wait3A_571 = arith.constant 0 : i32
        %dma_wait3A_572 = arith.constant 0 : i32
        %dma_wait3A_573 = tpu.memref_slice %arg9[%dma_wait3A_569, %dma_wait3A_571, %dma_wait3A_572] : memref<8x40x128xf32, #tpu.memory_space<vmem>> -> memref<1x40x128xf32, #tpu.memory_space<vmem>>
        %dma_wait3A_574 = tpu.memref_squeeze %dma_wait3A_573 : memref<1x40x128xf32, #tpu.memory_space<vmem>> -> memref<40x128xf32, #tpu.memory_space<vmem>>
        %dma_wait3A_575 = arith.constant 0 : i32
        %dma_wait3A_576 = tpu.memref_slice %arg8[%dma_wait3A_570, %dma_wait3A_575] : memref<16x40xi32, #tpu.memory_space<vmem>> -> memref<1x40xi32, #tpu.memory_space<vmem>>
        %dma_wait3A_577 = tpu.memref_squeeze %dma_wait3A_576 : memref<1x40xi32, #tpu.memory_space<vmem>> -> memref<40xi32, #tpu.memory_space<vmem>>
        %dma_wait3A_578 = arith.constant 0 : i32
        %dma_wait3A_579 = arith.constant 0 : i32
        %dma_wait3A_580 = tpu.memref_slice %arg10[%dma_wait3A_578, %dma_wait3A_579] : memref<10008x128xf32, #tpu.memory_space<vmem_shared>> -> memref<10008x128xf32, #tpu.memory_space<vmem_shared>>
        tpu.wait_indirect_dma semaphore(%arg24 : memref<!tpu.dma_semaphore, #tpu.memory_space<semaphore_mem>>) src(%dma_wait3A_574 : memref<40x128xf32, #tpu.memory_space<vmem>>) dst(%dma_wait3A_580 : memref<10008x128xf32, #tpu.memory_space<vmem_shared>>)
      } else {
      }
      %add3A_286 = arith.constant 1 : i32
      %add3A_287 = arith.addi %mul3A_186, %add3A_286 : i32
      %add3A_288 = arith.constant 4 : i32
      %add3A_289 = arith.addi %add3A_287, %add3A_288 : i32
      %dma_start3A_290 = arith.constant 5 : i32
      %dma_start3A_291 = arith.constant 0 : i32
      %dma_start3A_292 = arith.constant 0 : i32
      %dma_start3A_293 = tpu.memref_slice %arg9[%dma_start3A_290, %dma_start3A_291, %dma_start3A_292] : memref<8x40x128xf32, #tpu.memory_space<vmem>> -> memref<1x40x128xf32, #tpu.memory_space<vmem>>
      %dma_start3A_294 = tpu.memref_squeeze %dma_start3A_293 : memref<1x40x128xf32, #tpu.memory_space<vmem>> -> memref<40x128xf32, #tpu.memory_space<vmem>>
      %dma_start3A_295 = arith.constant 0 : i32
      %dma_start3A_296 = tpu.memref_slice %arg7[%add3A_289, %dma_start3A_295] : memref<16x40xi32, #tpu.memory_space<vmem>> -> memref<1x40xi32, #tpu.memory_space<vmem>>
      %dma_start3A_297 = tpu.memref_squeeze %dma_start3A_296 : memref<1x40xi32, #tpu.memory_space<vmem>> -> memref<40xi32, #tpu.memory_space<vmem>>
      %dma_start3A_298 = arith.constant 0 : i32
      %dma_start3A_299 = arith.constant 0 : i32
      %dma_start3A_300 = tpu.memref_slice %arg2[%dma_start3A_298, %dma_start3A_299] : memref<80000x128xf32, #tpu.memory_space<hbm>> -> memref<80000x128xf32, #tpu.memory_space<hbm>>
      tpu.enqueue_indirect_dma source(%dma_start3A_300 : memref<80000x128xf32, #tpu.memory_space<hbm>>) target(%dma_start3A_294 : memref<40x128xf32, #tpu.memory_space<vmem>>) offsets(%dma_start3A_297 : memref<40xi32, #tpu.memory_space<vmem>>) semaphore(%arg16 : memref<!tpu.dma_semaphore, #tpu.memory_space<semaphore_mem>>)
      %dma_wait3A_301 = arith.constant 0 : i32
      %dma_wait3A_302 = arith.constant 0 : i32
      %dma_wait3A_303 = arith.constant 0 : i32
      %dma_wait3A_304 = arith.constant 0 : i32
      %dma_wait3A_305 = tpu.memref_slice %arg9[%dma_wait3A_302, %dma_wait3A_303, %dma_wait3A_304] : memref<8x40x128xf32, #tpu.memory_space<vmem>> -> memref<1x40x128xf32, #tpu.memory_space<vmem>>
      %dma_wait3A_306 = tpu.memref_squeeze %dma_wait3A_305 : memref<1x40x128xf32, #tpu.memory_space<vmem>> -> memref<40x128xf32, #tpu.memory_space<vmem>>
      %dma_wait3A_307 = arith.constant 0 : i32
      %dma_wait3A_308 = tpu.memref_slice %arg7[%dma_wait3A_301, %dma_wait3A_307] : memref<16x40xi32, #tpu.memory_space<vmem>> -> memref<1x40xi32, #tpu.memory_space<vmem>>
      %dma_wait3A_309 = tpu.memref_squeeze %dma_wait3A_308 : memref<1x40xi32, #tpu.memory_space<vmem>> -> memref<40xi32, #tpu.memory_space<vmem>>
      %dma_wait3A_310 = arith.constant 0 : i32
      %dma_wait3A_311 = arith.constant 0 : i32
      %dma_wait3A_312 = tpu.memref_slice %arg2[%dma_wait3A_310, %dma_wait3A_311] : memref<80000x128xf32, #tpu.memory_space<hbm>> -> memref<80000x128xf32, #tpu.memory_space<hbm>>
      tpu.wait_indirect_dma semaphore(%arg13 : memref<!tpu.dma_semaphore, #tpu.memory_space<semaphore_mem>>) src(%dma_wait3A_312 : memref<80000x128xf32, #tpu.memory_space<hbm>>) dst(%dma_wait3A_306 : memref<40x128xf32, #tpu.memory_space<vmem>>)
      %add3A_313 = arith.constant 2 : i32
      %add3A_314 = arith.addi %mul3A_186, %add3A_313 : i32
      %dma_start3A_315 = arith.constant 2 : i32
      %dma_start3A_316 = arith.constant 0 : i32
      %dma_start3A_317 = arith.constant 0 : i32
      %dma_start3A_318 = tpu.memref_slice %arg9[%dma_start3A_315, %dma_start3A_316, %dma_start3A_317] : memref<8x40x128xf32, #tpu.memory_space<vmem>> -> memref<1x40x128xf32, #tpu.memory_space<vmem>>
      %dma_start3A_319 = tpu.memref_squeeze %dma_start3A_318 : memref<1x40x128xf32, #tpu.memory_space<vmem>> -> memref<40x128xf32, #tpu.memory_space<vmem>>
      %dma_start3A_320 = arith.constant 0 : i32
      %dma_start3A_321 = tpu.memref_slice %arg8[%add3A_314, %dma_start3A_320] : memref<16x40xi32, #tpu.memory_space<vmem>> -> memref<1x40xi32, #tpu.memory_space<vmem>>
      %dma_start3A_322 = tpu.memref_squeeze %dma_start3A_321 : memref<1x40xi32, #tpu.memory_space<vmem>> -> memref<40xi32, #tpu.memory_space<vmem>>
      %dma_start3A_323 = arith.constant 0 : i32
      %dma_start3A_324 = arith.constant 0 : i32
      %dma_start3A_325 = tpu.memref_slice %arg10[%dma_start3A_323, %dma_start3A_324] : memref<10008x128xf32, #tpu.memory_space<vmem_shared>> -> memref<10008x128xf32, #tpu.memory_space<vmem_shared>>
      tpu.enqueue_indirect_dma source(%dma_start3A_319 : memref<40x128xf32, #tpu.memory_space<vmem>>) target(%dma_start3A_325 : memref<10008x128xf32, #tpu.memory_space<vmem_shared>>) offsets(%dma_start3A_322 : memref<40xi32, #tpu.memory_space<vmem>>) semaphore(%arg21 : memref<!tpu.dma_semaphore, #tpu.memory_space<semaphore_mem>>) {add = true}
      %gt3A_326 = arith.constant 0 : i32
      %gt3A_327 = arith.cmpi sgt, %scan3A_173, %gt3A_326 : i32
      %convert_element_type3A_328 = arith.extui %gt3A_327 : i1 to i32
      %cond3A_329 = arith.constant 0 : i32
      %cond3A_330 = arith.cmpi ne, %convert_element_type3A_328, %cond3A_329 : i32
      scf.if %cond3A_330 {
        %dma_wait3A_569 = arith.constant 0 : i32
        %dma_wait3A_570 = arith.constant 0 : i32
        %dma_wait3A_571 = arith.constant 0 : i32
        %dma_wait3A_572 = arith.constant 0 : i32
        %dma_wait3A_573 = tpu.memref_slice %arg9[%dma_wait3A_569, %dma_wait3A_571, %dma_wait3A_572] : memref<8x40x128xf32, #tpu.memory_space<vmem>> -> memref<1x40x128xf32, #tpu.memory_space<vmem>>
        %dma_wait3A_574 = tpu.memref_squeeze %dma_wait3A_573 : memref<1x40x128xf32, #tpu.memory_space<vmem>> -> memref<40x128xf32, #tpu.memory_space<vmem>>
        %dma_wait3A_575 = arith.constant 0 : i32
        %dma_wait3A_576 = tpu.memref_slice %arg8[%dma_wait3A_570, %dma_wait3A_575] : memref<16x40xi32, #tpu.memory_space<vmem>> -> memref<1x40xi32, #tpu.memory_space<vmem>>
        %dma_wait3A_577 = tpu.memref_squeeze %dma_wait3A_576 : memref<1x40xi32, #tpu.memory_space<vmem>> -> memref<40xi32, #tpu.memory_space<vmem>>
        %dma_wait3A_578 = arith.constant 0 : i32
        %dma_wait3A_579 = arith.constant 0 : i32
        %dma_wait3A_580 = tpu.memref_slice %arg10[%dma_wait3A_578, %dma_wait3A_579] : memref<10008x128xf32, #tpu.memory_space<vmem_shared>> -> memref<10008x128xf32, #tpu.memory_space<vmem_shared>>
        tpu.wait_indirect_dma semaphore(%arg25 : memref<!tpu.dma_semaphore, #tpu.memory_space<semaphore_mem>>) src(%dma_wait3A_574 : memref<40x128xf32, #tpu.memory_space<vmem>>) dst(%dma_wait3A_580 : memref<10008x128xf32, #tpu.memory_space<vmem_shared>>)
      } else {
      }
      %add3A_331 = arith.constant 2 : i32
      %add3A_332 = arith.addi %mul3A_186, %add3A_331 : i32
      %add3A_333 = arith.constant 4 : i32
      %add3A_334 = arith.addi %add3A_332, %add3A_333 : i32
      %dma_start3A_335 = arith.constant 6 : i32
      %dma_start3A_336 = arith.constant 0 : i32
      %dma_start3A_337 = arith.constant 0 : i32
      %dma_start3A_338 = tpu.memref_slice %arg9[%dma_start3A_335, %dma_start3A_336, %dma_start3A_337] : memref<8x40x128xf32, #tpu.memory_space<vmem>> -> memref<1x40x128xf32, #tpu.memory_space<vmem>>
      %dma_start3A_339 = tpu.memref_squeeze %dma_start3A_338 : memref<1x40x128xf32, #tpu.memory_space<vmem>> -> memref<40x128xf32, #tpu.memory_space<vmem>>
      %dma_start3A_340 = arith.constant 0 : i32
      %dma_start3A_341 = tpu.memref_slice %arg7[%add3A_334, %dma_start3A_340] : memref<16x40xi32, #tpu.memory_space<vmem>> -> memref<1x40xi32, #tpu.memory_space<vmem>>
      %dma_start3A_342 = tpu.memref_squeeze %dma_start3A_341 : memref<1x40xi32, #tpu.memory_space<vmem>> -> memref<40xi32, #tpu.memory_space<vmem>>
      %dma_start3A_343 = arith.constant 0 : i32
      %dma_start3A_344 = arith.constant 0 : i32
      %dma_start3A_345 = tpu.memref_slice %arg2[%dma_start3A_343, %dma_start3A_344] : memref<80000x128xf32, #tpu.memory_space<hbm>> -> memref<80000x128xf32, #tpu.memory_space<hbm>>
      tpu.enqueue_indirect_dma source(%dma_start3A_345 : memref<80000x128xf32, #tpu.memory_space<hbm>>) target(%dma_start3A_339 : memref<40x128xf32, #tpu.memory_space<vmem>>) offsets(%dma_start3A_342 : memref<40xi32, #tpu.memory_space<vmem>>) semaphore(%arg17 : memref<!tpu.dma_semaphore, #tpu.memory_space<semaphore_mem>>)
      %dma_wait3A_346 = arith.constant 0 : i32
      %dma_wait3A_347 = arith.constant 0 : i32
      %dma_wait3A_348 = arith.constant 0 : i32
      %dma_wait3A_349 = arith.constant 0 : i32
      %dma_wait3A_350 = tpu.memref_slice %arg9[%dma_wait3A_347, %dma_wait3A_348, %dma_wait3A_349] : memref<8x40x128xf32, #tpu.memory_space<vmem>> -> memref<1x40x128xf32, #tpu.memory_space<vmem>>
      %dma_wait3A_351 = tpu.memref_squeeze %dma_wait3A_350 : memref<1x40x128xf32, #tpu.memory_space<vmem>> -> memref<40x128xf32, #tpu.memory_space<vmem>>
      %dma_wait3A_352 = arith.constant 0 : i32
      %dma_wait3A_353 = tpu.memref_slice %arg7[%dma_wait3A_346, %dma_wait3A_352] : memref<16x40xi32, #tpu.memory_space<vmem>> -> memref<1x40xi32, #tpu.memory_space<vmem>>
      %dma_wait3A_354 = tpu.memref_squeeze %dma_wait3A_353 : memref<1x40xi32, #tpu.memory_space<vmem>> -> memref<40xi32, #tpu.memory_space<vmem>>
      %dma_wait3A_355 = arith.constant 0 : i32
      %dma_wait3A_356 = arith.constant 0 : i32
      %dma_wait3A_357 = tpu.memref_slice %arg2[%dma_wait3A_355, %dma_wait3A_356] : memref<80000x128xf32, #tpu.memory_space<hbm>> -> memref<80000x128xf32, #tpu.memory_space<hbm>>
      tpu.wait_indirect_dma semaphore(%arg14 : memref<!tpu.dma_semaphore, #tpu.memory_space<semaphore_mem>>) src(%dma_wait3A_357 : memref<80000x128xf32, #tpu.memory_space<hbm>>) dst(%dma_wait3A_351 : memref<40x128xf32, #tpu.memory_space<vmem>>)
      %add3A_358 = arith.constant 3 : i32
      %add3A_359 = arith.addi %mul3A_186, %add3A_358 : i32
      %dma_start3A_360 = arith.constant 3 : i32
      %dma_start3A_361 = arith.constant 0 : i32
      %dma_start3A_362 = arith.constant 0 : i32
      %dma_start3A_363 = tpu.memref_slice %arg9[%dma_start3A_360, %dma_start3A_361, %dma_start3A_362] : memref<8x40x128xf32, #tpu.memory_space<vmem>> -> memref<1x40x128xf32, #tpu.memory_space<vmem>>
      %dma_start3A_364 = tpu.memref_squeeze %dma_start3A_363 : memref<1x40x128xf32, #tpu.memory_space<vmem>> -> memref<40x128xf32, #tpu.memory_space<vmem>>
      %dma_start3A_365 = arith.constant 0 : i32
      %dma_start3A_366 = tpu.memref_slice %arg8[%add3A_359, %dma_start3A_365] : memref<16x40xi32, #tpu.memory_space<vmem>> -> memref<1x40xi32, #tpu.memory_space<vmem>>
      %dma_start3A_367 = tpu.memref_squeeze %dma_start3A_366 : memref<1x40xi32, #tpu.memory_space<vmem>> -> memref<40xi32, #tpu.memory_space<vmem>>
      %dma_start3A_368 = arith.constant 0 : i32
      %dma_start3A_369 = arith.constant 0 : i32
      %dma_start3A_370 = tpu.memref_slice %arg10[%dma_start3A_368, %dma_start3A_369] : memref<10008x128xf32, #tpu.memory_space<vmem_shared>> -> memref<10008x128xf32, #tpu.memory_space<vmem_shared>>
      tpu.enqueue_indirect_dma source(%dma_start3A_364 : memref<40x128xf32, #tpu.memory_space<vmem>>) target(%dma_start3A_370 : memref<10008x128xf32, #tpu.memory_space<vmem_shared>>) offsets(%dma_start3A_367 : memref<40xi32, #tpu.memory_space<vmem>>) semaphore(%arg22 : memref<!tpu.dma_semaphore, #tpu.memory_space<semaphore_mem>>) {add = true}
      %gt3A_371 = arith.constant 0 : i32
      %gt3A_372 = arith.cmpi sgt, %scan3A_173, %gt3A_371 : i32
      %convert_element_type3A_373 = arith.extui %gt3A_372 : i1 to i32
      %cond3A_374 = arith.constant 0 : i32
      %cond3A_375 = arith.cmpi ne, %convert_element_type3A_373, %cond3A_374 : i32
      scf.if %cond3A_375 {
        %dma_wait3A_569 = arith.constant 0 : i32
        %dma_wait3A_570 = arith.constant 0 : i32
        %dma_wait3A_571 = arith.constant 0 : i32
        %dma_wait3A_572 = arith.constant 0 : i32
        %dma_wait3A_573 = tpu.memref_slice %arg9[%dma_wait3A_569, %dma_wait3A_571, %dma_wait3A_572] : memref<8x40x128xf32, #tpu.memory_space<vmem>> -> memref<1x40x128xf32, #tpu.memory_space<vmem>>
        %dma_wait3A_574 = tpu.memref_squeeze %dma_wait3A_573 : memref<1x40x128xf32, #tpu.memory_space<vmem>> -> memref<40x128xf32, #tpu.memory_space<vmem>>
        %dma_wait3A_575 = arith.constant 0 : i32
        %dma_wait3A_576 = tpu.memref_slice %arg8[%dma_wait3A_570, %dma_wait3A_575] : memref<16x40xi32, #tpu.memory_space<vmem>> -> memref<1x40xi32, #tpu.memory_space<vmem>>
        %dma_wait3A_577 = tpu.memref_squeeze %dma_wait3A_576 : memref<1x40xi32, #tpu.memory_space<vmem>> -> memref<40xi32, #tpu.memory_space<vmem>>
        %dma_wait3A_578 = arith.constant 0 : i32
        %dma_wait3A_579 = arith.constant 0 : i32
        %dma_wait3A_580 = tpu.memref_slice %arg10[%dma_wait3A_578, %dma_wait3A_579] : memref<10008x128xf32, #tpu.memory_space<vmem_shared>> -> memref<10008x128xf32, #tpu.memory_space<vmem_shared>>
        tpu.wait_indirect_dma semaphore(%arg26 : memref<!tpu.dma_semaphore, #tpu.memory_space<semaphore_mem>>) src(%dma_wait3A_574 : memref<40x128xf32, #tpu.memory_space<vmem>>) dst(%dma_wait3A_580 : memref<10008x128xf32, #tpu.memory_space<vmem_shared>>)
      } else {
      }
      %add3A_376 = arith.constant 3 : i32
      %add3A_377 = arith.addi %mul3A_186, %add3A_376 : i32
      %add3A_378 = arith.constant 4 : i32
      %add3A_379 = arith.addi %add3A_377, %add3A_378 : i32
      %dma_start3A_380 = arith.constant 7 : i32
      %dma_start3A_381 = arith.constant 0 : i32
      %dma_start3A_382 = arith.constant 0 : i32
      %dma_start3A_383 = tpu.memref_slice %arg9[%dma_start3A_380, %dma_start3A_381, %dma_start3A_382] : memref<8x40x128xf32, #tpu.memory_space<vmem>> -> memref<1x40x128xf32, #tpu.memory_space<vmem>>
      %dma_start3A_384 = tpu.memref_squeeze %dma_start3A_383 : memref<1x40x128xf32, #tpu.memory_space<vmem>> -> memref<40x128xf32, #tpu.memory_space<vmem>>
      %dma_start3A_385 = arith.constant 0 : i32
      %dma_start3A_386 = tpu.memref_slice %arg7[%add3A_379, %dma_start3A_385] : memref<16x40xi32, #tpu.memory_space<vmem>> -> memref<1x40xi32, #tpu.memory_space<vmem>>
      %dma_start3A_387 = tpu.memref_squeeze %dma_start3A_386 : memref<1x40xi32, #tpu.memory_space<vmem>> -> memref<40xi32, #tpu.memory_space<vmem>>
      %dma_start3A_388 = arith.constant 0 : i32
      %dma_start3A_389 = arith.constant 0 : i32
      %dma_start3A_390 = tpu.memref_slice %arg2[%dma_start3A_388, %dma_start3A_389] : memref<80000x128xf32, #tpu.memory_space<hbm>> -> memref<80000x128xf32, #tpu.memory_space<hbm>>
      tpu.enqueue_indirect_dma source(%dma_start3A_390 : memref<80000x128xf32, #tpu.memory_space<hbm>>) target(%dma_start3A_384 : memref<40x128xf32, #tpu.memory_space<vmem>>) offsets(%dma_start3A_387 : memref<40xi32, #tpu.memory_space<vmem>>) semaphore(%arg18 : memref<!tpu.dma_semaphore, #tpu.memory_space<semaphore_mem>>)
      %dma_wait3A_391 = arith.constant 0 : i32
      %dma_wait3A_392 = arith.constant 0 : i32
      %dma_wait3A_393 = arith.constant 0 : i32
      %dma_wait3A_394 = arith.constant 0 : i32
      %dma_wait3A_395 = tpu.memref_slice %arg9[%dma_wait3A_392, %dma_wait3A_393, %dma_wait3A_394] : memref<8x40x128xf32, #tpu.memory_space<vmem>> -> memref<1x40x128xf32, #tpu.memory_space<vmem>>
      %dma_wait3A_396 = tpu.memref_squeeze %dma_wait3A_395 : memref<1x40x128xf32, #tpu.memory_space<vmem>> -> memref<40x128xf32, #tpu.memory_space<vmem>>
      %dma_wait3A_397 = arith.constant 0 : i32
      %dma_wait3A_398 = tpu.memref_slice %arg7[%dma_wait3A_391, %dma_wait3A_397] : memref<16x40xi32, #tpu.memory_space<vmem>> -> memref<1x40xi32, #tpu.memory_space<vmem>>
      %dma_wait3A_399 = tpu.memref_squeeze %dma_wait3A_398 : memref<1x40xi32, #tpu.memory_space<vmem>> -> memref<40xi32, #tpu.memory_space<vmem>>
      %dma_wait3A_400 = arith.constant 0 : i32
      %dma_wait3A_401 = arith.constant 0 : i32
      %dma_wait3A_402 = tpu.memref_slice %arg2[%dma_wait3A_400, %dma_wait3A_401] : memref<80000x128xf32, #tpu.memory_space<hbm>> -> memref<80000x128xf32, #tpu.memory_space<hbm>>
      tpu.wait_indirect_dma semaphore(%arg15 : memref<!tpu.dma_semaphore, #tpu.memory_space<semaphore_mem>>) src(%dma_wait3A_402 : memref<80000x128xf32, #tpu.memory_space<hbm>>) dst(%dma_wait3A_396 : memref<40x128xf32, #tpu.memory_space<vmem>>)
      %add3A_403 = arith.constant 4 : i32
      %add3A_404 = arith.addi %mul3A_186, %add3A_403 : i32
      %dma_start3A_405 = arith.constant 4 : i32
      %dma_start3A_406 = arith.constant 0 : i32
      %dma_start3A_407 = arith.constant 0 : i32
      %dma_start3A_408 = tpu.memref_slice %arg9[%dma_start3A_405, %dma_start3A_406, %dma_start3A_407] : memref<8x40x128xf32, #tpu.memory_space<vmem>> -> memref<1x40x128xf32, #tpu.memory_space<vmem>>
      %dma_start3A_409 = tpu.memref_squeeze %dma_start3A_408 : memref<1x40x128xf32, #tpu.memory_space<vmem>> -> memref<40x128xf32, #tpu.memory_space<vmem>>
      %dma_start3A_410 = arith.constant 0 : i32
      %dma_start3A_411 = tpu.memref_slice %arg8[%add3A_404, %dma_start3A_410] : memref<16x40xi32, #tpu.memory_space<vmem>> -> memref<1x40xi32, #tpu.memory_space<vmem>>
      %dma_start3A_412 = tpu.memref_squeeze %dma_start3A_411 : memref<1x40xi32, #tpu.memory_space<vmem>> -> memref<40xi32, #tpu.memory_space<vmem>>
      %dma_start3A_413 = arith.constant 0 : i32
      %dma_start3A_414 = arith.constant 0 : i32
      %dma_start3A_415 = tpu.memref_slice %arg10[%dma_start3A_413, %dma_start3A_414] : memref<10008x128xf32, #tpu.memory_space<vmem_shared>> -> memref<10008x128xf32, #tpu.memory_space<vmem_shared>>
      tpu.enqueue_indirect_dma source(%dma_start3A_409 : memref<40x128xf32, #tpu.memory_space<vmem>>) target(%dma_start3A_415 : memref<10008x128xf32, #tpu.memory_space<vmem_shared>>) offsets(%dma_start3A_412 : memref<40xi32, #tpu.memory_space<vmem>>) semaphore(%arg23 : memref<!tpu.dma_semaphore, #tpu.memory_space<semaphore_mem>>) {add = true}
      %dma_wait3A_416 = arith.constant 0 : i32
      %dma_wait3A_417 = arith.constant 0 : i32
      %dma_wait3A_418 = arith.constant 0 : i32
      %dma_wait3A_419 = arith.constant 0 : i32
      %dma_wait3A_420 = tpu.memref_slice %arg9[%dma_wait3A_416, %dma_wait3A_418, %dma_wait3A_419] : memref<8x40x128xf32, #tpu.memory_space<vmem>> -> memref<1x40x128xf32, #tpu.memory_space<vmem>>
      %dma_wait3A_421 = tpu.memref_squeeze %dma_wait3A_420 : memref<1x40x128xf32, #tpu.memory_space<vmem>> -> memref<40x128xf32, #tpu.memory_space<vmem>>
      %dma_wait3A_422 = arith.constant 0 : i32
      %dma_wait3A_423 = tpu.memref_slice %arg8[%dma_wait3A_417, %dma_wait3A_422] : memref<16x40xi32, #tpu.memory_space<vmem>> -> memref<1x40xi32, #tpu.memory_space<vmem>>
      %dma_wait3A_424 = tpu.memref_squeeze %dma_wait3A_423 : memref<1x40xi32, #tpu.memory_space<vmem>> -> memref<40xi32, #tpu.memory_space<vmem>>
      %dma_wait3A_425 = arith.constant 0 : i32
      %dma_wait3A_426 = arith.constant 0 : i32
      %dma_wait3A_427 = tpu.memref_slice %arg10[%dma_wait3A_425, %dma_wait3A_426] : memref<10008x128xf32, #tpu.memory_space<vmem_shared>> -> memref<10008x128xf32, #tpu.memory_space<vmem_shared>>
      tpu.wait_indirect_dma semaphore(%arg19 : memref<!tpu.dma_semaphore, #tpu.memory_space<semaphore_mem>>) src(%dma_wait3A_421 : memref<40x128xf32, #tpu.memory_space<vmem>>) dst(%dma_wait3A_427 : memref<10008x128xf32, #tpu.memory_space<vmem_shared>>)
      %lt3A_428 = arith.constant 31 : i32
      %lt3A_429 = arith.cmpi slt, %scan3A_173, %lt3A_428 : i32
      %convert_element_type3A_430 = arith.extui %lt3A_429 : i1 to i32
      %cond3A_431 = arith.constant 0 : i32
      %cond3A_432 = arith.cmpi ne, %convert_element_type3A_430, %cond3A_431 : i32
      scf.if %cond3A_432 {
        %add3A_569 = arith.constant 1 : i32
        %add3A_570 = arith.addi %scan3A_173, %add3A_569 : i32
        %mul3A_571 = arith.constant 8 : i32
        %mul3A_572 = arith.muli %add3A_570, %mul3A_571 : i32
        %jit3A_573 = arith.constant 2 : i32
        %eq3A_574 = arith.constant 0 : i32
        %eq3A_575 = arith.cmpi eq, %jit3A_573, %eq3A_574 : i32
        %jit3A_576 = arith.constant 1 : i32
        %select_n3A_577 = arith.select %eq3A_575, %jit3A_576, %jit3A_573 : i32
        %rem3A_578 = arith.remsi %add3A_570, %select_n3A_577 : i32
        %ne3A_579 = arith.constant 0 : i32
        %ne3A_580 = arith.cmpi ne, %rem3A_578, %ne3A_579 : i32
        %lt3A_581 = arith.constant 0 : i32
        %lt3A_582 = arith.cmpi slt, %rem3A_578, %lt3A_581 : i32
        %lt3A_583 = arith.constant 0 : i32
        %lt3A_584 = arith.cmpi slt, %select_n3A_577, %lt3A_583 : i32
        %ne3A_585 = arith.xori %lt3A_582, %lt3A_584 : i1
        %and3A_586 = arith.andi %ne3A_585, %ne3A_580 : i1
        %add3A_587 = arith.addi %rem3A_578, %select_n3A_577 : i32
        %select_n3A_588 = arith.select %and3A_586, %add3A_587, %rem3A_578 : i32
        %mul3A_589 = arith.constant 8 : i32
        %mul3A_590 = arith.muli %select_n3A_588, %mul3A_589 : i32
        %dma_start3A_591 = arith.constant 0 : i32
        %dma_start3A_592 = tpu.memref_slice %arg8[%mul3A_590, %dma_start3A_591] : memref<16x40xi32, #tpu.memory_space<vmem>> -> memref<8x40xi32, #tpu.memory_space<vmem>>
        %dma_start3A_593 = arith.constant 0 : i32
        %dma_start3A_594 = tpu.memref_slice %arg4[%add3A, %mul3A_572, %dma_start3A_593] : memref<32x256x40xi32, #tpu.memory_space<hbm>> -> memref<1x8x40xi32, #tpu.memory_space<hbm>>
        %dma_start3A_595 = tpu.memref_squeeze %dma_start3A_594 : memref<1x8x40xi32, #tpu.memory_space<hbm>> -> memref<8x40xi32, #tpu.memory_space<hbm>>
        %dma_start3A_596 = arith.constant 0 : i32
        %dma_start3A_597 = tpu.memref_slice %arg8[%mul3A_590, %dma_start3A_596] : memref<16x40xi32, #tpu.memory_space<vmem>> -> memref<8x40xi32, #tpu.memory_space<vmem>>
        %dma_start3A_598 = arith.constant 0 : i32
        %dma_start3A_599 = tpu.memref_slice %arg4[%add3A, %mul3A_572, %dma_start3A_598] : memref<32x256x40xi32, #tpu.memory_space<hbm>> -> memref<1x8x40xi32, #tpu.memory_space<hbm>>
        %dma_start3A_600 = tpu.memref_squeeze %dma_start3A_599 : memref<1x8x40xi32, #tpu.memory_space<hbm>> -> memref<8x40xi32, #tpu.memory_space<hbm>>
        tpu.enqueue_dma source(%dma_start3A_600 : memref<8x40xi32, #tpu.memory_space<hbm>>) target(%dma_start3A_597 : memref<8x40xi32, #tpu.memory_space<vmem>>) target_semaphore(%arg28 : memref<!tpu.dma_semaphore, #tpu.memory_space<semaphore_mem>>)
        %dma_wait3A_601 = arith.constant 0 : i32
        %dma_wait3A_602 = arith.constant 0 : i32
        %dma_wait3A_603 = tpu.memref_slice %arg7[%dma_wait3A_601, %dma_wait3A_602] : memref<16x40xi32, #tpu.memory_space<vmem>> -> memref<8x40xi32, #tpu.memory_space<vmem>>
        %dma_wait3A_604 = arith.constant 0 : i32
        %dma_wait3A_605 = arith.constant 0 : i32
        %dma_wait3A_606 = tpu.memref_slice %arg3[%add3A, %dma_wait3A_604, %dma_wait3A_605] : memref<32x256x40xi32, #tpu.memory_space<hbm>> -> memref<1x8x40xi32, #tpu.memory_space<hbm>>
        %dma_wait3A_607 = tpu.memref_squeeze %dma_wait3A_606 : memref<1x8x40xi32, #tpu.memory_space<hbm>> -> memref<8x40xi32, #tpu.memory_space<hbm>>
        %dma_wait3A_608 = arith.constant 0 : i32
        %dma_wait3A_609 = arith.constant 0 : i32
        %dma_wait3A_610 = tpu.memref_slice %arg7[%dma_wait3A_608, %dma_wait3A_609] : memref<16x40xi32, #tpu.memory_space<vmem>> -> memref<8x40xi32, #tpu.memory_space<vmem>>
        %dma_wait3A_611 = arith.constant 0 : i32
        %dma_wait3A_612 = arith.constant 0 : i32
        %dma_wait3A_613 = tpu.memref_slice %arg3[%add3A, %dma_wait3A_611, %dma_wait3A_612] : memref<32x256x40xi32, #tpu.memory_space<hbm>> -> memref<1x8x40xi32, #tpu.memory_space<hbm>>
        %dma_wait3A_614 = tpu.memref_squeeze %dma_wait3A_613 : memref<1x8x40xi32, #tpu.memory_space<hbm>> -> memref<8x40xi32, #tpu.memory_space<hbm>>
        tpu.wait_dma2 semaphore(%arg27 : memref<!tpu.dma_semaphore, #tpu.memory_space<semaphore_mem>>) src(%dma_wait3A_614 : memref<8x40xi32, #tpu.memory_space<hbm>>) dst(%dma_wait3A_610 : memref<8x40xi32, #tpu.memory_space<vmem>>)
      } else {
      }
      %lt3A_433 = arith.constant 31 : i32
      %lt3A_434 = arith.cmpi slt, %scan3A_173, %lt3A_433 : i32
      %convert_element_type3A_435 = arith.extui %lt3A_434 : i1 to i32
      %cond3A_436 = arith.constant 0 : i32
      %cond3A_437 = arith.cmpi ne, %convert_element_type3A_435, %cond3A_436 : i32
      scf.if %cond3A_437 {
        %add3A_569 = arith.constant 4 : i32
        %add3A_570 = arith.addi %mul3A_206, %add3A_569 : i32
        %sub3A = arith.constant 4 : i32
        %sub3A_571 = arith.subi %add3A_570, %sub3A : i32
        %dma_start3A_572 = arith.constant 0 : i32
        %dma_start3A_573 = arith.constant 0 : i32
        %dma_start3A_574 = arith.constant 0 : i32
        %dma_start3A_575 = tpu.memref_slice %arg9[%dma_start3A_572, %dma_start3A_573, %dma_start3A_574] : memref<8x40x128xf32, #tpu.memory_space<vmem>> -> memref<1x40x128xf32, #tpu.memory_space<vmem>>
        %dma_start3A_576 = tpu.memref_squeeze %dma_start3A_575 : memref<1x40x128xf32, #tpu.memory_space<vmem>> -> memref<40x128xf32, #tpu.memory_space<vmem>>
        %dma_start3A_577 = arith.constant 0 : i32
        %dma_start3A_578 = tpu.memref_slice %arg7[%sub3A_571, %dma_start3A_577] : memref<16x40xi32, #tpu.memory_space<vmem>> -> memref<1x40xi32, #tpu.memory_space<vmem>>
        %dma_start3A_579 = tpu.memref_squeeze %dma_start3A_578 : memref<1x40xi32, #tpu.memory_space<vmem>> -> memref<40xi32, #tpu.memory_space<vmem>>
        %dma_start3A_580 = arith.constant 0 : i32
        %dma_start3A_581 = arith.constant 0 : i32
        %dma_start3A_582 = tpu.memref_slice %arg2[%dma_start3A_580, %dma_start3A_581] : memref<80000x128xf32, #tpu.memory_space<hbm>> -> memref<80000x128xf32, #tpu.memory_space<hbm>>
        tpu.enqueue_indirect_dma source(%dma_start3A_582 : memref<80000x128xf32, #tpu.memory_space<hbm>>) target(%dma_start3A_576 : memref<40x128xf32, #tpu.memory_space<vmem>>) offsets(%dma_start3A_579 : memref<40xi32, #tpu.memory_space<vmem>>) semaphore(%arg11 : memref<!tpu.dma_semaphore, #tpu.memory_space<semaphore_mem>>)
      } else {
      }
      %dma_wait3A_438 = arith.constant 0 : i32
      %dma_wait3A_439 = arith.constant 0 : i32
      %dma_wait3A_440 = arith.constant 0 : i32
      %dma_wait3A_441 = arith.constant 0 : i32
      %dma_wait3A_442 = tpu.memref_slice %arg9[%dma_wait3A_439, %dma_wait3A_440, %dma_wait3A_441] : memref<8x40x128xf32, #tpu.memory_space<vmem>> -> memref<1x40x128xf32, #tpu.memory_space<vmem>>
      %dma_wait3A_443 = tpu.memref_squeeze %dma_wait3A_442 : memref<1x40x128xf32, #tpu.memory_space<vmem>> -> memref<40x128xf32, #tpu.memory_space<vmem>>
      %dma_wait3A_444 = arith.constant 0 : i32
      %dma_wait3A_445 = tpu.memref_slice %arg7[%dma_wait3A_438, %dma_wait3A_444] : memref<16x40xi32, #tpu.memory_space<vmem>> -> memref<1x40xi32, #tpu.memory_space<vmem>>
      %dma_wait3A_446 = tpu.memref_squeeze %dma_wait3A_445 : memref<1x40xi32, #tpu.memory_space<vmem>> -> memref<40xi32, #tpu.memory_space<vmem>>
      %dma_wait3A_447 = arith.constant 0 : i32
      %dma_wait3A_448 = arith.constant 0 : i32
      %dma_wait3A_449 = tpu.memref_slice %arg2[%dma_wait3A_447, %dma_wait3A_448] : memref<80000x128xf32, #tpu.memory_space<hbm>> -> memref<80000x128xf32, #tpu.memory_space<hbm>>
      tpu.wait_indirect_dma semaphore(%arg16 : memref<!tpu.dma_semaphore, #tpu.memory_space<semaphore_mem>>) src(%dma_wait3A_449 : memref<80000x128xf32, #tpu.memory_space<hbm>>) dst(%dma_wait3A_443 : memref<40x128xf32, #tpu.memory_space<vmem>>)
      %add3A_450 = arith.constant 5 : i32
      %add3A_451 = arith.addi %mul3A_186, %add3A_450 : i32
      %dma_start3A_452 = arith.constant 5 : i32
      %dma_start3A_453 = arith.constant 0 : i32
      %dma_start3A_454 = arith.constant 0 : i32
      %dma_start3A_455 = tpu.memref_slice %arg9[%dma_start3A_452, %dma_start3A_453, %dma_start3A_454] : memref<8x40x128xf32, #tpu.memory_space<vmem>> -> memref<1x40x128xf32, #tpu.memory_space<vmem>>
      %dma_start3A_456 = tpu.memref_squeeze %dma_start3A_455 : memref<1x40x128xf32, #tpu.memory_space<vmem>> -> memref<40x128xf32, #tpu.memory_space<vmem>>
      %dma_start3A_457 = arith.constant 0 : i32
      %dma_start3A_458 = tpu.memref_slice %arg8[%add3A_451, %dma_start3A_457] : memref<16x40xi32, #tpu.memory_space<vmem>> -> memref<1x40xi32, #tpu.memory_space<vmem>>
      %dma_start3A_459 = tpu.memref_squeeze %dma_start3A_458 : memref<1x40xi32, #tpu.memory_space<vmem>> -> memref<40xi32, #tpu.memory_space<vmem>>
      %dma_start3A_460 = arith.constant 0 : i32
      %dma_start3A_461 = arith.constant 0 : i32
      %dma_start3A_462 = tpu.memref_slice %arg10[%dma_start3A_460, %dma_start3A_461] : memref<10008x128xf32, #tpu.memory_space<vmem_shared>> -> memref<10008x128xf32, #tpu.memory_space<vmem_shared>>
      tpu.enqueue_indirect_dma source(%dma_start3A_456 : memref<40x128xf32, #tpu.memory_space<vmem>>) target(%dma_start3A_462 : memref<10008x128xf32, #tpu.memory_space<vmem_shared>>) offsets(%dma_start3A_459 : memref<40xi32, #tpu.memory_space<vmem>>) semaphore(%arg24 : memref<!tpu.dma_semaphore, #tpu.memory_space<semaphore_mem>>) {add = true}
      %dma_wait3A_463 = arith.constant 0 : i32
      %dma_wait3A_464 = arith.constant 0 : i32
      %dma_wait3A_465 = arith.constant 0 : i32
      %dma_wait3A_466 = arith.constant 0 : i32
      %dma_wait3A_467 = tpu.memref_slice %arg9[%dma_wait3A_463, %dma_wait3A_465, %dma_wait3A_466] : memref<8x40x128xf32, #tpu.memory_space<vmem>> -> memref<1x40x128xf32, #tpu.memory_space<vmem>>
      %dma_wait3A_468 = tpu.memref_squeeze %dma_wait3A_467 : memref<1x40x128xf32, #tpu.memory_space<vmem>> -> memref<40x128xf32, #tpu.memory_space<vmem>>
      %dma_wait3A_469 = arith.constant 0 : i32
      %dma_wait3A_470 = tpu.memref_slice %arg8[%dma_wait3A_464, %dma_wait3A_469] : memref<16x40xi32, #tpu.memory_space<vmem>> -> memref<1x40xi32, #tpu.memory_space<vmem>>
      %dma_wait3A_471 = tpu.memref_squeeze %dma_wait3A_470 : memref<1x40xi32, #tpu.memory_space<vmem>> -> memref<40xi32, #tpu.memory_space<vmem>>
      %dma_wait3A_472 = arith.constant 0 : i32
      %dma_wait3A_473 = arith.constant 0 : i32
      %dma_wait3A_474 = tpu.memref_slice %arg10[%dma_wait3A_472, %dma_wait3A_473] : memref<10008x128xf32, #tpu.memory_space<vmem_shared>> -> memref<10008x128xf32, #tpu.memory_space<vmem_shared>>
      tpu.wait_indirect_dma semaphore(%arg20 : memref<!tpu.dma_semaphore, #tpu.memory_space<semaphore_mem>>) src(%dma_wait3A_468 : memref<40x128xf32, #tpu.memory_space<vmem>>) dst(%dma_wait3A_474 : memref<10008x128xf32, #tpu.memory_space<vmem_shared>>)
      %lt3A_475 = arith.constant 31 : i32
      %lt3A_476 = arith.cmpi slt, %scan3A_173, %lt3A_475 : i32
      %convert_element_type3A_477 = arith.extui %lt3A_476 : i1 to i32
      %cond3A_478 = arith.constant 0 : i32
      %cond3A_479 = arith.cmpi ne, %convert_element_type3A_477, %cond3A_478 : i32
      scf.if %cond3A_479 {
        %add3A_569 = arith.constant 5 : i32
        %add3A_570 = arith.addi %mul3A_206, %add3A_569 : i32
        %sub3A = arith.constant 4 : i32
        %sub3A_571 = arith.subi %add3A_570, %sub3A : i32
        %dma_start3A_572 = arith.constant 1 : i32
        %dma_start3A_573 = arith.constant 0 : i32
        %dma_start3A_574 = arith.constant 0 : i32
        %dma_start3A_575 = tpu.memref_slice %arg9[%dma_start3A_572, %dma_start3A_573, %dma_start3A_574] : memref<8x40x128xf32, #tpu.memory_space<vmem>> -> memref<1x40x128xf32, #tpu.memory_space<vmem>>
        %dma_start3A_576 = tpu.memref_squeeze %dma_start3A_575 : memref<1x40x128xf32, #tpu.memory_space<vmem>> -> memref<40x128xf32, #tpu.memory_space<vmem>>
        %dma_start3A_577 = arith.constant 0 : i32
        %dma_start3A_578 = tpu.memref_slice %arg7[%sub3A_571, %dma_start3A_577] : memref<16x40xi32, #tpu.memory_space<vmem>> -> memref<1x40xi32, #tpu.memory_space<vmem>>
        %dma_start3A_579 = tpu.memref_squeeze %dma_start3A_578 : memref<1x40xi32, #tpu.memory_space<vmem>> -> memref<40xi32, #tpu.memory_space<vmem>>
        %dma_start3A_580 = arith.constant 0 : i32
        %dma_start3A_581 = arith.constant 0 : i32
        %dma_start3A_582 = tpu.memref_slice %arg2[%dma_start3A_580, %dma_start3A_581] : memref<80000x128xf32, #tpu.memory_space<hbm>> -> memref<80000x128xf32, #tpu.memory_space<hbm>>
        tpu.enqueue_indirect_dma source(%dma_start3A_582 : memref<80000x128xf32, #tpu.memory_space<hbm>>) target(%dma_start3A_576 : memref<40x128xf32, #tpu.memory_space<vmem>>) offsets(%dma_start3A_579 : memref<40xi32, #tpu.memory_space<vmem>>) semaphore(%arg12 : memref<!tpu.dma_semaphore, #tpu.memory_space<semaphore_mem>>)
      } else {
      }
      %dma_wait3A_480 = arith.constant 0 : i32
      %dma_wait3A_481 = arith.constant 0 : i32
      %dma_wait3A_482 = arith.constant 0 : i32
      %dma_wait3A_483 = arith.constant 0 : i32
      %dma_wait3A_484 = tpu.memref_slice %arg9[%dma_wait3A_481, %dma_wait3A_482, %dma_wait3A_483] : memref<8x40x128xf32, #tpu.memory_space<vmem>> -> memref<1x40x128xf32, #tpu.memory_space<vmem>>
      %dma_wait3A_485 = tpu.memref_squeeze %dma_wait3A_484 : memref<1x40x128xf32, #tpu.memory_space<vmem>> -> memref<40x128xf32, #tpu.memory_space<vmem>>
      %dma_wait3A_486 = arith.constant 0 : i32
      %dma_wait3A_487 = tpu.memref_slice %arg7[%dma_wait3A_480, %dma_wait3A_486] : memref<16x40xi32, #tpu.memory_space<vmem>> -> memref<1x40xi32, #tpu.memory_space<vmem>>
      %dma_wait3A_488 = tpu.memref_squeeze %dma_wait3A_487 : memref<1x40xi32, #tpu.memory_space<vmem>> -> memref<40xi32, #tpu.memory_space<vmem>>
      %dma_wait3A_489 = arith.constant 0 : i32
      %dma_wait3A_490 = arith.constant 0 : i32
      %dma_wait3A_491 = tpu.memref_slice %arg2[%dma_wait3A_489, %dma_wait3A_490] : memref<80000x128xf32, #tpu.memory_space<hbm>> -> memref<80000x128xf32, #tpu.memory_space<hbm>>
      tpu.wait_indirect_dma semaphore(%arg17 : memref<!tpu.dma_semaphore, #tpu.memory_space<semaphore_mem>>) src(%dma_wait3A_491 : memref<80000x128xf32, #tpu.memory_space<hbm>>) dst(%dma_wait3A_485 : memref<40x128xf32, #tpu.memory_space<vmem>>)
      %add3A_492 = arith.constant 6 : i32
      %add3A_493 = arith.addi %mul3A_186, %add3A_492 : i32
      %dma_start3A_494 = arith.constant 6 : i32
      %dma_start3A_495 = arith.constant 0 : i32
      %dma_start3A_496 = arith.constant 0 : i32
      %dma_start3A_497 = tpu.memref_slice %arg9[%dma_start3A_494, %dma_start3A_495, %dma_start3A_496] : memref<8x40x128xf32, #tpu.memory_space<vmem>> -> memref<1x40x128xf32, #tpu.memory_space<vmem>>
      %dma_start3A_498 = tpu.memref_squeeze %dma_start3A_497 : memref<1x40x128xf32, #tpu.memory_space<vmem>> -> memref<40x128xf32, #tpu.memory_space<vmem>>
      %dma_start3A_499 = arith.constant 0 : i32
      %dma_start3A_500 = tpu.memref_slice %arg8[%add3A_493, %dma_start3A_499] : memref<16x40xi32, #tpu.memory_space<vmem>> -> memref<1x40xi32, #tpu.memory_space<vmem>>
      %dma_start3A_501 = tpu.memref_squeeze %dma_start3A_500 : memref<1x40xi32, #tpu.memory_space<vmem>> -> memref<40xi32, #tpu.memory_space<vmem>>
      %dma_start3A_502 = arith.constant 0 : i32
      %dma_start3A_503 = arith.constant 0 : i32
      %dma_start3A_504 = tpu.memref_slice %arg10[%dma_start3A_502, %dma_start3A_503] : memref<10008x128xf32, #tpu.memory_space<vmem_shared>> -> memref<10008x128xf32, #tpu.memory_space<vmem_shared>>
      tpu.enqueue_indirect_dma source(%dma_start3A_498 : memref<40x128xf32, #tpu.memory_space<vmem>>) target(%dma_start3A_504 : memref<10008x128xf32, #tpu.memory_space<vmem_shared>>) offsets(%dma_start3A_501 : memref<40xi32, #tpu.memory_space<vmem>>) semaphore(%arg25 : memref<!tpu.dma_semaphore, #tpu.memory_space<semaphore_mem>>) {add = true}
      %dma_wait3A_505 = arith.constant 0 : i32
      %dma_wait3A_506 = arith.constant 0 : i32
      %dma_wait3A_507 = arith.constant 0 : i32
      %dma_wait3A_508 = arith.constant 0 : i32
      %dma_wait3A_509 = tpu.memref_slice %arg9[%dma_wait3A_505, %dma_wait3A_507, %dma_wait3A_508] : memref<8x40x128xf32, #tpu.memory_space<vmem>> -> memref<1x40x128xf32, #tpu.memory_space<vmem>>
      %dma_wait3A_510 = tpu.memref_squeeze %dma_wait3A_509 : memref<1x40x128xf32, #tpu.memory_space<vmem>> -> memref<40x128xf32, #tpu.memory_space<vmem>>
      %dma_wait3A_511 = arith.constant 0 : i32
      %dma_wait3A_512 = tpu.memref_slice %arg8[%dma_wait3A_506, %dma_wait3A_511] : memref<16x40xi32, #tpu.memory_space<vmem>> -> memref<1x40xi32, #tpu.memory_space<vmem>>
      %dma_wait3A_513 = tpu.memref_squeeze %dma_wait3A_512 : memref<1x40xi32, #tpu.memory_space<vmem>> -> memref<40xi32, #tpu.memory_space<vmem>>
      %dma_wait3A_514 = arith.constant 0 : i32
      %dma_wait3A_515 = arith.constant 0 : i32
      %dma_wait3A_516 = tpu.memref_slice %arg10[%dma_wait3A_514, %dma_wait3A_515] : memref<10008x128xf32, #tpu.memory_space<vmem_shared>> -> memref<10008x128xf32, #tpu.memory_space<vmem_shared>>
      tpu.wait_indirect_dma semaphore(%arg21 : memref<!tpu.dma_semaphore, #tpu.memory_space<semaphore_mem>>) src(%dma_wait3A_510 : memref<40x128xf32, #tpu.memory_space<vmem>>) dst(%dma_wait3A_516 : memref<10008x128xf32, #tpu.memory_space<vmem_shared>>)
      %lt3A_517 = arith.constant 31 : i32
      %lt3A_518 = arith.cmpi slt, %scan3A_173, %lt3A_517 : i32
      %convert_element_type3A_519 = arith.extui %lt3A_518 : i1 to i32
      %cond3A_520 = arith.constant 0 : i32
      %cond3A_521 = arith.cmpi ne, %convert_element_type3A_519, %cond3A_520 : i32
      scf.if %cond3A_521 {
        %add3A_569 = arith.constant 6 : i32
        %add3A_570 = arith.addi %mul3A_206, %add3A_569 : i32
        %sub3A = arith.constant 4 : i32
        %sub3A_571 = arith.subi %add3A_570, %sub3A : i32
        %dma_start3A_572 = arith.constant 2 : i32
        %dma_start3A_573 = arith.constant 0 : i32
        %dma_start3A_574 = arith.constant 0 : i32
        %dma_start3A_575 = tpu.memref_slice %arg9[%dma_start3A_572, %dma_start3A_573, %dma_start3A_574] : memref<8x40x128xf32, #tpu.memory_space<vmem>> -> memref<1x40x128xf32, #tpu.memory_space<vmem>>
        %dma_start3A_576 = tpu.memref_squeeze %dma_start3A_575 : memref<1x40x128xf32, #tpu.memory_space<vmem>> -> memref<40x128xf32, #tpu.memory_space<vmem>>
        %dma_start3A_577 = arith.constant 0 : i32
        %dma_start3A_578 = tpu.memref_slice %arg7[%sub3A_571, %dma_start3A_577] : memref<16x40xi32, #tpu.memory_space<vmem>> -> memref<1x40xi32, #tpu.memory_space<vmem>>
        %dma_start3A_579 = tpu.memref_squeeze %dma_start3A_578 : memref<1x40xi32, #tpu.memory_space<vmem>> -> memref<40xi32, #tpu.memory_space<vmem>>
        %dma_start3A_580 = arith.constant 0 : i32
        %dma_start3A_581 = arith.constant 0 : i32
        %dma_start3A_582 = tpu.memref_slice %arg2[%dma_start3A_580, %dma_start3A_581] : memref<80000x128xf32, #tpu.memory_space<hbm>> -> memref<80000x128xf32, #tpu.memory_space<hbm>>
        tpu.enqueue_indirect_dma source(%dma_start3A_582 : memref<80000x128xf32, #tpu.memory_space<hbm>>) target(%dma_start3A_576 : memref<40x128xf32, #tpu.memory_space<vmem>>) offsets(%dma_start3A_579 : memref<40xi32, #tpu.memory_space<vmem>>) semaphore(%arg13 : memref<!tpu.dma_semaphore, #tpu.memory_space<semaphore_mem>>)
      } else {
      }
      %dma_wait3A_522 = arith.constant 0 : i32
      %dma_wait3A_523 = arith.constant 0 : i32
      %dma_wait3A_524 = arith.constant 0 : i32
      %dma_wait3A_525 = arith.constant 0 : i32
      %dma_wait3A_526 = tpu.memref_slice %arg9[%dma_wait3A_523, %dma_wait3A_524, %dma_wait3A_525] : memref<8x40x128xf32, #tpu.memory_space<vmem>> -> memref<1x40x128xf32, #tpu.memory_space<vmem>>
      %dma_wait3A_527 = tpu.memref_squeeze %dma_wait3A_526 : memref<1x40x128xf32, #tpu.memory_space<vmem>> -> memref<40x128xf32, #tpu.memory_space<vmem>>
      %dma_wait3A_528 = arith.constant 0 : i32
      %dma_wait3A_529 = tpu.memref_slice %arg7[%dma_wait3A_522, %dma_wait3A_528] : memref<16x40xi32, #tpu.memory_space<vmem>> -> memref<1x40xi32, #tpu.memory_space<vmem>>
      %dma_wait3A_530 = tpu.memref_squeeze %dma_wait3A_529 : memref<1x40xi32, #tpu.memory_space<vmem>> -> memref<40xi32, #tpu.memory_space<vmem>>
      %dma_wait3A_531 = arith.constant 0 : i32
      %dma_wait3A_532 = arith.constant 0 : i32
      %dma_wait3A_533 = tpu.memref_slice %arg2[%dma_wait3A_531, %dma_wait3A_532] : memref<80000x128xf32, #tpu.memory_space<hbm>> -> memref<80000x128xf32, #tpu.memory_space<hbm>>
      tpu.wait_indirect_dma semaphore(%arg18 : memref<!tpu.dma_semaphore, #tpu.memory_space<semaphore_mem>>) src(%dma_wait3A_533 : memref<80000x128xf32, #tpu.memory_space<hbm>>) dst(%dma_wait3A_527 : memref<40x128xf32, #tpu.memory_space<vmem>>)
      %add3A_534 = arith.constant 7 : i32
      %add3A_535 = arith.addi %mul3A_186, %add3A_534 : i32
      %dma_start3A_536 = arith.constant 7 : i32
      %dma_start3A_537 = arith.constant 0 : i32
      %dma_start3A_538 = arith.constant 0 : i32
      %dma_start3A_539 = tpu.memref_slice %arg9[%dma_start3A_536, %dma_start3A_537, %dma_start3A_538] : memref<8x40x128xf32, #tpu.memory_space<vmem>> -> memref<1x40x128xf32, #tpu.memory_space<vmem>>
      %dma_start3A_540 = tpu.memref_squeeze %dma_start3A_539 : memref<1x40x128xf32, #tpu.memory_space<vmem>> -> memref<40x128xf32, #tpu.memory_space<vmem>>
      %dma_start3A_541 = arith.constant 0 : i32
      %dma_start3A_542 = tpu.memref_slice %arg8[%add3A_535, %dma_start3A_541] : memref<16x40xi32, #tpu.memory_space<vmem>> -> memref<1x40xi32, #tpu.memory_space<vmem>>
      %dma_start3A_543 = tpu.memref_squeeze %dma_start3A_542 : memref<1x40xi32, #tpu.memory_space<vmem>> -> memref<40xi32, #tpu.memory_space<vmem>>
      %dma_start3A_544 = arith.constant 0 : i32
      %dma_start3A_545 = arith.constant 0 : i32
      %dma_start3A_546 = tpu.memref_slice %arg10[%dma_start3A_544, %dma_start3A_545] : memref<10008x128xf32, #tpu.memory_space<vmem_shared>> -> memref<10008x128xf32, #tpu.memory_space<vmem_shared>>
      tpu.enqueue_indirect_dma source(%dma_start3A_540 : memref<40x128xf32, #tpu.memory_space<vmem>>) target(%dma_start3A_546 : memref<10008x128xf32, #tpu.memory_space<vmem_shared>>) offsets(%dma_start3A_543 : memref<40xi32, #tpu.memory_space<vmem>>) semaphore(%arg26 : memref<!tpu.dma_semaphore, #tpu.memory_space<semaphore_mem>>) {add = true}
      %dma_wait3A_547 = arith.constant 0 : i32
      %dma_wait3A_548 = arith.constant 0 : i32
      %dma_wait3A_549 = arith.constant 0 : i32
      %dma_wait3A_550 = arith.constant 0 : i32
      %dma_wait3A_551 = tpu.memref_slice %arg9[%dma_wait3A_547, %dma_wait3A_549, %dma_wait3A_550] : memref<8x40x128xf32, #tpu.memory_space<vmem>> -> memref<1x40x128xf32, #tpu.memory_space<vmem>>
      %dma_wait3A_552 = tpu.memref_squeeze %dma_wait3A_551 : memref<1x40x128xf32, #tpu.memory_space<vmem>> -> memref<40x128xf32, #tpu.memory_space<vmem>>
      %dma_wait3A_553 = arith.constant 0 : i32
      %dma_wait3A_554 = tpu.memref_slice %arg8[%dma_wait3A_548, %dma_wait3A_553] : memref<16x40xi32, #tpu.memory_space<vmem>> -> memref<1x40xi32, #tpu.memory_space<vmem>>
      %dma_wait3A_555 = tpu.memref_squeeze %dma_wait3A_554 : memref<1x40xi32, #tpu.memory_space<vmem>> -> memref<40xi32, #tpu.memory_space<vmem>>
      %dma_wait3A_556 = arith.constant 0 : i32
      %dma_wait3A_557 = arith.constant 0 : i32
      %dma_wait3A_558 = tpu.memref_slice %arg10[%dma_wait3A_556, %dma_wait3A_557] : memref<10008x128xf32, #tpu.memory_space<vmem_shared>> -> memref<10008x128xf32, #tpu.memory_space<vmem_shared>>
      tpu.wait_indirect_dma semaphore(%arg22 : memref<!tpu.dma_semaphore, #tpu.memory_space<semaphore_mem>>) src(%dma_wait3A_552 : memref<40x128xf32, #tpu.memory_space<vmem>>) dst(%dma_wait3A_558 : memref<10008x128xf32, #tpu.memory_space<vmem_shared>>)
      %lt3A_559 = arith.constant 31 : i32
      %lt3A_560 = arith.cmpi slt, %scan3A_173, %lt3A_559 : i32
      %convert_element_type3A_561 = arith.extui %lt3A_560 : i1 to i32
      %cond3A_562 = arith.constant 0 : i32
      %cond3A_563 = arith.cmpi ne, %convert_element_type3A_561, %cond3A_562 : i32
      scf.if %cond3A_563 {
        %add3A_569 = arith.constant 7 : i32
        %add3A_570 = arith.addi %mul3A_206, %add3A_569 : i32
        %sub3A = arith.constant 4 : i32
        %sub3A_571 = arith.subi %add3A_570, %sub3A : i32
        %dma_start3A_572 = arith.constant 3 : i32
        %dma_start3A_573 = arith.constant 0 : i32
        %dma_start3A_574 = arith.constant 0 : i32
        %dma_start3A_575 = tpu.memref_slice %arg9[%dma_start3A_572, %dma_start3A_573, %dma_start3A_574] : memref<8x40x128xf32, #tpu.memory_space<vmem>> -> memref<1x40x128xf32, #tpu.memory_space<vmem>>
        %dma_start3A_576 = tpu.memref_squeeze %dma_start3A_575 : memref<1x40x128xf32, #tpu.memory_space<vmem>> -> memref<40x128xf32, #tpu.memory_space<vmem>>
        %dma_start3A_577 = arith.constant 0 : i32
        %dma_start3A_578 = tpu.memref_slice %arg7[%sub3A_571, %dma_start3A_577] : memref<16x40xi32, #tpu.memory_space<vmem>> -> memref<1x40xi32, #tpu.memory_space<vmem>>
        %dma_start3A_579 = tpu.memref_squeeze %dma_start3A_578 : memref<1x40xi32, #tpu.memory_space<vmem>> -> memref<40xi32, #tpu.memory_space<vmem>>
        %dma_start3A_580 = arith.constant 0 : i32
        %dma_start3A_581 = arith.constant 0 : i32
        %dma_start3A_582 = tpu.memref_slice %arg2[%dma_start3A_580, %dma_start3A_581] : memref<80000x128xf32, #tpu.memory_space<hbm>> -> memref<80000x128xf32, #tpu.memory_space<hbm>>
        tpu.enqueue_indirect_dma source(%dma_start3A_582 : memref<80000x128xf32, #tpu.memory_space<hbm>>) target(%dma_start3A_576 : memref<40x128xf32, #tpu.memory_space<vmem>>) offsets(%dma_start3A_579 : memref<40xi32, #tpu.memory_space<vmem>>) semaphore(%arg14 : memref<!tpu.dma_semaphore, #tpu.memory_space<semaphore_mem>>)
      } else {
      }
      %lt3A_564 = arith.constant 31 : i32
      %lt3A_565 = arith.cmpi slt, %scan3A_173, %lt3A_564 : i32
      %convert_element_type3A_566 = arith.extui %lt3A_565 : i1 to i32
      %cond3A_567 = arith.constant 0 : i32
      %cond3A_568 = arith.cmpi ne, %convert_element_type3A_566, %cond3A_567 : i32
      scf.if %cond3A_568 {
        %dma_wait3A_569 = arith.constant 0 : i32
        %dma_wait3A_570 = arith.constant 0 : i32
        %dma_wait3A_571 = tpu.memref_slice %arg8[%dma_wait3A_569, %dma_wait3A_570] : memref<16x40xi32, #tpu.memory_space<vmem>> -> memref<8x40xi32, #tpu.memory_space<vmem>>
        %dma_wait3A_572 = arith.constant 0 : i32
        %dma_wait3A_573 = arith.constant 0 : i32
        %dma_wait3A_574 = tpu.memref_slice %arg4[%add3A, %dma_wait3A_572, %dma_wait3A_573] : memref<32x256x40xi32, #tpu.memory_space<hbm>> -> memref<1x8x40xi32, #tpu.memory_space<hbm>>
        %dma_wait3A_575 = tpu.memref_squeeze %dma_wait3A_574 : memref<1x8x40xi32, #tpu.memory_space<hbm>> -> memref<8x40xi32, #tpu.memory_space<hbm>>
        %dma_wait3A_576 = arith.constant 0 : i32
        %dma_wait3A_577 = arith.constant 0 : i32
        %dma_wait3A_578 = tpu.memref_slice %arg8[%dma_wait3A_576, %dma_wait3A_577] : memref<16x40xi32, #tpu.memory_space<vmem>> -> memref<8x40xi32, #tpu.memory_space<vmem>>
        %dma_wait3A_579 = arith.constant 0 : i32
        %dma_wait3A_580 = arith.constant 0 : i32
        %dma_wait3A_581 = tpu.memref_slice %arg4[%add3A, %dma_wait3A_579, %dma_wait3A_580] : memref<32x256x40xi32, #tpu.memory_space<hbm>> -> memref<1x8x40xi32, #tpu.memory_space<hbm>>
        %dma_wait3A_582 = tpu.memref_squeeze %dma_wait3A_581 : memref<1x8x40xi32, #tpu.memory_space<hbm>> -> memref<8x40xi32, #tpu.memory_space<hbm>>
        tpu.wait_dma2 semaphore(%arg28 : memref<!tpu.dma_semaphore, #tpu.memory_space<semaphore_mem>>) src(%dma_wait3A_582 : memref<8x40xi32, #tpu.memory_space<hbm>>) dst(%dma_wait3A_578 : memref<8x40xi32, #tpu.memory_space<vmem>>)
      } else {
      }
    }
    %scan3A_113 = arith.constant 32 : i32
    %dma_wait3A_114 = arith.constant 0 : i32
    %dma_wait3A_115 = arith.constant 0 : i32
    %dma_wait3A_116 = arith.constant 0 : i32
    %dma_wait3A_117 = arith.constant 0 : i32
    %dma_wait3A_118 = tpu.memref_slice %arg9[%dma_wait3A_114, %dma_wait3A_116, %dma_wait3A_117] : memref<8x40x128xf32, #tpu.memory_space<vmem>> -> memref<1x40x128xf32, #tpu.memory_space<vmem>>
    %dma_wait3A_119 = tpu.memref_squeeze %dma_wait3A_118 : memref<1x40x128xf32, #tpu.memory_space<vmem>> -> memref<40x128xf32, #tpu.memory_space<vmem>>
    %dma_wait3A_120 = arith.constant 0 : i32
    %dma_wait3A_121 = tpu.memref_slice %arg8[%dma_wait3A_115, %dma_wait3A_120] : memref<16x40xi32, #tpu.memory_space<vmem>> -> memref<1x40xi32, #tpu.memory_space<vmem>>
    %dma_wait3A_122 = tpu.memref_squeeze %dma_wait3A_121 : memref<1x40xi32, #tpu.memory_space<vmem>> -> memref<40xi32, #tpu.memory_space<vmem>>
    %dma_wait3A_123 = arith.constant 0 : i32
    %dma_wait3A_124 = arith.constant 0 : i32
    %dma_wait3A_125 = tpu.memref_slice %arg10[%dma_wait3A_123, %dma_wait3A_124] : memref<10008x128xf32, #tpu.memory_space<vmem_shared>> -> memref<10008x128xf32, #tpu.memory_space<vmem_shared>>
    tpu.wait_indirect_dma semaphore(%arg23 : memref<!tpu.dma_semaphore, #tpu.memory_space<semaphore_mem>>) src(%dma_wait3A_119 : memref<40x128xf32, #tpu.memory_space<vmem>>) dst(%dma_wait3A_125 : memref<10008x128xf32, #tpu.memory_space<vmem_shared>>)
    %dma_wait3A_126 = arith.constant 0 : i32
    %dma_wait3A_127 = arith.constant 0 : i32
    %dma_wait3A_128 = arith.constant 0 : i32
    %dma_wait3A_129 = arith.constant 0 : i32
    %dma_wait3A_130 = tpu.memref_slice %arg9[%dma_wait3A_126, %dma_wait3A_128, %dma_wait3A_129] : memref<8x40x128xf32, #tpu.memory_space<vmem>> -> memref<1x40x128xf32, #tpu.memory_space<vmem>>
    %dma_wait3A_131 = tpu.memref_squeeze %dma_wait3A_130 : memref<1x40x128xf32, #tpu.memory_space<vmem>> -> memref<40x128xf32, #tpu.memory_space<vmem>>
    %dma_wait3A_132 = arith.constant 0 : i32
    %dma_wait3A_133 = tpu.memref_slice %arg8[%dma_wait3A_127, %dma_wait3A_132] : memref<16x40xi32, #tpu.memory_space<vmem>> -> memref<1x40xi32, #tpu.memory_space<vmem>>
    %dma_wait3A_134 = tpu.memref_squeeze %dma_wait3A_133 : memref<1x40xi32, #tpu.memory_space<vmem>> -> memref<40xi32, #tpu.memory_space<vmem>>
    %dma_wait3A_135 = arith.constant 0 : i32
    %dma_wait3A_136 = arith.constant 0 : i32
    %dma_wait3A_137 = tpu.memref_slice %arg10[%dma_wait3A_135, %dma_wait3A_136] : memref<10008x128xf32, #tpu.memory_space<vmem_shared>> -> memref<10008x128xf32, #tpu.memory_space<vmem_shared>>
    tpu.wait_indirect_dma semaphore(%arg24 : memref<!tpu.dma_semaphore, #tpu.memory_space<semaphore_mem>>) src(%dma_wait3A_131 : memref<40x128xf32, #tpu.memory_space<vmem>>) dst(%dma_wait3A_137 : memref<10008x128xf32, #tpu.memory_space<vmem_shared>>)
    %dma_wait3A_138 = arith.constant 0 : i32
    %dma_wait3A_139 = arith.constant 0 : i32
    %dma_wait3A_140 = arith.constant 0 : i32
    %dma_wait3A_141 = arith.constant 0 : i32
    %dma_wait3A_142 = tpu.memref_slice %arg9[%dma_wait3A_138, %dma_wait3A_140, %dma_wait3A_141] : memref<8x40x128xf32, #tpu.memory_space<vmem>> -> memref<1x40x128xf32, #tpu.memory_space<vmem>>
    %dma_wait3A_143 = tpu.memref_squeeze %dma_wait3A_142 : memref<1x40x128xf32, #tpu.memory_space<vmem>> -> memref<40x128xf32, #tpu.memory_space<vmem>>
    %dma_wait3A_144 = arith.constant 0 : i32
    %dma_wait3A_145 = tpu.memref_slice %arg8[%dma_wait3A_139, %dma_wait3A_144] : memref<16x40xi32, #tpu.memory_space<vmem>> -> memref<1x40xi32, #tpu.memory_space<vmem>>
    %dma_wait3A_146 = tpu.memref_squeeze %dma_wait3A_145 : memref<1x40xi32, #tpu.memory_space<vmem>> -> memref<40xi32, #tpu.memory_space<vmem>>
    %dma_wait3A_147 = arith.constant 0 : i32
    %dma_wait3A_148 = arith.constant 0 : i32
    %dma_wait3A_149 = tpu.memref_slice %arg10[%dma_wait3A_147, %dma_wait3A_148] : memref<10008x128xf32, #tpu.memory_space<vmem_shared>> -> memref<10008x128xf32, #tpu.memory_space<vmem_shared>>
    tpu.wait_indirect_dma semaphore(%arg25 : memref<!tpu.dma_semaphore, #tpu.memory_space<semaphore_mem>>) src(%dma_wait3A_143 : memref<40x128xf32, #tpu.memory_space<vmem>>) dst(%dma_wait3A_149 : memref<10008x128xf32, #tpu.memory_space<vmem_shared>>)
    %dma_wait3A_150 = arith.constant 0 : i32
    %dma_wait3A_151 = arith.constant 0 : i32
    %dma_wait3A_152 = arith.constant 0 : i32
    %dma_wait3A_153 = arith.constant 0 : i32
    %dma_wait3A_154 = tpu.memref_slice %arg9[%dma_wait3A_150, %dma_wait3A_152, %dma_wait3A_153] : memref<8x40x128xf32, #tpu.memory_space<vmem>> -> memref<1x40x128xf32, #tpu.memory_space<vmem>>
    %dma_wait3A_155 = tpu.memref_squeeze %dma_wait3A_154 : memref<1x40x128xf32, #tpu.memory_space<vmem>> -> memref<40x128xf32, #tpu.memory_space<vmem>>
    %dma_wait3A_156 = arith.constant 0 : i32
    %dma_wait3A_157 = tpu.memref_slice %arg8[%dma_wait3A_151, %dma_wait3A_156] : memref<16x40xi32, #tpu.memory_space<vmem>> -> memref<1x40xi32, #tpu.memory_space<vmem>>
    %dma_wait3A_158 = tpu.memref_squeeze %dma_wait3A_157 : memref<1x40xi32, #tpu.memory_space<vmem>> -> memref<40xi32, #tpu.memory_space<vmem>>
    %dma_wait3A_159 = arith.constant 0 : i32
    %dma_wait3A_160 = arith.constant 0 : i32
    %dma_wait3A_161 = tpu.memref_slice %arg10[%dma_wait3A_159, %dma_wait3A_160] : memref<10008x128xf32, #tpu.memory_space<vmem_shared>> -> memref<10008x128xf32, #tpu.memory_space<vmem_shared>>
    tpu.wait_indirect_dma semaphore(%arg26 : memref<!tpu.dma_semaphore, #tpu.memory_space<semaphore_mem>>) src(%dma_wait3A_155 : memref<40x128xf32, #tpu.memory_space<vmem>>) dst(%dma_wait3A_161 : memref<10008x128xf32, #tpu.memory_space<vmem_shared>>)
    %barrier3A_162 = arith.constant 0 : index
    tpu.barrier barrier_id(%barrier3A_162)
    %lt3A_163 = arith.constant 15 : i32
    %lt3A_164 = arith.cmpi slt, %arg1, %lt3A_163 : i32
    %convert_element_type3A_165 = arith.extui %lt3A_164 : i1 to i32
    %cond3A_166 = arith.constant 0 : i32
    %cond3A_167 = arith.cmpi ne, %convert_element_type3A_165, %cond3A_166 : i32
    scf.if %cond3A_167 {
      %mul3A_173 = arith.constant 632 : i32
      %mul3A_174 = arith.muli %arg1, %mul3A_173 : i32
      %mul3A_175 = arith.constant 10000 : i32
      %mul3A_176 = arith.muli %arg0, %mul3A_175 : i32
      %mul3A_177 = arith.constant 632 : i32
      %mul3A_178 = arith.muli %arg1, %mul3A_177 : i32
      %add3A_179 = arith.addi %mul3A_176, %mul3A_178 : i32
      "tpu.region"() ({
        %run_scoped3A = tpu.sem_alloc : memref<!tpu.dma_semaphore, #tpu.memory_space<semaphore_mem>>
        %dma_start3A_180 = arith.constant 0 : i32
        %dma_start3A_181 = tpu.memref_slice %arg6[%add3A_179, %dma_start3A_180] : memref<20000x128xf32, #tpu.memory_space<hbm>> -> memref<632x128xf32, #tpu.memory_space<hbm>>
        %dma_start3A_182 = arith.constant 0 : i32
        %dma_start3A_183 = tpu.memref_slice %arg10[%mul3A_174, %dma_start3A_182] : memref<10008x128xf32, #tpu.memory_space<vmem_shared>> -> memref<632x128xf32, #tpu.memory_space<vmem_shared>>
        tpu.enqueue_dma source(%dma_start3A_183 : memref<632x128xf32, #tpu.memory_space<vmem_shared>>) target(%dma_start3A_181 : memref<632x128xf32, #tpu.memory_space<hbm>>) target_semaphore(%run_scoped3A : memref<!tpu.dma_semaphore, #tpu.memory_space<semaphore_mem>>)
        %dma_wait3A_184 = arith.constant 0 : i32
        %dma_wait3A_185 = tpu.memref_slice %arg6[%add3A_179, %dma_wait3A_184] : memref<20000x128xf32, #tpu.memory_space<hbm>> -> memref<632x128xf32, #tpu.memory_space<hbm>>
        %dma_wait3A_186 = arith.constant 0 : i32
        %dma_wait3A_187 = tpu.memref_slice %arg10[%mul3A_174, %dma_wait3A_186] : memref<10008x128xf32, #tpu.memory_space<vmem_shared>> -> memref<632x128xf32, #tpu.memory_space<vmem_shared>>
        tpu.wait_dma2 semaphore(%run_scoped3A : memref<!tpu.dma_semaphore, #tpu.memory_space<semaphore_mem>>) src(%dma_wait3A_187 : memref<632x128xf32, #tpu.memory_space<vmem_shared>>) dst(%dma_wait3A_185 : memref<632x128xf32, #tpu.memory_space<hbm>>)
        tpu.yield
      }) : () -> ()
    } else {
    }
    %eq3A_168 = arith.constant 15 : i32
    %eq3A_169 = arith.cmpi eq, %arg1, %eq3A_168 : i32
    %convert_element_type3A_170 = arith.extui %eq3A_169 : i1 to i32
    %cond3A_171 = arith.constant 0 : i32
    %cond3A_172 = arith.cmpi ne, %convert_element_type3A_170, %cond3A_171 : i32
    scf.if %cond3A_172 {
      %mul3A_173 = arith.constant 10000 : i32
      %mul3A_174 = arith.muli %arg0, %mul3A_173 : i32
      %add3A_175 = arith.constant 9480 : i32
      %add3A_176 = arith.addi %mul3A_174, %add3A_175 : i32
      "tpu.region"() ({
        %run_scoped3A = tpu.sem_alloc : memref<!tpu.dma_semaphore, #tpu.memory_space<semaphore_mem>>
        %dma_start3A_177 = arith.constant 0 : i32
        %dma_start3A_178 = tpu.memref_slice %arg6[%add3A_176, %dma_start3A_177] : memref<20000x128xf32, #tpu.memory_space<hbm>> -> memref<520x128xf32, #tpu.memory_space<hbm>>
        %dma_start3A_179 = arith.constant 9480 : i32
        %dma_start3A_180 = arith.constant 0 : i32
        %dma_start3A_181 = tpu.memref_slice %arg10[%dma_start3A_179, %dma_start3A_180] : memref<10008x128xf32, #tpu.memory_space<vmem_shared>> -> memref<520x128xf32, #tpu.memory_space<vmem_shared>>
        tpu.enqueue_dma source(%dma_start3A_181 : memref<520x128xf32, #tpu.memory_space<vmem_shared>>) target(%dma_start3A_178 : memref<520x128xf32, #tpu.memory_space<hbm>>) target_semaphore(%run_scoped3A : memref<!tpu.dma_semaphore, #tpu.memory_space<semaphore_mem>>)
        %dma_wait3A_182 = arith.constant 0 : i32
        %dma_wait3A_183 = tpu.memref_slice %arg6[%add3A_176, %dma_wait3A_182] : memref<20000x128xf32, #tpu.memory_space<hbm>> -> memref<520x128xf32, #tpu.memory_space<hbm>>
        %dma_wait3A_184 = arith.constant 9480 : i32
        %dma_wait3A_185 = arith.constant 0 : i32
        %dma_wait3A_186 = tpu.memref_slice %arg10[%dma_wait3A_184, %dma_wait3A_185] : memref<10008x128xf32, #tpu.memory_space<vmem_shared>> -> memref<520x128xf32, #tpu.memory_space<vmem_shared>>
        tpu.wait_dma2 semaphore(%run_scoped3A : memref<!tpu.dma_semaphore, #tpu.memory_space<semaphore_mem>>) src(%dma_wait3A_186 : memref<520x128xf32, #tpu.memory_space<vmem_shared>>) dst(%dma_wait3A_183 : memref<520x128xf32, #tpu.memory_space<hbm>>)
        tpu.yield
      }) : () -> ()
    } else {
    }
    return
  }
}

module attributes {stable_mosaic.version = 14 : i64} {
  func.func @_prologue_body(%arg0: i32, %arg1: memref<1000x128xf32, #tpu.memory_space<vmem>>, %arg2: memref<1000x128xf32, #tpu.memory_space<vmem>>, %arg3: memref<8x8xf32, #tpu.memory_space<vmem>>, %arg4: memref<1x64xi32, #tpu.memory_space<vmem>>, %arg5: memref<64x1xi32, #tpu.memory_space<vmem>>, %arg6: memref<1x64xf32, #tpu.memory_space<vmem>>, %arg7: memref<8x128xf32, #tpu.memory_space<vmem>>, %arg8: memref<1x128xf32, #tpu.memory_space<vmem>>, %arg9: memref<128x128xf32, #tpu.memory_space<vmem>>, %arg10: memref<1x128xf32, #tpu.memory_space<vmem>>, %arg11: memref<128x128xf32, #tpu.memory_space<vmem>>, %arg12: memref<1x128xf32, #tpu.memory_space<vmem>>, %arg13: memref<8x1000x128xf32, #tpu.memory_space<vmem>>, %arg14: memref<8x128xf32, #tpu.memory_space<vmem>>, %arg15: memref<8x128xf32, #tpu.memory_space<vmem>>) attributes {dimension_semantics = [#tpu.dimension_semantics<arbitrary>], iteration_bounds = array<i64: 10>, scalar_prefetch = 0 : i64, scratch_operands = 1 : i64, tpu.core_type = #tpu.core_type<tc>, window_params = [{transform_indices = @transform_0, window_bounds = array<i64: 1000, 128>}, {transform_indices = @transform_1, window_bounds = array<i64: 1000, 128>}, {pipeline_mode = #tpu.pipeline_mode<synchronous>, transform_indices = @transform_2, window_bounds = array<i64: 8, 8>}, {pipeline_mode = #tpu.pipeline_mode<synchronous>, transform_indices = @transform_3, window_bounds = array<i64: 1, 64>}, {pipeline_mode = #tpu.pipeline_mode<synchronous>, transform_indices = @transform_4, window_bounds = array<i64: 64, 1>}, {pipeline_mode = #tpu.pipeline_mode<synchronous>, transform_indices = @transform_5, window_bounds = array<i64: 1, 64>}, {pipeline_mode = #tpu.pipeline_mode<synchronous>, transform_indices = @transform_6, window_bounds = array<i64: 8, 128>}, {pipeline_mode = #tpu.pipeline_mode<synchronous>, transform_indices = @transform_7, window_bounds = array<i64: 1, 128>}, {pipeline_mode = #tpu.pipeline_mode<synchronous>, transform_indices = @transform_8, window_bounds = array<i64: 128, 128>}, {pipeline_mode = #tpu.pipeline_mode<synchronous>, transform_indices = @transform_9, window_bounds = array<i64: 1, 128>}, {pipeline_mode = #tpu.pipeline_mode<synchronous>, transform_indices = @transform_10, window_bounds = array<i64: 128, 128>}, {pipeline_mode = #tpu.pipeline_mode<synchronous>, transform_indices = @transform_11, window_bounds = array<i64: 1, 128>}, {transform_indices = @transform_12, window_bounds = array<i64: 8, 1000, 128>}, {pipeline_mode = #tpu.pipeline_mode<synchronous>, transform_indices = @transform_13, window_bounds = array<i64: 8, 128>}]} {
    %eq3A = arith.constant 0 : i32
    %eq3A_0 = arith.cmpi eq, %arg0, %eq3A : i32
    %convert_element_type3A = arith.extui %eq3A_0 : i1 to i32
    %cond3A = arith.constant 0 : i32
    %cond3A_1 = arith.cmpi ne, %convert_element_type3A, %cond3A : i32
    scf.if %cond3A_1 {
      %iota3A = tpu.iota {dimensions = array<i32: 0>} : vector<8x64xi32>
      %get3A_112 = arith.constant 0 : index
      %get3A_113 = arith.constant 0 : index
      %get3A_114 = vector.load %arg4[%get3A_112, %get3A_113] : memref<1x64xi32, #tpu.memory_space<vmem>>, vector<1x64xi32>
      %eq3A_115 = vector.broadcast %get3A_114 : vector<1x64xi32> to vector<8x64xi32>
      %eq3A_116 = arith.cmpi eq, %iota3A, %eq3A_115 : vector<8x64xi32>
      %convert_element_type3A_117 = arith.extui %eq3A_116 : vector<8x64xi1> to vector<8x64xi32>
      %convert_element_type3A_118 = arith.sitofp %convert_element_type3A_117 : vector<8x64xi32> to vector<8x64xf32>
      %iota3A_119 = tpu.iota {dimensions = array<i32: 1>} : vector<64x8xi32>
      %get3A_120 = arith.constant 0 : index
      %get3A_121 = arith.constant 0 : index
      %get3A_122 = vector.load %arg5[%get3A_120, %get3A_121] : memref<64x1xi32, #tpu.memory_space<vmem>>, vector<64x1xi32>
      %eq3A_123 = vector.broadcast %get3A_122 : vector<64x1xi32> to vector<64x8xi32>
      %eq3A_124 = arith.cmpi eq, %iota3A_119, %eq3A_123 : vector<64x8xi32>
      %convert_element_type3A_125 = arith.extui %eq3A_124 : vector<64x8xi1> to vector<64x8xi32>
      %convert_element_type3A_126 = arith.sitofp %convert_element_type3A_125 : vector<64x8xi32> to vector<64x8xf32>
      %get3A_127 = arith.constant 0 : index
      %get3A_128 = arith.constant 0 : index
      %get3A_129 = vector.load %arg6[%get3A_127, %get3A_128] : memref<1x64xf32, #tpu.memory_space<vmem>>, vector<1x64xf32>
      %mul3A_130 = vector.broadcast %get3A_129 : vector<1x64xf32> to vector<8x64xf32>
      %mul3A_131 = arith.mulf %convert_element_type3A_118, %mul3A_130 : vector<8x64xf32>
      %dot_general3A_132 = arith.constant dense<0.000000e+00> : vector<8x8xf32>
      %dot_general3A_133 = tpu.matmul %mul3A_131, %convert_element_type3A_126, %dot_general3A_132 {dimension_numbers = #tpu.dot_dimension_numbers<[1], [0], [0], [1], [0, 0, 1, 1], [], []>, precision = #tpu.contract_precision<fp32>, transpose_lhs_hint = false} : vector<8x64xf32>, vector<64x8xf32>, vector<8x8xf32> -> vector<8x8xf32>
      %get3A_134 = arith.constant 0 : index
      %get3A_135 = arith.constant 0 : index
      %get3A_136 = vector.load %arg3[%get3A_134, %get3A_135] : memref<8x8xf32, #tpu.memory_space<vmem>>, vector<8x8xf32>
      %dot_general3A_137 = arith.constant dense<0.000000e+00> : vector<8x8xf32>
      %dot_general3A_138 = tpu.matmul %dot_general3A_133, %get3A_136, %dot_general3A_137 {dimension_numbers = #tpu.dot_dimension_numbers<[1], [0], [0], [1], [0, 0, 1, 1], [], []>, precision = #tpu.contract_precision<fp32>, transpose_lhs_hint = false} : vector<8x8xf32>, vector<8x8xf32>, vector<8x8xf32> -> vector<8x8xf32>
      %add3A_139 = arith.addf %get3A_136, %dot_general3A_138 : vector<8x8xf32>
      %max3A = arith.constant 0.000000e+00 : f32
      %max3A_140 = vector.broadcast %max3A : f32 to vector<8x8xf32>
      %max3A_141 = arith.maximumf %add3A_139, %max3A_140 : vector<8x8xf32>
      %dot_general3A_142 = arith.constant dense<0.000000e+00> : vector<8x8xf32>
      %dot_general3A_143 = tpu.matmul %dot_general3A_133, %max3A_141, %dot_general3A_142 {dimension_numbers = #tpu.dot_dimension_numbers<[1], [0], [0], [1], [0, 0, 1, 1], [], []>, precision = #tpu.contract_precision<fp32>, transpose_lhs_hint = false} : vector<8x8xf32>, vector<8x8xf32>, vector<8x8xf32> -> vector<8x8xf32>
      %add3A_144 = arith.addf %max3A_141, %dot_general3A_143 : vector<8x8xf32>
      %max3A_145 = arith.constant 0.000000e+00 : f32
      %max3A_146 = vector.broadcast %max3A_145 : f32 to vector<8x8xf32>
      %max3A_147 = arith.maximumf %add3A_144, %max3A_146 : vector<8x8xf32>
      %get3A_148 = arith.constant 0 : index
      %get3A_149 = arith.constant 0 : index
      %get3A_150 = vector.load %arg7[%get3A_148, %get3A_149] : memref<8x128xf32, #tpu.memory_space<vmem>>, vector<8x128xf32>
      %dot_general3A_151 = arith.constant dense<0.000000e+00> : vector<8x128xf32>
      %dot_general3A_152 = tpu.matmul %max3A_147, %get3A_150, %dot_general3A_151 {dimension_numbers = #tpu.dot_dimension_numbers<[1], [0], [0], [1], [0, 0, 1, 1], [], []>, transpose_lhs_hint = false} : vector<8x8xf32>, vector<8x128xf32>, vector<8x128xf32> -> vector<8x128xf32>
      %get3A_153 = arith.constant 0 : index
      %get3A_154 = arith.constant 0 : index
      %get3A_155 = vector.load %arg8[%get3A_153, %get3A_154] : memref<1x128xf32, #tpu.memory_space<vmem>>, vector<1x128xf32>
      %add3A_156 = vector.broadcast %get3A_155 : vector<1x128xf32> to vector<8x128xf32>
      %add3A_157 = arith.addf %dot_general3A_152, %add3A_156 : vector<8x128xf32>
      %swap3A_158 = arith.constant 0 : index
      %swap3A_159 = arith.constant 0 : index
      %swap3A_160 = vector.load %arg15[%swap3A_158, %swap3A_159] : memref<8x128xf32, #tpu.memory_space<vmem>>, vector<8x128xf32>
      tpu.vector_store %arg15[%swap3A_158, %swap3A_159], %add3A_157 {strides = array<i32>} : memref<8x128xf32, #tpu.memory_space<vmem>>, vector<8x128xf32>,
      %get3A_161 = arith.constant 0 : index
      %get3A_162 = arith.constant 0 : index
      %get3A_163 = vector.load %arg15[%get3A_161, %get3A_162] : memref<8x128xf32, #tpu.memory_space<vmem>>, vector<8x128xf32>
      %swap3A_164 = arith.constant 0 : index
      %swap3A_165 = arith.constant 0 : index
      %swap3A_166 = vector.load %arg14[%swap3A_164, %swap3A_165] : memref<8x128xf32, #tpu.memory_space<vmem>>, vector<8x128xf32>
      tpu.vector_store %arg14[%swap3A_164, %swap3A_165], %get3A_163 {strides = array<i32>} : memref<8x128xf32, #tpu.memory_space<vmem>>, vector<8x128xf32>,
    } else {
    }
    %lt3A = arith.constant 5 : i32
    %lt3A_2 = arith.cmpi slt, %arg0, %lt3A : i32
    %get3A = arith.constant 0 : index
    %get3A_3 = arith.constant 0 : index
    %get3A_4 = vector.load %arg1[%get3A, %get3A_3] : memref<1000x128xf32, #tpu.memory_space<vmem>>, vector<1000x128xf32>
    %get3A_5 = arith.constant 0 : index
    %get3A_6 = arith.constant 0 : index
    %get3A_7 = vector.load %arg9[%get3A_5, %get3A_6] : memref<128x128xf32, #tpu.memory_space<vmem>>, vector<128x128xf32>
    %dot_general3A = arith.constant dense<0.000000e+00> : vector<1000x128xf32>
    %dot_general3A_8 = tpu.matmul %get3A_4, %get3A_7, %dot_general3A {dimension_numbers = #tpu.dot_dimension_numbers<[1], [0], [0], [1], [0, 0, 1, 1], [], []>, transpose_lhs_hint = false} : vector<1000x128xf32>, vector<128x128xf32>, vector<1000x128xf32> -> vector<1000x128xf32>
    %get3A_9 = arith.constant 0 : index
    %get3A_10 = arith.constant 0 : index
    %get3A_11 = vector.load %arg10[%get3A_9, %get3A_10] : memref<1x128xf32, #tpu.memory_space<vmem>>, vector<1x128xf32>
    %add3A = vector.broadcast %get3A_11 : vector<1x128xf32> to vector<1000x128xf32>
    %add3A_12 = arith.addf %dot_general3A_8, %add3A : vector<1000x128xf32>
    %get3A_13 = arith.constant 0 : index
    %get3A_14 = arith.constant 0 : index
    %get3A_15 = vector.load %arg2[%get3A_13, %get3A_14] : memref<1000x128xf32, #tpu.memory_space<vmem>>, vector<1000x128xf32>
    %get3A_16 = arith.constant 0 : index
    %get3A_17 = arith.constant 0 : index
    %get3A_18 = vector.load %arg11[%get3A_16, %get3A_17] : memref<128x128xf32, #tpu.memory_space<vmem>>, vector<128x128xf32>
    %dot_general3A_19 = arith.constant dense<0.000000e+00> : vector<1000x128xf32>
    %dot_general3A_20 = tpu.matmul %get3A_15, %get3A_18, %dot_general3A_19 {dimension_numbers = #tpu.dot_dimension_numbers<[1], [0], [0], [1], [0, 0, 1, 1], [], []>, transpose_lhs_hint = false} : vector<1000x128xf32>, vector<128x128xf32>, vector<1000x128xf32> -> vector<1000x128xf32>
    %get3A_21 = arith.constant 0 : index
    %get3A_22 = arith.constant 0 : index
    %get3A_23 = vector.load %arg12[%get3A_21, %get3A_22] : memref<1x128xf32, #tpu.memory_space<vmem>>, vector<1x128xf32>
    %add3A_24 = vector.broadcast %get3A_23 : vector<1x128xf32> to vector<1000x128xf32>
    %add3A_25 = arith.addf %dot_general3A_20, %add3A_24 : vector<1000x128xf32>
    %select_n3A = arith.select %lt3A_2, %add3A_12, %add3A_25 : vector<1000x128xf32>
    %get3A_26 = arith.constant 0 : index
    %get3A_27 = arith.constant 0 : index
    %get3A_28 = vector.load %arg15[%get3A_26, %get3A_27] : memref<8x128xf32, #tpu.memory_space<vmem>>, vector<1x128xf32>
    %mul3A = vector.broadcast %get3A_28 : vector<1x128xf32> to vector<1000x128xf32>
    %mul3A_29 = arith.mulf %mul3A, %select_n3A : vector<1000x128xf32>
    %swap3A = arith.constant 0 : index
    %swap3A_30 = arith.constant 0 : index
    %swap3A_31 = arith.constant 0 : index
    %swap3A_32 = vector.load %arg13[%swap3A, %swap3A_30, %swap3A_31] : memref<8x1000x128xf32, #tpu.memory_space<vmem>>, vector<1x1000x128xf32>
    %swap3A_33 = vector.shape_cast %swap3A_32 : vector<1x1000x128xf32> to vector<1000x128xf32>
    %swap3A_34 = vector.shape_cast %mul3A_29 : vector<1000x128xf32> to vector<1x1000x128xf32>
    tpu.vector_store %arg13[%swap3A, %swap3A_30, %swap3A_31], %swap3A_34 {strides = array<i32>} : memref<8x1000x128xf32, #tpu.memory_space<vmem>>, vector<1x1000x128xf32>,
    %get3A_35 = arith.constant 1 : index
    %get3A_36 = arith.constant 0 : index
    %get3A_37 = vector.load %arg15[%get3A_35, %get3A_36] : memref<8x128xf32, #tpu.memory_space<vmem>>, vector<1x128xf32>
    %mul3A_38 = vector.broadcast %get3A_37 : vector<1x128xf32> to vector<1000x128xf32>
    %mul3A_39 = arith.mulf %mul3A_38, %select_n3A : vector<1000x128xf32>
    %swap3A_40 = arith.constant 1 : index
    %swap3A_41 = arith.constant 0 : index
    %swap3A_42 = arith.constant 0 : index
    %swap3A_43 = vector.load %arg13[%swap3A_40, %swap3A_41, %swap3A_42] : memref<8x1000x128xf32, #tpu.memory_space<vmem>>, vector<1x1000x128xf32>
    %swap3A_44 = vector.shape_cast %swap3A_43 : vector<1x1000x128xf32> to vector<1000x128xf32>
    %swap3A_45 = vector.shape_cast %mul3A_39 : vector<1000x128xf32> to vector<1x1000x128xf32>
    tpu.vector_store %arg13[%swap3A_40, %swap3A_41, %swap3A_42], %swap3A_45 {strides = array<i32>} : memref<8x1000x128xf32, #tpu.memory_space<vmem>>, vector<1x1000x128xf32>,
    %get3A_46 = arith.constant 2 : index
    %get3A_47 = arith.constant 0 : index
    %get3A_48 = vector.load %arg15[%get3A_46, %get3A_47] : memref<8x128xf32, #tpu.memory_space<vmem>>, vector<1x128xf32>
    %mul3A_49 = vector.broadcast %get3A_48 : vector<1x128xf32> to vector<1000x128xf32>
    %mul3A_50 = arith.mulf %mul3A_49, %select_n3A : vector<1000x128xf32>
    %swap3A_51 = arith.constant 2 : index
    %swap3A_52 = arith.constant 0 : index
    %swap3A_53 = arith.constant 0 : index
    %swap3A_54 = vector.load %arg13[%swap3A_51, %swap3A_52, %swap3A_53] : memref<8x1000x128xf32, #tpu.memory_space<vmem>>, vector<1x1000x128xf32>
    %swap3A_55 = vector.shape_cast %swap3A_54 : vector<1x1000x128xf32> to vector<1000x128xf32>
    %swap3A_56 = vector.shape_cast %mul3A_50 : vector<1000x128xf32> to vector<1x1000x128xf32>
    tpu.vector_store %arg13[%swap3A_51, %swap3A_52, %swap3A_53], %swap3A_56 {strides = array<i32>} : memref<8x1000x128xf32, #tpu.memory_space<vmem>>, vector<1x1000x128xf32>,
    %get3A_57 = arith.constant 3 : index
    %get3A_58 = arith.constant 0 : index
    %get3A_59 = vector.load %arg15[%get3A_57, %get3A_58] : memref<8x128xf32, #tpu.memory_space<vmem>>, vector<1x128xf32>
    %mul3A_60 = vector.broadcast %get3A_59 : vector<1x128xf32> to vector<1000x128xf32>
    %mul3A_61 = arith.mulf %mul3A_60, %select_n3A : vector<1000x128xf32>
    %swap3A_62 = arith.constant 3 : index
    %swap3A_63 = arith.constant 0 : index
    %swap3A_64 = arith.constant 0 : index
    %swap3A_65 = vector.load %arg13[%swap3A_62, %swap3A_63, %swap3A_64] : memref<8x1000x128xf32, #tpu.memory_space<vmem>>, vector<1x1000x128xf32>
    %swap3A_66 = vector.shape_cast %swap3A_65 : vector<1x1000x128xf32> to vector<1000x128xf32>
    %swap3A_67 = vector.shape_cast %mul3A_61 : vector<1000x128xf32> to vector<1x1000x128xf32>
    tpu.vector_store %arg13[%swap3A_62, %swap3A_63, %swap3A_64], %swap3A_67 {strides = array<i32>} : memref<8x1000x128xf32, #tpu.memory_space<vmem>>, vector<1x1000x128xf32>,
    %get3A_68 = arith.constant 4 : index
    %get3A_69 = arith.constant 0 : index
    %get3A_70 = vector.load %arg15[%get3A_68, %get3A_69] : memref<8x128xf32, #tpu.memory_space<vmem>>, vector<1x128xf32>
    %mul3A_71 = vector.broadcast %get3A_70 : vector<1x128xf32> to vector<1000x128xf32>
    %mul3A_72 = arith.mulf %mul3A_71, %select_n3A : vector<1000x128xf32>
    %swap3A_73 = arith.constant 4 : index
    %swap3A_74 = arith.constant 0 : index
    %swap3A_75 = arith.constant 0 : index
    %swap3A_76 = vector.load %arg13[%swap3A_73, %swap3A_74, %swap3A_75] : memref<8x1000x128xf32, #tpu.memory_space<vmem>>, vector<1x1000x128xf32>
    %swap3A_77 = vector.shape_cast %swap3A_76 : vector<1x1000x128xf32> to vector<1000x128xf32>
    %swap3A_78 = vector.shape_cast %mul3A_72 : vector<1000x128xf32> to vector<1x1000x128xf32>
    tpu.vector_store %arg13[%swap3A_73, %swap3A_74, %swap3A_75], %swap3A_78 {strides = array<i32>} : memref<8x1000x128xf32, #tpu.memory_space<vmem>>, vector<1x1000x128xf32>,
    %get3A_79 = arith.constant 5 : index
    %get3A_80 = arith.constant 0 : index
    %get3A_81 = vector.load %arg15[%get3A_79, %get3A_80] : memref<8x128xf32, #tpu.memory_space<vmem>>, vector<1x128xf32>
    %mul3A_82 = vector.broadcast %get3A_81 : vector<1x128xf32> to vector<1000x128xf32>
    %mul3A_83 = arith.mulf %mul3A_82, %select_n3A : vector<1000x128xf32>
    %swap3A_84 = arith.constant 5 : index
    %swap3A_85 = arith.constant 0 : index
    %swap3A_86 = arith.constant 0 : index
    %swap3A_87 = vector.load %arg13[%swap3A_84, %swap3A_85, %swap3A_86] : memref<8x1000x128xf32, #tpu.memory_space<vmem>>, vector<1x1000x128xf32>
    %swap3A_88 = vector.shape_cast %swap3A_87 : vector<1x1000x128xf32> to vector<1000x128xf32>
    %swap3A_89 = vector.shape_cast %mul3A_83 : vector<1000x128xf32> to vector<1x1000x128xf32>
    tpu.vector_store %arg13[%swap3A_84, %swap3A_85, %swap3A_86], %swap3A_89 {strides = array<i32>} : memref<8x1000x128xf32, #tpu.memory_space<vmem>>, vector<1x1000x128xf32>,
    %get3A_90 = arith.constant 6 : index
    %get3A_91 = arith.constant 0 : index
    %get3A_92 = vector.load %arg15[%get3A_90, %get3A_91] : memref<8x128xf32, #tpu.memory_space<vmem>>, vector<1x128xf32>
    %mul3A_93 = vector.broadcast %get3A_92 : vector<1x128xf32> to vector<1000x128xf32>
    %mul3A_94 = arith.mulf %mul3A_93, %select_n3A : vector<1000x128xf32>
    %swap3A_95 = arith.constant 6 : index
    %swap3A_96 = arith.constant 0 : index
    %swap3A_97 = arith.constant 0 : index
    %swap3A_98 = vector.load %arg13[%swap3A_95, %swap3A_96, %swap3A_97] : memref<8x1000x128xf32, #tpu.memory_space<vmem>>, vector<1x1000x128xf32>
    %swap3A_99 = vector.shape_cast %swap3A_98 : vector<1x1000x128xf32> to vector<1000x128xf32>
    %swap3A_100 = vector.shape_cast %mul3A_94 : vector<1000x128xf32> to vector<1x1000x128xf32>
    tpu.vector_store %arg13[%swap3A_95, %swap3A_96, %swap3A_97], %swap3A_100 {strides = array<i32>} : memref<8x1000x128xf32, #tpu.memory_space<vmem>>, vector<1x1000x128xf32>,
    %get3A_101 = arith.constant 7 : index
    %get3A_102 = arith.constant 0 : index
    %get3A_103 = vector.load %arg15[%get3A_101, %get3A_102] : memref<8x128xf32, #tpu.memory_space<vmem>>, vector<1x128xf32>
    %mul3A_104 = vector.broadcast %get3A_103 : vector<1x128xf32> to vector<1000x128xf32>
    %mul3A_105 = arith.mulf %mul3A_104, %select_n3A : vector<1000x128xf32>
    %swap3A_106 = arith.constant 7 : index
    %swap3A_107 = arith.constant 0 : index
    %swap3A_108 = arith.constant 0 : index
    %swap3A_109 = vector.load %arg13[%swap3A_106, %swap3A_107, %swap3A_108] : memref<8x1000x128xf32, #tpu.memory_space<vmem>>, vector<1x1000x128xf32>
    %swap3A_110 = vector.shape_cast %swap3A_109 : vector<1x1000x128xf32> to vector<1000x128xf32>
    %swap3A_111 = vector.shape_cast %mul3A_105 : vector<1000x128xf32> to vector<1x1000x128xf32>
    tpu.vector_store %arg13[%swap3A_106, %swap3A_107, %swap3A_108], %swap3A_111 {strides = array<i32>} : memref<8x1000x128xf32, #tpu.memory_space<vmem>>, vector<1x1000x128xf32>,
    return
  }
  func.func @transform_0(%arg0: i32) -> (i32, i32) {
    %min3A = arith.constant 4 : i32
    %min3A_0 = arith.minsi %arg0, %min3A : i32
    %c0_i32 = arith.constant 0 : i32
    %c0_i32_1 = arith.constant 0 : i32
    return %min3A_0, %c0_i32 : i32, i32
  }
  func.func @transform_1(%arg0: i32) -> (i32, i32) {
    %sub3A = arith.constant 5 : i32
    %sub3A_0 = arith.subi %arg0, %sub3A : i32
    %max3A = arith.constant 0 : i32
    %max3A_1 = arith.maxsi %sub3A_0, %max3A : i32
    %c0_i32 = arith.constant 0 : i32
    %c0_i32_2 = arith.constant 0 : i32
    return %max3A_1, %c0_i32 : i32, i32
  }
  func.func @transform_2(%arg0: i32) -> (i32, i32) {
    %c0_i32 = arith.constant 0 : i32
    %c0_i32_0 = arith.constant 0 : i32
    %c0_i32_1 = arith.constant 0 : i32
    return %c0_i32, %c0_i32_0 : i32, i32
  }
  func.func @transform_3(%arg0: i32) -> (i32, i32) {
    %c0_i32 = arith.constant 0 : i32
    %c0_i32_0 = arith.constant 0 : i32
    %c0_i32_1 = arith.constant 0 : i32
    return %c0_i32, %c0_i32_0 : i32, i32
  }
  func.func @transform_4(%arg0: i32) -> (i32, i32) {
    %c0_i32 = arith.constant 0 : i32
    %c0_i32_0 = arith.constant 0 : i32
    %c0_i32_1 = arith.constant 0 : i32
    return %c0_i32, %c0_i32_0 : i32, i32
  }
  func.func @transform_5(%arg0: i32) -> (i32, i32) {
    %c0_i32 = arith.constant 0 : i32
    %c0_i32_0 = arith.constant 0 : i32
    %c0_i32_1 = arith.constant 0 : i32
    return %c0_i32, %c0_i32_0 : i32, i32
  }
  func.func @transform_6(%arg0: i32) -> (i32, i32) {
    %c0_i32 = arith.constant 0 : i32
    %c0_i32_0 = arith.constant 0 : i32
    %c0_i32_1 = arith.constant 0 : i32
    return %c0_i32, %c0_i32_0 : i32, i32
  }
  func.func @transform_7(%arg0: i32) -> (i32, i32) {
    %c0_i32 = arith.constant 0 : i32
    %c0_i32_0 = arith.constant 0 : i32
    %c0_i32_1 = arith.constant 0 : i32
    return %c0_i32, %c0_i32_0 : i32, i32
  }
  func.func @transform_8(%arg0: i32) -> (i32, i32) {
    %c0_i32 = arith.constant 0 : i32
    %c0_i32_0 = arith.constant 0 : i32
    %c0_i32_1 = arith.constant 0 : i32
    return %c0_i32, %c0_i32_0 : i32, i32
  }
  func.func @transform_9(%arg0: i32) -> (i32, i32) {
    %c0_i32 = arith.constant 0 : i32
    %c0_i32_0 = arith.constant 0 : i32
    %c0_i32_1 = arith.constant 0 : i32
    return %c0_i32, %c0_i32_0 : i32, i32
  }
  func.func @transform_10(%arg0: i32) -> (i32, i32) {
    %c0_i32 = arith.constant 0 : i32
    %c0_i32_0 = arith.constant 0 : i32
    %c0_i32_1 = arith.constant 0 : i32
    return %c0_i32, %c0_i32_0 : i32, i32
  }
  func.func @transform_11(%arg0: i32) -> (i32, i32) {
    %c0_i32 = arith.constant 0 : i32
    %c0_i32_0 = arith.constant 0 : i32
    %c0_i32_1 = arith.constant 0 : i32
    return %c0_i32, %c0_i32_0 : i32, i32
  }
  func.func @transform_12(%arg0: i32) -> (i32, i32, i32) {
    %c0_i32 = arith.constant 0 : i32
    %c0_i32_0 = arith.constant 0 : i32
    %c0_i32_1 = arith.constant 0 : i32
    return %c0_i32, %arg0, %c0_i32_0 : i32, i32, i32
  }
  func.func @transform_13(%arg0: i32) -> (i32, i32) {
    %c0_i32 = arith.constant 0 : i32
    %c0_i32_0 = arith.constant 0 : i32
    %c0_i32_1 = arith.constant 0 : i32
    return %c0_i32, %c0_i32_0 : i32, i32
  }
}

module attributes {stable_mosaic.version = 14 : i64} {
  func.func @_mid_body(%arg0: i32, %arg1: memref<2x1000x128xf32, #tpu.memory_space<vmem>>, %arg2: memref<8x128xf32, #tpu.memory_space<vmem>>, %arg3: memref<8x1000x128xf32, #tpu.memory_space<vmem>>) attributes {dimension_semantics = [#tpu.dimension_semantics<arbitrary>], iteration_bounds = array<i64: 10>, scalar_prefetch = 0 : i64, scratch_operands = 0 : i64, tpu.core_type = #tpu.core_type<tc>, window_params = [{transform_indices = @transform_0, window_bounds = array<i64: 2, 1000, 128>}, {pipeline_mode = #tpu.pipeline_mode<synchronous>, transform_indices = @transform_1, window_bounds = array<i64: 8, 128>}, {transform_indices = @transform_2, window_bounds = array<i64: 8, 1000, 128>}]} {
    %get3A = arith.constant 0 : index
    %get3A_0 = arith.constant 0 : index
    %get3A_1 = arith.constant 0 : index
    %get3A_2 = vector.load %arg1[%get3A, %get3A_0, %get3A_1] : memref<2x1000x128xf32, #tpu.memory_space<vmem>>, vector<1x1000x128xf32>
    %get3A_3 = vector.shape_cast %get3A_2 : vector<1x1000x128xf32> to vector<1000x128xf32>
    %get3A_4 = arith.constant 1 : index
    %get3A_5 = arith.constant 0 : index
    %get3A_6 = arith.constant 0 : index
    %get3A_7 = vector.load %arg1[%get3A_4, %get3A_5, %get3A_6] : memref<2x1000x128xf32, #tpu.memory_space<vmem>>, vector<1x1000x128xf32>
    %get3A_8 = vector.shape_cast %get3A_7 : vector<1x1000x128xf32> to vector<1000x128xf32>
    %add3A = arith.addf %get3A_3, %get3A_8 : vector<1000x128xf32>
    %tanh3A = math.tanh %add3A : vector<1000x128xf32>
    %get3A_9 = arith.constant 0 : index
    %get3A_10 = arith.constant 0 : index
    %get3A_11 = vector.load %arg2[%get3A_9, %get3A_10] : memref<8x128xf32, #tpu.memory_space<vmem>>, vector<1x128xf32>
    %mul3A = vector.broadcast %get3A_11 : vector<1x128xf32> to vector<1000x128xf32>
    %mul3A_12 = arith.mulf %mul3A, %tanh3A : vector<1000x128xf32>
    %swap3A = arith.constant 0 : index
    %swap3A_13 = arith.constant 0 : index
    %swap3A_14 = arith.constant 0 : index
    %swap3A_15 = vector.load %arg3[%swap3A, %swap3A_13, %swap3A_14] : memref<8x1000x128xf32, #tpu.memory_space<vmem>>, vector<1x1000x128xf32>
    %swap3A_16 = vector.shape_cast %swap3A_15 : vector<1x1000x128xf32> to vector<1000x128xf32>
    %swap3A_17 = vector.shape_cast %mul3A_12 : vector<1000x128xf32> to vector<1x1000x128xf32>
    tpu.vector_store %arg3[%swap3A, %swap3A_13, %swap3A_14], %swap3A_17 {strides = array<i32>} : memref<8x1000x128xf32, #tpu.memory_space<vmem>>, vector<1x1000x128xf32>,
    %get3A_18 = arith.constant 1 : index
    %get3A_19 = arith.constant 0 : index
    %get3A_20 = vector.load %arg2[%get3A_18, %get3A_19] : memref<8x128xf32, #tpu.memory_space<vmem>>, vector<1x128xf32>
    %mul3A_21 = vector.broadcast %get3A_20 : vector<1x128xf32> to vector<1000x128xf32>
    %mul3A_22 = arith.mulf %mul3A_21, %tanh3A : vector<1000x128xf32>
    %swap3A_23 = arith.constant 1 : index
    %swap3A_24 = arith.constant 0 : index
    %swap3A_25 = arith.constant 0 : index
    %swap3A_26 = vector.load %arg3[%swap3A_23, %swap3A_24, %swap3A_25] : memref<8x1000x128xf32, #tpu.memory_space<vmem>>, vector<1x1000x128xf32>
    %swap3A_27 = vector.shape_cast %swap3A_26 : vector<1x1000x128xf32> to vector<1000x128xf32>
    %swap3A_28 = vector.shape_cast %mul3A_22 : vector<1000x128xf32> to vector<1x1000x128xf32>
    tpu.vector_store %arg3[%swap3A_23, %swap3A_24, %swap3A_25], %swap3A_28 {strides = array<i32>} : memref<8x1000x128xf32, #tpu.memory_space<vmem>>, vector<1x1000x128xf32>,
    %get3A_29 = arith.constant 2 : index
    %get3A_30 = arith.constant 0 : index
    %get3A_31 = vector.load %arg2[%get3A_29, %get3A_30] : memref<8x128xf32, #tpu.memory_space<vmem>>, vector<1x128xf32>
    %mul3A_32 = vector.broadcast %get3A_31 : vector<1x128xf32> to vector<1000x128xf32>
    %mul3A_33 = arith.mulf %mul3A_32, %tanh3A : vector<1000x128xf32>
    %swap3A_34 = arith.constant 2 : index
    %swap3A_35 = arith.constant 0 : index
    %swap3A_36 = arith.constant 0 : index
    %swap3A_37 = vector.load %arg3[%swap3A_34, %swap3A_35, %swap3A_36] : memref<8x1000x128xf32, #tpu.memory_space<vmem>>, vector<1x1000x128xf32>
    %swap3A_38 = vector.shape_cast %swap3A_37 : vector<1x1000x128xf32> to vector<1000x128xf32>
    %swap3A_39 = vector.shape_cast %mul3A_33 : vector<1000x128xf32> to vector<1x1000x128xf32>
    tpu.vector_store %arg3[%swap3A_34, %swap3A_35, %swap3A_36], %swap3A_39 {strides = array<i32>} : memref<8x1000x128xf32, #tpu.memory_space<vmem>>, vector<1x1000x128xf32>,
    %get3A_40 = arith.constant 3 : index
    %get3A_41 = arith.constant 0 : index
    %get3A_42 = vector.load %arg2[%get3A_40, %get3A_41] : memref<8x128xf32, #tpu.memory_space<vmem>>, vector<1x128xf32>
    %mul3A_43 = vector.broadcast %get3A_42 : vector<1x128xf32> to vector<1000x128xf32>
    %mul3A_44 = arith.mulf %mul3A_43, %tanh3A : vector<1000x128xf32>
    %swap3A_45 = arith.constant 3 : index
    %swap3A_46 = arith.constant 0 : index
    %swap3A_47 = arith.constant 0 : index
    %swap3A_48 = vector.load %arg3[%swap3A_45, %swap3A_46, %swap3A_47] : memref<8x1000x128xf32, #tpu.memory_space<vmem>>, vector<1x1000x128xf32>
    %swap3A_49 = vector.shape_cast %swap3A_48 : vector<1x1000x128xf32> to vector<1000x128xf32>
    %swap3A_50 = vector.shape_cast %mul3A_44 : vector<1000x128xf32> to vector<1x1000x128xf32>
    tpu.vector_store %arg3[%swap3A_45, %swap3A_46, %swap3A_47], %swap3A_50 {strides = array<i32>} : memref<8x1000x128xf32, #tpu.memory_space<vmem>>, vector<1x1000x128xf32>,
    %get3A_51 = arith.constant 4 : index
    %get3A_52 = arith.constant 0 : index
    %get3A_53 = vector.load %arg2[%get3A_51, %get3A_52] : memref<8x128xf32, #tpu.memory_space<vmem>>, vector<1x128xf32>
    %mul3A_54 = vector.broadcast %get3A_53 : vector<1x128xf32> to vector<1000x128xf32>
    %mul3A_55 = arith.mulf %mul3A_54, %tanh3A : vector<1000x128xf32>
    %swap3A_56 = arith.constant 4 : index
    %swap3A_57 = arith.constant 0 : index
    %swap3A_58 = arith.constant 0 : index
    %swap3A_59 = vector.load %arg3[%swap3A_56, %swap3A_57, %swap3A_58] : memref<8x1000x128xf32, #tpu.memory_space<vmem>>, vector<1x1000x128xf32>
    %swap3A_60 = vector.shape_cast %swap3A_59 : vector<1x1000x128xf32> to vector<1000x128xf32>
    %swap3A_61 = vector.shape_cast %mul3A_55 : vector<1000x128xf32> to vector<1x1000x128xf32>
    tpu.vector_store %arg3[%swap3A_56, %swap3A_57, %swap3A_58], %swap3A_61 {strides = array<i32>} : memref<8x1000x128xf32, #tpu.memory_space<vmem>>, vector<1x1000x128xf32>,
    %get3A_62 = arith.constant 5 : index
    %get3A_63 = arith.constant 0 : index
    %get3A_64 = vector.load %arg2[%get3A_62, %get3A_63] : memref<8x128xf32, #tpu.memory_space<vmem>>, vector<1x128xf32>
    %mul3A_65 = vector.broadcast %get3A_64 : vector<1x128xf32> to vector<1000x128xf32>
    %mul3A_66 = arith.mulf %mul3A_65, %tanh3A : vector<1000x128xf32>
    %swap3A_67 = arith.constant 5 : index
    %swap3A_68 = arith.constant 0 : index
    %swap3A_69 = arith.constant 0 : index
    %swap3A_70 = vector.load %arg3[%swap3A_67, %swap3A_68, %swap3A_69] : memref<8x1000x128xf32, #tpu.memory_space<vmem>>, vector<1x1000x128xf32>
    %swap3A_71 = vector.shape_cast %swap3A_70 : vector<1x1000x128xf32> to vector<1000x128xf32>
    %swap3A_72 = vector.shape_cast %mul3A_66 : vector<1000x128xf32> to vector<1x1000x128xf32>
    tpu.vector_store %arg3[%swap3A_67, %swap3A_68, %swap3A_69], %swap3A_72 {strides = array<i32>} : memref<8x1000x128xf32, #tpu.memory_space<vmem>>, vector<1x1000x128xf32>,
    %get3A_73 = arith.constant 6 : index
    %get3A_74 = arith.constant 0 : index
    %get3A_75 = vector.load %arg2[%get3A_73, %get3A_74] : memref<8x128xf32, #tpu.memory_space<vmem>>, vector<1x128xf32>
    %mul3A_76 = vector.broadcast %get3A_75 : vector<1x128xf32> to vector<1000x128xf32>
    %mul3A_77 = arith.mulf %mul3A_76, %tanh3A : vector<1000x128xf32>
    %swap3A_78 = arith.constant 6 : index
    %swap3A_79 = arith.constant 0 : index
    %swap3A_80 = arith.constant 0 : index
    %swap3A_81 = vector.load %arg3[%swap3A_78, %swap3A_79, %swap3A_80] : memref<8x1000x128xf32, #tpu.memory_space<vmem>>, vector<1x1000x128xf32>
    %swap3A_82 = vector.shape_cast %swap3A_81 : vector<1x1000x128xf32> to vector<1000x128xf32>
    %swap3A_83 = vector.shape_cast %mul3A_77 : vector<1000x128xf32> to vector<1x1000x128xf32>
    tpu.vector_store %arg3[%swap3A_78, %swap3A_79, %swap3A_80], %swap3A_83 {strides = array<i32>} : memref<8x1000x128xf32, #tpu.memory_space<vmem>>, vector<1x1000x128xf32>,
    %get3A_84 = arith.constant 7 : index
    %get3A_85 = arith.constant 0 : index
    %get3A_86 = vector.load %arg2[%get3A_84, %get3A_85] : memref<8x128xf32, #tpu.memory_space<vmem>>, vector<1x128xf32>
    %mul3A_87 = vector.broadcast %get3A_86 : vector<1x128xf32> to vector<1000x128xf32>
    %mul3A_88 = arith.mulf %mul3A_87, %tanh3A : vector<1000x128xf32>
    %swap3A_89 = arith.constant 7 : index
    %swap3A_90 = arith.constant 0 : index
    %swap3A_91 = arith.constant 0 : index
    %swap3A_92 = vector.load %arg3[%swap3A_89, %swap3A_90, %swap3A_91] : memref<8x1000x128xf32, #tpu.memory_space<vmem>>, vector<1x1000x128xf32>
    %swap3A_93 = vector.shape_cast %swap3A_92 : vector<1x1000x128xf32> to vector<1000x128xf32>
    %swap3A_94 = vector.shape_cast %mul3A_88 : vector<1000x128xf32> to vector<1x1000x128xf32>
    tpu.vector_store %arg3[%swap3A_89, %swap3A_90, %swap3A_91], %swap3A_94 {strides = array<i32>} : memref<8x1000x128xf32, #tpu.memory_space<vmem>>, vector<1x1000x128xf32>,
    return
  }
  func.func @transform_0(%arg0: i32) -> (i32, i32, i32) {
    %c0_i32 = arith.constant 0 : i32
    %c0_i32_0 = arith.constant 0 : i32
    %c0_i32_1 = arith.constant 0 : i32
    return %c0_i32, %arg0, %c0_i32_0 : i32, i32, i32
  }
  func.func @transform_1(%arg0: i32) -> (i32, i32) {
    %c0_i32 = arith.constant 0 : i32
    %c0_i32_0 = arith.constant 0 : i32
    %c0_i32_1 = arith.constant 0 : i32
    return %c0_i32, %c0_i32_0 : i32, i32
  }
  func.func @transform_2(%arg0: i32) -> (i32, i32, i32) {
    %c0_i32 = arith.constant 0 : i32
    %c0_i32_0 = arith.constant 0 : i32
    %c0_i32_1 = arith.constant 0 : i32
    return %c0_i32, %arg0, %c0_i32_0 : i32, i32, i32
  }
}

module attributes {stable_mosaic.version = 14 : i64} {
  func.func @_epilogue_body(%arg0: i32, %arg1: memref<2x1000x128xf32, #tpu.memory_space<vmem>>, %arg2: memref<128x7xf32, #tpu.memory_space<vmem>>, %arg3: memref<1x7xf32, #tpu.memory_space<vmem>>, %arg4: memref<1000x7xf32, #tpu.memory_space<vmem>>) attributes {dimension_semantics = [#tpu.dimension_semantics<arbitrary>], iteration_bounds = array<i64: 10>, scalar_prefetch = 0 : i64, scratch_operands = 0 : i64, tpu.core_type = #tpu.core_type<tc>, window_params = [{transform_indices = @transform_0, window_bounds = array<i64: 2, 1000, 128>}, {pipeline_mode = #tpu.pipeline_mode<synchronous>, transform_indices = @transform_1, window_bounds = array<i64: 128, 7>}, {pipeline_mode = #tpu.pipeline_mode<synchronous>, transform_indices = @transform_2, window_bounds = array<i64: 1, 7>}, {transform_indices = @transform_3, window_bounds = array<i64: 1000, 7>}]} {
    %get3A = arith.constant 0 : index
    %get3A_0 = arith.constant 0 : index
    %get3A_1 = arith.constant 0 : index
    %get3A_2 = vector.load %arg1[%get3A, %get3A_0, %get3A_1] : memref<2x1000x128xf32, #tpu.memory_space<vmem>>, vector<1x1000x128xf32>
    %get3A_3 = vector.shape_cast %get3A_2 : vector<1x1000x128xf32> to vector<1000x128xf32>
    %get3A_4 = arith.constant 1 : index
    %get3A_5 = arith.constant 0 : index
    %get3A_6 = arith.constant 0 : index
    %get3A_7 = vector.load %arg1[%get3A_4, %get3A_5, %get3A_6] : memref<2x1000x128xf32, #tpu.memory_space<vmem>>, vector<1x1000x128xf32>
    %get3A_8 = vector.shape_cast %get3A_7 : vector<1x1000x128xf32> to vector<1000x128xf32>
    %add3A = arith.addf %get3A_3, %get3A_8 : vector<1000x128xf32>
    %tanh3A = math.tanh %add3A : vector<1000x128xf32>
    %get3A_9 = arith.constant 0 : index
    %get3A_10 = arith.constant 0 : index
    %get3A_11 = vector.load %arg2[%get3A_9, %get3A_10] : memref<128x7xf32, #tpu.memory_space<vmem>>, vector<128x7xf32>
    %dot_general3A = arith.constant dense<0.000000e+00> : vector<1000x7xf32>
    %dot_general3A_12 = tpu.matmul %tanh3A, %get3A_11, %dot_general3A {dimension_numbers = #tpu.dot_dimension_numbers<[1], [0], [0], [1], [0, 0, 1, 1], [], []>, transpose_lhs_hint = false} : vector<1000x128xf32>, vector<128x7xf32>, vector<1000x7xf32> -> vector<1000x7xf32>
    %get3A_13 = arith.constant 0 : index
    %get3A_14 = arith.constant 0 : index
    %get3A_15 = vector.load %arg3[%get3A_13, %get3A_14] : memref<1x7xf32, #tpu.memory_space<vmem>>, vector<1x7xf32>
    %add3A_16 = vector.broadcast %get3A_15 : vector<1x7xf32> to vector<1000x7xf32>
    %add3A_17 = arith.addf %dot_general3A_12, %add3A_16 : vector<1000x7xf32>
    %swap3A = arith.constant 0 : index
    %swap3A_18 = arith.constant 0 : index
    %swap3A_19 = vector.load %arg4[%swap3A, %swap3A_18] : memref<1000x7xf32, #tpu.memory_space<vmem>>, vector<1000x7xf32>
    tpu.vector_store %arg4[%swap3A, %swap3A_18], %add3A_17 {strides = array<i32>} : memref<1000x7xf32, #tpu.memory_space<vmem>>, vector<1000x7xf32>,
    return
  }
  func.func @transform_0(%arg0: i32) -> (i32, i32, i32) {
    %c0_i32 = arith.constant 0 : i32
    %c0_i32_0 = arith.constant 0 : i32
    %c0_i32_1 = arith.constant 0 : i32
    return %c0_i32, %arg0, %c0_i32_0 : i32, i32, i32
  }
  func.func @transform_1(%arg0: i32) -> (i32, i32) {
    %c0_i32 = arith.constant 0 : i32
    %c0_i32_0 = arith.constant 0 : i32
    %c0_i32_1 = arith.constant 0 : i32
    return %c0_i32, %c0_i32_0 : i32, i32
  }
  func.func @transform_2(%arg0: i32) -> (i32, i32) {
    %c0_i32 = arith.constant 0 : i32
    %c0_i32_0 = arith.constant 0 : i32
    %c0_i32_1 = arith.constant 0 : i32
    return %c0_i32, %c0_i32_0 : i32, i32
  }
  func.func @transform_3(%arg0: i32) -> (i32, i32) {
    %c0_i32 = arith.constant 0 : i32
    %c0_i32_0 = arith.constant 0 : i32
    return %arg0, %c0_i32 : i32, i32
  }
}

</mosaic_0001>

<sc_bundles>
// kernel: kernel.10.cloned.1.call-start
scs
__scs_entry_jumppad:
0x0: {  	(pc) =	sbr.rel $0x88, $3  }
0x1: {  	(tag) =	ssettag $0x0;
	lr =	simm.s32 $0x1  }
0x2: {  	[smem:$0x3F92] =	sst lr;
	_ =	strace $0xD0000000  }
0x3: {  	_ = 	snop  }
0x4: {  	_ = 	snop  }
0x5: {  	_ = 	snop  }
0x6: {  	_ = 	snop  }
0x7: {  	_ = 	snop  }
__scs_overlays_trampoline_lowered:
0x8: {  	[smem:$0x3FA1] =	sst s0  }
0x9: {  	[smem:$0x3FA2] =	sst s1  }
0xa: {  	[smem:$0x3FA3] =	sst s2  }
0xb: {  	[smem:$0x3FA4] =	sst s3  }
0xc: {  	[smem:$0x3FA5] =	sst s4  }
0xd: {  	[smem:$0x3FA6] =	sst s5  }
0xe: {  	[smem:$0x3FA7] =	sst s6  }
0xf: {  	[smem:$0x3FA8] =	sst s7  }
0x10: {  	[smem:$0x3FA9] =	sst s8  }
0x11: {  	[smem:$0x3FAA] =	sst s9;
	s0 =	simm.s32 @!p0 $0x0  }
0x12: {  	s1 =	sld [smem:$0x3F90];
	s0 =	simm.s32 @p0 $0x1  }
0x13: {  	[smem:$0x3FAB] =	sst s0;
	s0 =	simm.s32 @!p1 $0x0  }
0x14: {  	s2 =	sld [smem:$0x3F8F];
	s0 =	simm.s32 @p1 $0x1  }
0x15: {  	[smem:$0x3FAC] =	sst s0;
	s0 =	simm.s32 @!p2 $0x0  }
0x16: {  	s3 =	sld [smem:$0x3FDB];
	s0 =	simm.s32 @p2 $0x1  }
0x17: {  	s4 =	simm.s32 $0x1BF5;
	[smem:$0x3FAE] =	sst s0  }
0x18: {  	s0 =	sld [smem:$0x3F91];
	_ =	swait.ge [sflag:s4], $0x0  }
0x19: {  	s7 =	sld [smem:$0x3F92]  }
0x1a: {  	s8 =	sadd.s32 $0xFFFFE003, lr  }
0x1b: {  	s9 =	sadd.s32 $0xFFFFFEF7, lr;
	s5 =	simm.s32 $0xFFFFFFFF;
	p2 =	slt.u32 s8, $0xFFFFF086  }
0x1c: {  	p1 =	slt.u32 s9, $0xF7A;
	s5 =	simm.s32 @!p2 $0x0  }
0x1d: {  	s5 =	simm.s32 @p1 $0x1;
	p0 =	seq.s32 s7, s2  }
0x1e: {  	s7 =	smul.u32 @!p0 $0xF7A, s2;
	p2 =	seq.s32 @!p0 s5, $0x0  }
0x1f: {  	s9 =	smul.u32 $0xF7A, s1;
	s8 =	simm.s32 @!p0 $0x1BF5;
	p2 =	por !p2, p0  }
0x20: {  	[sflag:s8] =	ssyncset.s32 @!p0 $0xFFFFF086;
	s6 =	sadd.s32 @!p0 s3, s7;
	s7 =	simm.s32 @!p0 $0x108  }
0x21: {  	s3 =	sadd.s32 s3, s9;
	s6 =	sadd.s32 @!p0 $0x88, s6;
	s7 =	simm.s32 @p2 $0x1082  }
0x22: {  	[simem:s7], [sflag:s8] =	dma.local @!p0 [hbm:s6], $0xF7A  }
0x23: {  	s9 =	sor.u32 $0xD0000000, s2;
	s6 =	simm.s32 $0x108;
	_ =	swait.ge @!p0 [sflag:s8], $0x0  }
0x24: {  	s3 =	sadd.s32 $0x88, s3;
	s6 =	simm.s32 @!p1 $0x1082;
	[sflag:s4] =	ssyncset.s32 $0xFFFFF086  }
0x25: {  	[simem:s6], [sflag:s4] =	dma.local [hbm:s3], $0xF7A  }
0x26: {  	[smem:$0x3F92] =	sst s1;
	(tag) =	ssettag s2;
	_ =	strace s9  }
0x27: {  	s1 =	sld [smem:$0x3FA2]  }
0x28: {  	s2 =	sld [smem:$0x3FA3]  }
0x29: {  	s4 =	sld [smem:$0x3FA5]  }
0x2a: {  	p0 =	seq.s32 s5, $0x0;
	s5 =	sld [smem:$0x3FA6]  }
0x2b: {  	s6 =	sld [smem:$0x3FA7]  }
0x2c: {  	s7 =	sld [smem:$0x3FA8]  }
0x2d: {  	s3 =	simm.s32 $0x108;
	s8 =	sld [smem:$0x3FA9]  }
0x2e: {  	s3 =	simm.s32 @!p0 $0x1082;
	s9 =	sld [smem:$0x3FAA]  }
0x2f: {  	lr =	sadd.s32 s0, s3;
	s0 =	sld [smem:$0x3FA1]  }
0x30: {  	s3 =	sld [smem:$0x3FA4]  }
0x31: {  	[smem:$0x3FAD] =	sst s10  }
0x32: {  	s10 =	sld [smem:$0x3FAB];
	_ =	sdelay $0x3  }
0x33: {  	p0 =	seq.s32 s10, $0x1;
	s10 =	sld [smem:$0x3FAD];
	_ =	sdelay $0x3  }
0x34: {  	[smem:$0x3FAD] =	sst s10  }
0x35: {  	s10 =	sld [smem:$0x3FAC];
	_ =	sdelay $0x3  }
0x36: {  	p1 =	seq.s32 s10, $0x1;
	s10 =	sld [smem:$0x3FAD];
	_ =	sdelay $0x3  }
0x37: {  	[smem:$0x3FAD] =	sst s10  }
0x38: {  	s10 =	sld [smem:$0x3FAE]  }
0x39: {  	_ = 	snop;
	(pc) =	sbr.ind lr, $3  }
0x3a: {  	_ = 	snop  }
0x3b: {  	_ = 	snop  }
0x3c: {  	p2 =	seq.s32 s10, $0x1;
	s10 =	sld [smem:$0x3FAD]  }
0x3d: {  	_ =	shalt  }
0x3e: {  	_ =	shalt  }
0x3f: {  	_ =	shalt  }
0x40: {  	_ =	shalt  }
0x41: {  	_ =	shalt  }
0x42: {  	_ =	shalt  }
0x43: {  	_ =	shalt  }
0x44: {  	_ =	shalt  }
0x45: {  	_ =	shalt  }
0x46: {  	_ =	shalt  }
0x47: {  	_ =	shalt  }
0x48: {  	_ =	shalt  }
0x49: {  	_ =	shalt  }
0x4a: {  	_ =	shalt  }
0x4b: {  	_ =	shalt  }
0x4c: {  	_ =	shalt  }
0x4d: {  	_ =	shalt  }
0x4e: {  	_ =	shalt  }
0x4f: {  	_ =	shalt  }
0x50: {  	_ =	shalt  }
0x51: {  	_ =	shalt  }
0x52: {  	_ =	shalt  }
0x53: {  	_ =	shalt  }
0x54: {  	_ =	shalt  }
0x55: {  	_ =	shalt  }
0x56: {  	_ =	shalt  }
0x57: {  	_ =	shalt  }
0x58: {  	_ =	shalt  }
0x59: {  	_ =	shalt  }
0x5a: {  	_ =	shalt  }
0x5b: {  	_ =	shalt  }
0x5c: {  	_ =	shalt  }
0x5d: {  	_ =	shalt  }
0x5e: {  	_ =	shalt  }
0x5f: {  	_ =	shalt  }
0x60: {  	_ =	shalt  }
0x61: {  	_ =	shalt  }
0x62: {  	_ =	shalt  }
0x63: {  	_ =	shalt  }
0x64: {  	_ =	shalt  }
0x65: {  	_ =	shalt  }
0x66: {  	_ =	shalt  }
0x67: {  	_ =	shalt  }
0x68: {  	_ =	shalt  }
0x69: {  	_ =	shalt  }
0x6a: {  	_ =	shalt  }
0x6b: {  	_ =	shalt  }
0x6c: {  	_ =	shalt  }
0x6d: {  	_ =	shalt  }
0x6e: {  	_ =	shalt  }
0x6f: {  	_ =	shalt  }
0x70: {  	_ =	shalt  }
0x71: {  	_ =	shalt  }
0x72: {  	_ =	shalt  }
0x73: {  	_ =	shalt  }
0x74: {  	_ =	shalt  }
0x75: {  	_ =	shalt  }
0x76: {  	_ =	shalt  }
0x77: {  	_ =	shalt  }
0x78: {  	_ =	shalt  }
0x79: {  	_ =	shalt  }
0x7a: {  	_ =	shalt  }
0x7b: {  	_ =	shalt  }
0x7c: {  	_ =	shalt  }
0x7d: {  	_ =	shalt  }
0x7e: {  	_ =	shalt  }
0x7f: {  	_ =	shalt  }
0x80: {  	_ =	shalt  }
0x81: {  	_ =	shalt  }
0x82: {  	_ =	shalt  }
0x83: {  	_ =	shalt  }
0x84: {  	_ =	shalt  }
0x85: {  	_ =	shalt  }
0x86: {  	_ =	shalt  }
0x87: {  	_ =	shalt  }
.Lfunc_end0:
.L_simem_size_0:
called_computation.1_lowered:
.L_overlay_start_0:
0x88: {  	s2 =	sld [smem:$0x3FD9]  }
0x89: {  	s3 =	sld [smem:$0x3FFE];
	_ =	sdelay $0x1  }
0x8a: {  	s1 =	srdreg.scid  }
0x8b: {  	s0 =	sand.u32 $0x1, s1  }
0x8c: {  	s16 =	sshll.u32 s0, $0xA;
	s2 =	sadd.s32 s3, s2  }
0x8d: {  	s2 =	sadd.s32 s2, s16  }
0x8e: {  	[smem:$0x3FB9] =	sst s2  }
0x8f: {  	_ = 	snop  }
0x90: {  	(tm) =	ssettm $0x1  }
0x91: {  	s17 =	sld [smem:$0x3FFB];
	_ =	sdelay $0x3  }
0x92: {  	_ =	strace s17  }
0x93: {  	s2 =	sld [smem:$0x3FFC];
	_ =	sdelay $0x3  }
0x94: {  	_ =	strace s2  }
0x95: {  	s2 =	sld [smem:$0x3FFD];
	_ =	sdelay $0x3  }
0x96: {  	_ =	strace s2  }
0x97: {  	_ =	strace $0x8FFFFFFF  }
0x98: {  	s18 =	sld [smem:$0x3FDB];
	_ =	sdelay $0x1  }
0x99: {  	s19 =	simm.s32 $_scs_section_size  }
0x9a: {  	s4 =	simm.s32 $_size__tile_overlayer_lowered;
	s5 =	simm.s32 $_tile_overlayer_lowered  }
0x9b: {  	s22 =	simm.s32 $0x1BFF;
	s21 =	sshll.u32 s5, $0x1;
	s2 =	sadd.s32 s19, s18  }
0x9c: {  	s6 =	simm.s32 $0x0;
	s20 =	sshll.u32 s4, $0x1;
	s4 =	sadd.s32 s21, s2  }
0x9d: {  	[timem:s6], [sflag:s22] =	dma.local [hbm:s4], s20  }
0x9e: {  	_ =	swait.ge [sflag:s22], s20  }
0x9f: {  	s3 =	ssub.s32 $0x0, s20;
	[sflag:s22] =	ssyncset.done $0x0  }
0xa0: {  	[sflag:s22] =	ssyncadd.s32 s3;
	_ =	sdelay $0x1  }
0xa1: {  	s23 =	simm.s32 $0x1B8B  }
0xa2: {  	_ =	swait.ge [sflag:s23], $0x1  }
0xa3: {  	[sflag:s23] =	ssyncset.done $0x0  }
0xa4: {  	s25 =	simm.s32 $0x1B8E;
	s24 =	sld [smem:$0x3FFE];
	[sflag:s23] =	ssyncadd.s32 $0xFFFFFFFF  }
0xa5: {  	s26 =	simm.s32 $execute0_lowered;
	[smem:$0x3FD2] =	sst s25  }
0xa6: {  	s4 =	sshll.u32 s26, $0x1;
	_ =	strace $0x80000049;
	[dreg:$0x1] =	wrdreg $0xFFFFFFFF  }
0xa7: {  	s28 =	simm.s32 $_size_execute0_lowered;
	s2 =	sadd.s32 s2, s4;
	[dreg:$0x0] =	wrdreg $0x0  }
0xa8: {  	s4 =	sshll.u32 s28, $0x1;
	[dreg:$0x2] =	wrdreg s2  }
0xa9: {  	[dreg:$0x3] =	wrdreg s4  }
0xaa: {  	[dreg:$0x4] =	wrdreg $0xC0  }
0xab: {  	_ =	task [dreg:s6], $0x5FFFF  }
0xac: {  	[dreg:$0x1] =	wrdreg $0xFFFFFFFF  }
0xad: {  	[dreg:$0x0] =	wrdreg $0x60  }
0xae: {  	[dreg:$0x2] =	wrdreg s24  }
0xaf: {  	[dreg:$0x3] =	wrdreg $0xB0000  }
0xb0: {  	[dreg:$0x4] =	wrdreg $0x9  }
0xb1: {  	_ =	task.clear_ibuf [dreg:s6], $0x5FFFF;
	_ =	strace $0x90000049  }
0xb2: {  	s29 =	simm.s32 $0x9;
	_ =	strace $0x8000004B  }
0xb3: {  	_ =	swait.ge [sflag:s29], $0x1  }
0xb4: {  	[sflag:s29] =	ssyncadd.s32 $0xFFFFFFFF  }
0xb5: {  	_ =	strace $0x9000004B  }
0xb6: {  	_ =	sfence  }
0xb7: {  	s30 =	sld [smem:$0x0];
	_ =	sdelay $0x2  }
0xb8: {  	s31 =	sshll.u32 s1, $0xD;
	s1 =	sshrl.u32 s1, $0x2  }
0xb9: {  	s3 =	sand.u32 $0x4000, s31;
	s1 =	sadd.s32 s1, s30  }
0xba: {  	s0 =	sor.u32 s3, s0;
	s1 =	sshll.u32 s1, $0x11  }
0xbb: {  	s0 =	sor.u32 s1, s0  }
0xbc: {  	s0 =	sadd.s32 $0x8F2B, s0  }
0xbd: {  	[sflag:s0] =	ssyncadd.remote.s32 $0x1  }
0xbe: {  	_ =	sfence.sel $0xFFFF  }
0xbf: {  	[dreg:$0x0] =	wrdreg $0xFFFFFFFF;
	(pc) =	sbr.abs _section_cstart, $3  }
0xc0: {  	[dreg:$0x1] =	wrdreg $0xFFFFFFFF  }
0xc1: {  	_ =	task.clear_ibuf [dreg:s6], $0x2FFFF;
	_ =	strace $0x9FFFFFFF  }
0xc2: {  	(tm) =	ssettm $0x7FFFFFFF  }
0xc3: {  	_ =	shalt  }
tec
execute0_lowered:
.L_overlay_start_1:
0x0: {  	(tag) =	ssettag $0x1  }
0x1: {  	s0 =	rddreg [dreg:$0x0]  }
0x2: {  	s1 =	rddreg [dreg:$0x1]  }
0x3: {  	s2 =	simm.s32 $0x0;
	s14 =	stileid.u32;
	s17 =	srdreg.scid  }
0x4: {  	s28 =	simm.s32 $0x4C00;
	s29 =	simm.s32 $0x1;
	s30 =	simm.s32 $0x6000  }
0x5: {  	s31 =	simm.s32 $0x2;
	[smem:$0x7FF] =	sst s2;
	s4 =	sadd.s32 $0x42200, s0  }
0x6: {  	s3 =	smul.u32 $0x2780, s14;
	s2 =	sand.u32 $0x1, s17;
	s5 =	sadd.s32 $0x2200, s0  }
0x7: {  	s7 =	smul.u32 $0x4F000, s14;
	s8 =	sadd.s32 $0x22200, s0;
	s11 =	sadd.s32 $0x1A1C00, s0  }
0x8: {  	s18 =	sshll.u32 s14, $0x10;
	p0 =	seq.s32 s14, $0xF;
	s17 =	simm.s32 $0x8800  }
0x9: {  	_ =	strace $0x8000004A;
	s6 =	ssub.s32 $0x2, s2;
	s20 =	smul.u32 $0x138800, s2  }
0xa: {  	s12 =	sshll.u32 s2, $0xF;
	s2 =	smul.u32 $0x27100, s2;
	s9 =	sadd.s32 s3, s0  }
0xb: {  	s10 =	sshrl.u32 s6, $0x1;
	s7 =	sshrl.u32 s7, $0x2;
	s19 =	sor.u32 s12, s18  }
0xc: {  	s12 =	sadd.s32 $0x128400, s1;
	s0 =	sadd.s32 $0x19FA80, s0;
	s6 =	ssub.s32 s6, s10  }
0xd: {  	s7 =	sadd.s32 s7, s1;
	s9 =	sadd.s32 $0x17AA00, s9;
	s13 =	sshrl.u32 s19, $0x3  }
0xe: {  	[dreg:$0x4] =	wrdreg s0;
	s22 =	sshrl.u32 s20, $0x3;
	s2 =	sadd.s32 s3, s2  }
0xf: {  	s24 =	sor.u32 $0x400, s19;
	s10 =	sshrl.u32 @p0 s12, $0x3;
	s19 =	simm.s32 $0x12  }
0x10: {  	s20 =	simm.s32 $0x28;
	[dreg:$0x3] =	wrdreg s9;
	s21 =	sadd.s32 s5, s13  }
0x11: {  	s23 =	sadd.s32 s8, s13;
	s0 =	sadd.s32 s11, s22;
	s2 =	sadd.s32 s11, s2  }
0x12: {  	s25 =	smax.u32 s6, $0x1;
	s13 =	sshrl.u32 @!p0 s7, $0x3;
	[dreg:$0xc] =	wrdreg s10  }
0x13: {  	s22 =	simm.s32 $0x4;
	s6 =	simm.s32 $0x7;
	[dreg:$0x5] =	wrdreg s21  }
0x14: {  	s7 =	simm.s32 $0xB;
	s9 =	simm.s32 $0xC;
	[dreg:$0x6] =	wrdreg s23  }
0x15: {  	s11 =	simm.s32 $0x0;
	[dreg:$0x7] =	wrdreg s2;
	s0 =	sadd.s32 $0x25080, s0  }
0x16: {  	[dreg:$0x9] =	wrdreg s25;
	s25 =	simm.s32 $0x3800;
	s2 =	simm.s32 $0x3  }
.Ltmp0:
0x17: {  	[dreg:$0x8] =	wrdreg s0;
	s0 =	sshrl.u32 s24, $0x3;
	(pc) =	sbr.rel .LBB2_1-.Ltmp0, $4  }
0x18: {  	[dreg:$0xe] =	wrdreg s13;
	s26 =	sadd.s32 s0, s8;
	s0 =	sadd.s32 s0, s5  }
0x19: {  	s24 =	simm.s32 $0x9C00;
	[dreg:$0xb] =	wrdreg s0;
	s0 =	sshll.u32 @!p0 s14, $0x6  }
0x1a: {  	s5 =	simm.s32 $0x9;
	[dreg:$0xa] =	wrdreg s26;
	s12 =	sor.u32 @!p0 $0x1C13, s0  }
0x1b: {  	s8 =	simm.s32 $0x8;
	s26 =	simm.s32 $0x5;
	[dreg:$0xd] =	wrdreg s12  }
.LBB2_3:
0x1c: {  	_ =	swait.ge [sflag:s8], $0x1400  }
0x1d: {  	[sflag:s8] =	ssyncset.done $0x0  }
0x1e: {  	s0 =	sor.u32 $0x800, s16;
	[sflag:s8] =	ssyncadd.s32 $0xFFFFEC00  }
0x1f: {  	[spmem:s1] =	stream.indirect.scatter.add.f32 [tilespmem:s24], [sflag:$0x10], $0x80, s0, s20, $0xb8;
	[tilespmem:$0x1E8C0] =	vst v63  }
0x20: {  	_ =	swait.ge [sflag:s9], $0x1400  }
0x21: {  	[sflag:s9] =	ssyncset.done $0x0  }
0x22: {  	[sflag:s9] =	ssyncadd.s32 $0xFFFFEC00  }
.LBB2_5:
0x23: {  	s0 =	simm.s32 $0xD  }
0x24: {  	_ =	swait.ge [sflag:s0], $0x1400  }
0x25: {  	[sflag:s0] =	ssyncset.done $0x0  }
0x26: {  	s16 =	simm.s32 $0xE;
	[sflag:s0] =	ssyncadd.s32 $0xFFFFEC00  }
0x27: {  	_ =	swait.ge [sflag:s16], $0x1400  }
0x28: {  	[sflag:s16] =	ssyncset.done $0x0  }
0x29: {  	s18 =	simm.s32 $0xF;
	[sflag:s16] =	ssyncadd.s32 $0xFFFFEC00  }
0x2a: {  	_ =	swait.ge [sflag:s18], $0x1400  }
0x2b: {  	[sflag:s18] =	ssyncset.done $0x0  }
0x2c: {  	s21 =	simm.s32 $0x10;
	[sflag:s18] =	ssyncadd.s32 $0xFFFFEC00  }
0x2d: {  	_ =	swait.ge [sflag:s21], $0x1400  }
0x2e: {  	[sflag:s21] =	ssyncset.done $0x0  }
0x2f: {  	[sflag:s21] =	ssyncadd.s32 $0xFFFFEC00  }
0x30: {  	[bflag:$0x0] =	sbarrier.arrive $0xFFFF  }
0x31: {  	s3 =	rddreg [dreg:$0x8]  }
0x32: {  	s0 =	simm.s32 @p0 $0x1FD3;
	s10 =	rddreg [dreg:$0xc]  }
0x33: {  	[hbm:s3], [sflag:s0] =	dma.local @p0 [spmem:s10], $0x2080  }
0x34: {  	s0 =	simm.s32 @p0 $0x13  }
0x35: {  	_ =	swait.ge @p0 [sflag:s0], $0x2080  }
0x36: {  	s12 =	rddreg [dreg:$0xd]  }
0x37: {  	[sflag:s0] =	ssyncset.done @p0 $0x0;
	s13 =	rddreg [dreg:$0xe]  }
0x38: {  	[sflag:s0] =	ssyncadd.s32 @p0 $0xFFFFDF80;
	s0 =	rddreg [dreg:$0x7]  }
0x39: {  	[hbm:s0], [sflag:s12] =	dma.local @!p0 [spmem:s13], $0x2780  }
0x3a: {  	s0 =	simm.s32 @!p0 $0x13  }
0x3b: {  	_ =	swait.ge @!p0 [sflag:s0], $0x2780  }
0x3c: {  	s11 =	rddreg [dreg:$0xf]  }
0x3d: {  	s23 =	rddreg [dreg:$0x9];
	s11 =	sadd.s32 $0x1, s11  }
0x3e: {  	p1 =	sne.s32 s11, s23  }
.Ltmp1:
0x3f: {  	_ = 	snop;
	(pc) =	sbr.rel @!p1 .LBB2_6-.Ltmp1, $3  }
0x40: {  	_ =	sdelay $0x1  }
0x41: {  	[sflag:s0] =	ssyncset.done @!p0 $0x0  }
0x42: {  	[sflag:s0] =	ssyncadd.s32 @!p0 $0xFFFFD880  }
.LBB2_1:
0x43: {  	[dreg:$0xf] =	wrdreg s11  }
0x44: {  	s11 =	simm.s32 @p0 $0x1FD3;
	s0 =	rddreg [dreg:$0x4]  }
0x45: {  	[spmem:s10], [sflag:s11] =	dma.local @p0 [hbm:s0], $0x2080  }
0x46: {  	s11 =	simm.s32 @p0 $0x13  }
0x47: {  	_ =	swait.ge @p0 [sflag:s11], $0x2080  }
0x48: {  	[sflag:s11] =	ssyncset.done @p0 $0x0  }
0x49: {  	s0 =	rddreg [dreg:$0x3];
	[sflag:s11] =	ssyncadd.s32 @p0 $0xFFFFDF80;
	s11 =	simm.s32 @!p0 $0x13  }
0x4a: {  	[spmem:s13], [sflag:s12] =	dma.local @!p0 [hbm:s0], $0x2780  }
0x4b: {  	_ =	swait.ge @!p0 [sflag:s11], $0x2780  }
0x4c: {  	[sflag:s11] =	ssyncset.done @!p0 $0x0  }
0x4d: {  	s3 =	rddreg [dreg:$0x5];
	[sflag:s11] =	ssyncadd.s32 @!p0 $0xFFFFD880;
	s11 =	simm.s32 $0x0  }
0x4e: {  	[tilespmem:s11], [sflag:$0x11] =	stream.linear.gather [hbm4b:s3+s11], $0x400, $0x38;
	[tilespmem:$0x1E8C0] =	vst v63  }
0x4f: {  	s14 =	simm.s32 $0x11;
	s13 =	simm.s32 $0x800;
	s12 =	rddreg [dreg:$0x6]  }
0x50: {  	[tilespmem:s13], [sflag:$0x12] =	stream.linear.gather [hbm4b:s12+s11], $0x400, $0x38;
	[tilespmem:$0x1E8C0] =	vst v63  }
0x51: {  	_ =	swait.ge [sflag:s14], $0x400  }
0x52: {  	[sflag:s14] =	ssyncset.done $0x0  }
0x53: {  	[sflag:s14] =	ssyncadd.s32 $0xFFFFFC00  }
0x54: {  	_ =	swait.ge [sflag:s19], $0x400  }
0x55: {  	[sflag:s19] =	ssyncset.done $0x0  }
0x56: {  	[sflag:s19] =	ssyncadd.s32 $0xFFFFFC00  }
0x57: {  	s15 =	simm.s32 $0x1000;
	[bflag:$0x0] =	sbarrier.arrive $0xFFFF  }
0x58: {  	[tilespmem:s15], [sflag:$0x1] =	stream.indirect.gather [hbm4b:s4+s20], $0x80, s11, s20, $0xb8;
	[tilespmem:$0x1E8C0] =	vst v63  }
0x59: {  	s16 =	simm.s32 $0x80;
	s18 =	simm.s32 $0x2400  }
0x5a: {  	[tilespmem:s18], [sflag:$0x2] =	stream.indirect.gather [hbm4b:s4+s20], $0x80, s16, s20, $0xb8;
	[tilespmem:$0x1E8C0] =	vst v63  }
0x5b: {  	s21 =	simm.s32 $0x100;
	s11 =	rddreg [dreg:$0xa]  }
0x5c: {  	[tilespmem:s25], [sflag:$0x3] =	stream.indirect.gather [hbm4b:s4+s20], $0x80, s21, s20, $0xb8;
	[tilespmem:$0x1E8C0] =	vst v63  }
0x5d: {  	s23 =	simm.s32 $0x180;
	s12 =	simm.s32 $0x8;
	s18 =	rddreg [dreg:$0xb]  }
0x5e: {  	[tilespmem:s28], [sflag:$0x4] =	stream.indirect.gather [hbm4b:s4+s20], $0x80, s23, s20, $0xb8;
	[tilespmem:$0x1E8C0] =	vst v63  }
.LBB2_2:
0x5f: {  	s13 =	sadd.s32 $0xFFFFFFF8, s12  }
0x60: {  	_ =	swait.ge [sflag:s29], $0x1400;
	s0 =	simm.s32 $0x1000;
	s13 =	sand.u32 $0x8, s13  }
0x61: {  	p1 =	seq.s32 s12, $0x100;
	[sflag:s29] =	ssyncset.done $0x0;
	s16 =	sshll.u32 s13, $0x7  }
0x62: {  	p2 =	seq.s32 @!p1 s12, $0x8;
	[sflag:s29] =	ssyncadd.s32 $0xFFFFEC00;
	s13 =	sor.u32 $0x800, s16  }
0x63: {  	[spmem:s1] =	stream.indirect.scatter.add.f32 [tilespmem:s0], [sflag:$0x9], $0x80, s13, s20, $0xb8;
	[tilespmem:$0x1E8C0] =	vst v63  }
0x64: {  	p3 =	por p1, !p2;
	s13 =	sand.u32 $0x8, s12  }
0x65: {  	s15 =	simm.s32 @!p1 $0x0;
	s0 =	simm.s32 @p3 $0xD;
	s14 =	sshll.u32 @!p1 s13, $0x7  }
0x66: {  	[tilespmem:s14], [sflag:$0x11] =	stream.linear.gather @!p1 [hbm4b:s18+s15], $0x400, $0x38;
	[tilespmem:$0x1E8C0] =	vst v63  }
0x67: {  	_ =	swait.ge @p3 [sflag:s0], $0x1400  }
0x68: {  	[sflag:s0] =	ssyncset.done @p3 $0x0  }
0x69: {  	s3 =	sor.u32 $0x200, s16;
	[sflag:s0] =	ssyncadd.s32 @p3 $0xFFFFEC00  }
0x6a: {  	[tilespmem:s30], [sflag:$0x5] =	stream.indirect.gather [hbm4b:s4+s20], $0x80, s3, s20, $0xb8;
	[tilespmem:$0x1E8C0] =	vst v63  }
0x6b: {  	p2 =	por @!p1 $0x1, $0x1;
	_ =	swait.ge [sflag:s31], $0x1400  }
0x6c: {  	s10 =	simm.s32 $0x2400;
	p2 =	por @p3 $0x0, $0x0;
	[sflag:s31] =	ssyncset.done $0x0  }
0x6d: {  	s23 =	sadd.s32 $0x880, s16;
	s0 =	simm.s32 @!p2 $0xE;
	[sflag:s31] =	ssyncadd.s32 $0xFFFFEC00  }
0x6e: {  	[spmem:s1] =	stream.indirect.scatter.add.f32 [tilespmem:s10], [sflag:$0xA], $0x80, s23, s20, $0xb8;
	[tilespmem:$0x1E8C0] =	vst v63  }
0x6f: {  	_ =	swait.ge @!p2 [sflag:s0], $0x1400  }
0x70: {  	[sflag:s0] =	ssyncset.done @!p2 $0x0  }
0x71: {  	s21 =	simm.s32 $0x7400;
	[sflag:s0] =	ssyncadd.s32 @!p2 $0xFFFFEC00;
	s0 =	sor.u32 $0x280, s16  }
0x72: {  	[tilespmem:s21], [sflag:$0x6] =	stream.indirect.gather [hbm4b:s4+s20], $0x80, s0, s20, $0xb8;
	[tilespmem:$0x1E8C0] =	vst v63  }
0x73: {  	_ =	swait.ge [sflag:s2], $0x1400  }
0x74: {  	[sflag:s2] =	ssyncset.done $0x0  }
0x75: {  	s21 =	sadd.s32 $0x900, s16;
	[sflag:s2] =	ssyncadd.s32 $0xFFFFEC00  }
0x76: {  	[spmem:s1] =	stream.indirect.scatter.add.f32 [tilespmem:s25], [sflag:$0xB], $0x80, s21, s20, $0xb8;
	[tilespmem:$0x1E8C0] =	vst v63  }
0x77: {  	s21 =	simm.s32 @!p2 $0xF  }
0x78: {  	_ =	swait.ge @!p2 [sflag:s21], $0x1400  }
0x79: {  	[sflag:s21] =	ssyncset.done @!p2 $0x0  }
0x7a: {  	[sflag:s21] =	ssyncadd.s32 @!p2 $0xFFFFEC00;
	s21 =	sor.u32 $0x300, s16  }
0x7b: {  	[tilespmem:s17], [sflag:$0x7] =	stream.indirect.gather [hbm4b:s4+s20], $0x80, s21, s20, $0xb8;
	[tilespmem:$0x1E8C0] =	vst v63  }
0x7c: {  	_ =	swait.ge [sflag:s22], $0x1400  }
0x7d: {  	[sflag:s22] =	ssyncset.done $0x0  }
0x7e: {  	s23 =	sadd.s32 $0x980, s16;
	[sflag:s22] =	ssyncadd.s32 $0xFFFFEC00  }
0x7f: {  	[spmem:s1] =	stream.indirect.scatter.add.f32 [tilespmem:s28], [sflag:$0xC], $0x80, s23, s20, $0xb8;
	[tilespmem:$0x1E8C0] =	vst v63  }
0x80: {  	s23 =	simm.s32 @!p2 $0x10  }
0x81: {  	_ =	swait.ge @!p2 [sflag:s23], $0x1400  }
0x82: {  	[sflag:s23] =	ssyncset.done @!p2 $0x0  }
0x83: {  	s16 =	sor.u32 $0x380, s16;
	[sflag:s23] =	ssyncadd.s32 @!p2 $0xFFFFEC00  }
0x84: {  	[tilespmem:s24], [sflag:$0x8] =	stream.indirect.gather [hbm4b:s4+s20], $0x80, s16, s20, $0xb8;
	[tilespmem:$0x1E8C0] =	vst v63  }
0x85: {  	_ =	swait.ge [sflag:s26], $0x1400  }
0x86: {  	[sflag:s26] =	ssyncset.done $0x0  }
0x87: {  	s3 =	sor.u32 $0x800, s3;
	[sflag:s26] =	ssyncadd.s32 $0xFFFFEC00  }
0x88: {  	[spmem:s1] =	stream.indirect.scatter.add.f32 [tilespmem:s30], [sflag:$0xD], $0x80, s3, s20, $0xb8;
	[tilespmem:$0x1E8C0] =	vst v63  }
0x89: {  	_ =	swait.ge [sflag:s5], $0x1400  }
0x8a: {  	[sflag:s5] =	ssyncset.done $0x0  }
0x8b: {  	s3 =	simm.s32 @p1 $0x6;
	[sflag:s5] =	ssyncadd.s32 $0xFFFFEC00  }
0x8c: {  	_ =	swait.ge @p1 [sflag:s3], $0x1400  }
0x8d: {  	s10 =	simm.s32 @p1 $0x7400;
	[sflag:s3] =	ssyncset.done @p1 $0x0  }
0x8e: {  	s23 =	simm.s32 @p1 $0x28;
	[sflag:s3] =	ssyncadd.s32 @p1 $0xFFFFEC00;
	s3 =	sor.u32 @p1 $0x800, s0  }
0x8f: {  	[spmem:s1] =	stream.indirect.scatter.add.f32 @p1 [tilespmem:s10], [sflag:$0xE], $0x80, s3, s23, $0xb8;
	[tilespmem:$0x1E8C0] =	vst v63  }
0x90: {  	s3 =	simm.s32 @p1 $0xA  }
0x91: {  	_ =	swait.ge @p1 [sflag:s3], $0x1400  }
0x92: {  	[sflag:s3] =	ssyncset.done @p1 $0x0  }
0x93: {  	[sflag:s3] =	ssyncadd.s32 @p1 $0xFFFFEC00;
	s3 =	sor.u32 @!p1 $0x800, s14  }
0x94: {  	[tilespmem:s3], [sflag:$0x12] =	stream.linear.gather @!p1 [hbm4b:s11+s15], $0x400, $0x38;
	[tilespmem:$0x1E8C0] =	vst v63  }
0x95: {  	s3 =	simm.s32 @!p1 $0x11  }
0x96: {  	_ =	swait.ge @!p1 [sflag:s3], $0x400  }
0x97: {  	[sflag:s3] =	ssyncset.done @!p1 $0x0  }
0x98: {  	s10 =	simm.s32 @!p1 $0x1000;
	[sflag:s3] =	ssyncadd.s32 @!p1 $0xFFFFFC00;
	s3 =	simm.s32 @!p1 $0x28  }
0x99: {  	[tilespmem:s10], [sflag:$0x1] =	stream.indirect.gather @!p1 [hbm4b:s4+s3], $0x80, s14, s3, $0xb8;
	[tilespmem:$0x1E8C0] =	vst v63  }
0x9a: {  	s10 =	simm.s32 @!p1 $0x6  }
0x9b: {  	_ =	swait.ge @!p1 [sflag:s10], $0x1400  }
0x9c: {  	[sflag:s10] =	ssyncset.done @!p1 $0x0  }
0x9d: {  	s0 =	sor.u32 @!p1 $0x800, s0;
	[sflag:s10] =	ssyncadd.s32 @!p1 $0xFFFFEC00;
	s10 =	simm.s32 @!p1 $0x7400  }
0x9e: {  	[spmem:s1] =	stream.indirect.scatter.add.f32 @!p1 [tilespmem:s10], [sflag:$0xE], $0x80, s0, s3, $0xb8;
	[tilespmem:$0x1E8C0] =	vst v63  }
0x9f: {  	s0 =	simm.s32 @!p1 $0xA  }
0xa0: {  	_ =	swait.ge @!p1 [sflag:s0], $0x1400  }
0xa1: {  	[sflag:s0] =	ssyncset.done @!p1 $0x0  }
0xa2: {  	s10 =	simm.s32 @!p1 $0x2400;
	[sflag:s0] =	ssyncadd.s32 @!p1 $0xFFFFEC00;
	s0 =	sadd.s32 @!p1 $0x80, s14  }
0xa3: {  	[tilespmem:s10], [sflag:$0x2] =	stream.indirect.gather @!p1 [hbm4b:s4+s3], $0x80, s0, s3, $0xb8;
	[tilespmem:$0x1E8C0] =	vst v63  }
0xa4: {  	_ =	swait.ge [sflag:s6], $0x1400  }
0xa5: {  	p1 =	sne.s32 s12, $0x100;
	[sflag:s6] =	ssyncset.done $0x0  }
.Ltmp2:
0xa6: {  	s23 =	sor.u32 $0x800, s21;
	[sflag:s6] =	ssyncadd.s32 $0xFFFFEC00;
	(pc) =	sbr.rel @!p1 .LBB2_3-.Ltmp2, $4  }
0xa7: {  	[spmem:s1] =	stream.indirect.scatter.add.f32 [tilespmem:s17], [sflag:$0xF], $0x80, s23, s20, $0xb8;
	[tilespmem:$0x1E8C0] =	vst v63  }
0xa8: {  	_ =	swait.ge [sflag:s7], $0x1400  }
0xa9: {  	[sflag:s7] =	ssyncset.done $0x0  }
0xaa: {  	[sflag:s7] =	ssyncadd.s32 $0xFFFFEC00  }
0xab: {  	s0 =	sshll.u32 s13, $0x7  }
0xac: {  	s3 =	sadd.s32 $0x100, s0  }
0xad: {  	[tilespmem:s25], [sflag:$0x3] =	stream.indirect.gather [hbm4b:s4+s20], $0x80, s3, s20, $0xb8;
	[tilespmem:$0x1E8C0] =	vst v63  }
0xae: {  	_ =	swait.ge [sflag:s8], $0x1400  }
0xaf: {  	[sflag:s8] =	ssyncset.done $0x0  }
0xb0: {  	s23 =	sor.u32 $0x800, s16;
	[sflag:s8] =	ssyncadd.s32 $0xFFFFEC00  }
0xb1: {  	[spmem:s1] =	stream.indirect.scatter.add.f32 [tilespmem:s24], [sflag:$0x10], $0x80, s23, s20, $0xb8;
	[tilespmem:$0x1E8C0] =	vst v63  }
0xb2: {  	_ =	swait.ge [sflag:s9], $0x1400  }
0xb3: {  	s12 =	sadd.s32 $0x8, s12;
	[sflag:s9] =	ssyncset.done $0x0  }
0xb4: {  	s0 =	sadd.s32 $0x180, s0;
	p1 =	sne.s32 s12, $0x108;
	[sflag:s9] =	ssyncadd.s32 $0xFFFFEC00  }
0xb5: {  	[tilespmem:s28], [sflag:$0x4] =	stream.indirect.gather [hbm4b:s4+s20], $0x80, s0, s20, $0xb8;
	[tilespmem:$0x1E8C0] =	vst v63  }
.Ltmp3:
0xb6: {  	_ = 	snop;
	(pc) =	sbr.rel @p1 .LBB2_2-.Ltmp3, $4  }
.Ltmp4:
0xb7: {  	_ = 	snop;
	(pc) =	sbr.rel @!p1 .LBB2_5-.Ltmp4, $4  }
0xb8: {  	_ =	swait.ge [sflag:s19], $0x400  }
0xb9: {  	[sflag:s19] =	ssyncset.done $0x0  }
0xba: {  	s11 =	sadd.s32 $0x80, s11;
	s18 =	sadd.s32 $0x80, s18;
	[sflag:s19] =	ssyncadd.s32 $0xFFFFFC00  }
0xbb: {  	_ = 	snop  }
.LBB2_6:
0xbc: {  	_ =	sfence.sel $0x180000  }
0xbd: {  	[bflag:$0x0] =	sbarrier.arrive $0xFFFF  }
0xbe: {  	_ =	strace $0x9000004A  }
0xbf: {  	s0 =	stileid.u32;
	[bflag:$0x2] =	sbarrier.arrive $0xFFFF  }
0xc0: {  	p0 =	sne.s32 s0, $0x0;
	s0 =	rddreg [dreg:$0x2]  }
0xc1: {  	s0 =	sadd.s32 @!p0 $0x100000, s0  }
0xc2: {  	[sflag:s0] =	ssyncadd.tile.s32 @!p0 $0x1;
	_ =	shalt  }
.Lfunc_end2:
_tile_overlayer_lowered:
.L_overlay_start_2:
0xc3: {  	(tag) =	ssettag $0x2  }
0xc4: {  	s0 =	rddreg [dreg:$0x0];
	s2 =	stileid.u32  }
0xc5: {  	s1 =	rddreg [dreg:$0x1];
	p0 =	sne.s32 s2, $0x0  }
0xc6: {  	s3 =	rddreg [dreg:$0x2];
	[bflag:$0x3] =	sbarrier.arrive $0xFFFF;
	s2 =	simm.s32 @!p0 $0x1C13  }
0xc7: {  	[timem:s3], [sflag:s2] =	dma.local @!p0 [hbm:s0], s1  }
0xc8: {  	s0 =	simm.s32 @!p0 $0x13  }
0xc9: {  	_ =	swait.ge @!p0 [sflag:s0], s1  }
0xca: {  	s1 =	ssub.s32 @!p0 $0x0, s1;
	[sflag:s0] =	ssyncset.done @!p0 $0x0  }
0xcb: {  	[sflag:s0] =	ssyncadd.s32 @!p0 s1  }
0xcc: {  	[bflag:$0x3] =	sbarrier.arrive $0xFFFF  }
0xcd: {  	_ =	shalt  }

// kernel: kernel.7.cloned.1.call-start
scs
__scs_entry_jumppad:
0x0: {  	(pc) =	sbr.rel $0x88, $3  }
0x1: {  	(tag) =	ssettag $0x0;
	lr =	simm.s32 $0x1  }
0x2: {  	[smem:$0x3F92] =	sst lr;
	_ =	strace $0xD0000000  }
0x3: {  	_ = 	snop  }
0x4: {  	_ = 	snop  }
0x5: {  	_ = 	snop  }
0x6: {  	_ = 	snop  }
0x7: {  	_ = 	snop  }
__scs_overlays_trampoline_lowered:
0x8: {  	[smem:$0x3FA1] =	sst s0  }
0x9: {  	[smem:$0x3FA2] =	sst s1  }
0xa: {  	[smem:$0x3FA3] =	sst s2  }
0xb: {  	[smem:$0x3FA4] =	sst s3  }
0xc: {  	[smem:$0x3FA5] =	sst s4  }
0xd: {  	[smem:$0x3FA6] =	sst s5  }
0xe: {  	[smem:$0x3FA7] =	sst s6  }
0xf: {  	[smem:$0x3FA8] =	sst s7  }
0x10: {  	[smem:$0x3FA9] =	sst s8  }
0x11: {  	[smem:$0x3FAA] =	sst s9;
	s0 =	simm.s32 @!p0 $0x0  }
0x12: {  	s1 =	sld [smem:$0x3F90];
	s0 =	simm.s32 @p0 $0x1  }
0x13: {  	[smem:$0x3FAB] =	sst s0;
	s0 =	simm.s32 @!p1 $0x0  }
0x14: {  	s2 =	sld [smem:$0x3F8F];
	s0 =	simm.s32 @p1 $0x1  }
0x15: {  	[smem:$0x3FAC] =	sst s0;
	s0 =	simm.s32 @!p2 $0x0  }
0x16: {  	s3 =	sld [smem:$0x3FDB];
	s0 =	simm.s32 @p2 $0x1  }
0x17: {  	s4 =	simm.s32 $0x1BF5;
	[smem:$0x3FAE] =	sst s0  }
0x18: {  	s0 =	sld [smem:$0x3F91];
	_ =	swait.ge [sflag:s4], $0x0  }
0x19: {  	s7 =	sld [smem:$0x3F92]  }
0x1a: {  	s8 =	sadd.s32 $0xFFFFE003, lr  }
0x1b: {  	s9 =	sadd.s32 $0xFFFFFEF7, lr;
	s5 =	simm.s32 $0xFFFFFFFF;
	p2 =	slt.u32 s8, $0xFFFFF086  }
0x1c: {  	p1 =	slt.u32 s9, $0xF7A;
	s5 =	simm.s32 @!p2 $0x0  }
0x1d: {  	s5 =	simm.s32 @p1 $0x1;
	p0 =	seq.s32 s7, s2  }
0x1e: {  	s7 =	smul.u32 @!p0 $0xF7A, s2;
	p2 =	seq.s32 @!p0 s5, $0x0  }
0x1f: {  	s9 =	smul.u32 $0xF7A, s1;
	s8 =	simm.s32 @!p0 $0x1BF5;
	p2 =	por !p2, p0  }
0x20: {  	[sflag:s8] =	ssyncset.s32 @!p0 $0xFFFFF086;
	s6 =	sadd.s32 @!p0 s3, s7;
	s7 =	simm.s32 @!p0 $0x108  }
0x21: {  	s3 =	sadd.s32 s3, s9;
	s6 =	sadd.s32 @!p0 $0x88, s6;
	s7 =	simm.s32 @p2 $0x1082  }
0x22: {  	[simem:s7], [sflag:s8] =	dma.local @!p0 [hbm:s6], $0xF7A  }
0x23: {  	s9 =	sor.u32 $0xD0000000, s2;
	s6 =	simm.s32 $0x108;
	_ =	swait.ge @!p0 [sflag:s8], $0x0  }
0x24: {  	s3 =	sadd.s32 $0x88, s3;
	s6 =	simm.s32 @!p1 $0x1082;
	[sflag:s4] =	ssyncset.s32 $0xFFFFF086  }
0x25: {  	[simem:s6], [sflag:s4] =	dma.local [hbm:s3], $0xF7A  }
0x26: {  	[smem:$0x3F92] =	sst s1;
	(tag) =	ssettag s2;
	_ =	strace s9  }
0x27: {  	s1 =	sld [smem:$0x3FA2]  }
0x28: {  	s2 =	sld [smem:$0x3FA3]  }
0x29: {  	s4 =	sld [smem:$0x3FA5]  }
0x2a: {  	p0 =	seq.s32 s5, $0x0;
	s5 =	sld [smem:$0x3FA6]  }
0x2b: {  	s6 =	sld [smem:$0x3FA7]  }
0x2c: {  	s7 =	sld [smem:$0x3FA8]  }
0x2d: {  	s3 =	simm.s32 $0x108;
	s8 =	sld [smem:$0x3FA9]  }
0x2e: {  	s3 =	simm.s32 @!p0 $0x1082;
	s9 =	sld [smem:$0x3FAA]  }
0x2f: {  	lr =	sadd.s32 s0, s3;
	s0 =	sld [smem:$0x3FA1]  }
0x30: {  	s3 =	sld [smem:$0x3FA4]  }
0x31: {  	[smem:$0x3FAD] =	sst s10  }
0x32: {  	s10 =	sld [smem:$0x3FAB];
	_ =	sdelay $0x3  }
0x33: {  	p0 =	seq.s32 s10, $0x1;
	s10 =	sld [smem:$0x3FAD];
	_ =	sdelay $0x3  }
0x34: {  	[smem:$0x3FAD] =	sst s10  }
0x35: {  	s10 =	sld [smem:$0x3FAC];
	_ =	sdelay $0x3  }
0x36: {  	p1 =	seq.s32 s10, $0x1;
	s10 =	sld [smem:$0x3FAD];
	_ =	sdelay $0x3  }
0x37: {  	[smem:$0x3FAD] =	sst s10  }
0x38: {  	s10 =	sld [smem:$0x3FAE]  }
0x39: {  	_ = 	snop;
	(pc) =	sbr.ind lr, $3  }
0x3a: {  	_ = 	snop  }
0x3b: {  	_ = 	snop  }
0x3c: {  	p2 =	seq.s32 s10, $0x1;
	s10 =	sld [smem:$0x3FAD]  }
0x3d: {  	_ =	shalt  }
0x3e: {  	_ =	shalt  }
0x3f: {  	_ =	shalt  }
0x40: {  	_ =	shalt  }
0x41: {  	_ =	shalt  }
0x42: {  	_ =	shalt  }
0x43: {  	_ =	shalt  }
0x44: {  	_ =	shalt  }
0x45: {  	_ =	shalt  }
0x46: {  	_ =	shalt  }
0x47: {  	_ =	shalt  }
0x48: {  	_ =	shalt  }
0x49: {  	_ =	shalt  }
0x4a: {  	_ =	shalt  }
0x4b: {  	_ =	shalt  }
0x4c: {  	_ =	shalt  }
0x4d: {  	_ =	shalt  }
0x4e: {  	_ =	shalt  }
0x4f: {  	_ =	shalt  }
0x50: {  	_ =	shalt  }
0x51: {  	_ =	shalt  }
0x52: {  	_ =	shalt  }
0x53: {  	_ =	shalt  }
0x54: {  	_ =	shalt  }
0x55: {  	_ =	shalt  }
0x56: {  	_ =	shalt  }
0x57: {  	_ =	shalt  }
0x58: {  	_ =	shalt  }
0x59: {  	_ =	shalt  }
0x5a: {  	_ =	shalt  }
0x5b: {  	_ =	shalt  }
0x5c: {  	_ =	shalt  }
0x5d: {  	_ =	shalt  }
0x5e: {  	_ =	shalt  }
0x5f: {  	_ =	shalt  }
0x60: {  	_ =	shalt  }
0x61: {  	_ =	shalt  }
0x62: {  	_ =	shalt  }
0x63: {  	_ =	shalt  }
0x64: {  	_ =	shalt  }
0x65: {  	_ =	shalt  }
0x66: {  	_ =	shalt  }
0x67: {  	_ =	shalt  }
0x68: {  	_ =	shalt  }
0x69: {  	_ =	shalt  }
0x6a: {  	_ =	shalt  }
0x6b: {  	_ =	shalt  }
0x6c: {  	_ =	shalt  }
0x6d: {  	_ =	shalt  }
0x6e: {  	_ =	shalt  }
0x6f: {  	_ =	shalt  }
0x70: {  	_ =	shalt  }
0x71: {  	_ =	shalt  }
0x72: {  	_ =	shalt  }
0x73: {  	_ =	shalt  }
0x74: {  	_ =	shalt  }
0x75: {  	_ =	shalt  }
0x76: {  	_ =	shalt  }
0x77: {  	_ =	shalt  }
0x78: {  	_ =	shalt  }
0x79: {  	_ =	shalt  }
0x7a: {  	_ =	shalt  }
0x7b: {  	_ =	shalt  }
0x7c: {  	_ =	shalt  }
0x7d: {  	_ =	shalt  }
0x7e: {  	_ =	shalt  }
0x7f: {  	_ =	shalt  }
0x80: {  	_ =	shalt  }
0x81: {  	_ =	shalt  }
0x82: {  	_ =	shalt  }
0x83: {  	_ =	shalt  }
0x84: {  	_ =	shalt  }
0x85: {  	_ =	shalt  }
0x86: {  	_ =	shalt  }
0x87: {  	_ =	shalt  }
.Lfunc_end0:
.L_simem_size_0:
called_computation_lowered:
.L_overlay_start_0:
0x88: {  	s2 =	sld [smem:$0x3FD9]  }
0x89: {  	s3 =	sld [smem:$0x3FFE];
	_ =	sdelay $0x1  }
0x8a: {  	s1 =	srdreg.scid  }
0x8b: {  	s0 =	sand.u32 $0x1, s1  }
0x8c: {  	s16 =	sshll.u32 s0, $0xA;
	s2 =	sadd.s32 s3, s2  }
0x8d: {  	s2 =	sadd.s32 s2, s16  }
0x8e: {  	[smem:$0x3FB9] =	sst s2  }
0x8f: {  	_ = 	snop  }
0x90: {  	(tm) =	ssettm $0x1  }
0x91: {  	s17 =	sld [smem:$0x3FFB];
	_ =	sdelay $0x3  }
0x92: {  	_ =	strace s17  }
0x93: {  	s2 =	sld [smem:$0x3FFC];
	_ =	sdelay $0x3  }
0x94: {  	_ =	strace s2  }
0x95: {  	s2 =	sld [smem:$0x3FFD];
	_ =	sdelay $0x3  }
0x96: {  	_ =	strace s2  }
0x97: {  	_ =	strace $0x8FFFFFFF  }
0x98: {  	s18 =	sld [smem:$0x3FDB];
	_ =	sdelay $0x1  }
0x99: {  	s19 =	simm.s32 $_scs_section_size  }
0x9a: {  	s4 =	simm.s32 $_size__tile_overlayer_lowered;
	s5 =	simm.s32 $_tile_overlayer_lowered  }
0x9b: {  	s22 =	simm.s32 $0x1BFF;
	s21 =	sshll.u32 s5, $0x1;
	s2 =	sadd.s32 s19, s18  }
0x9c: {  	s6 =	simm.s32 $0x0;
	s20 =	sshll.u32 s4, $0x1;
	s4 =	sadd.s32 s21, s2  }
0x9d: {  	[timem:s6], [sflag:s22] =	dma.local [hbm:s4], s20  }
0x9e: {  	_ =	swait.ge [sflag:s22], s20  }
0x9f: {  	s3 =	ssub.s32 $0x0, s20;
	[sflag:s22] =	ssyncset.done $0x0  }
0xa0: {  	[sflag:s22] =	ssyncadd.s32 s3;
	_ =	sdelay $0x1  }
0xa1: {  	s23 =	simm.s32 $0x1B8B  }
0xa2: {  	_ =	swait.ge [sflag:s23], $0x1  }
0xa3: {  	[sflag:s23] =	ssyncset.done $0x0  }
0xa4: {  	s25 =	simm.s32 $0x1B8E;
	s24 =	sld [smem:$0x3FFE];
	[sflag:s23] =	ssyncadd.s32 $0xFFFFFFFF  }
0xa5: {  	s26 =	simm.s32 $execute0_lowered;
	[smem:$0x3FD2] =	sst s25  }
0xa6: {  	s4 =	sshll.u32 s26, $0x1;
	_ =	strace $0x80000046;
	[dreg:$0x1] =	wrdreg $0xFFFFFFFF  }
0xa7: {  	s28 =	simm.s32 $_size_execute0_lowered;
	s2 =	sadd.s32 s2, s4;
	[dreg:$0x0] =	wrdreg $0x0  }
0xa8: {  	s4 =	sshll.u32 s28, $0x1;
	[dreg:$0x2] =	wrdreg s2  }
0xa9: {  	[dreg:$0x3] =	wrdreg s4  }
0xaa: {  	[dreg:$0x4] =	wrdreg $0xC0  }
0xab: {  	_ =	task [dreg:s6], $0x5FFFF  }
0xac: {  	[dreg:$0x1] =	wrdreg $0xFFFFFFFF  }
0xad: {  	[dreg:$0x0] =	wrdreg $0x60  }
0xae: {  	[dreg:$0x2] =	wrdreg s24  }
0xaf: {  	[dreg:$0x3] =	wrdreg $0xB0000  }
0xb0: {  	[dreg:$0x4] =	wrdreg $0x9  }
0xb1: {  	_ =	task.clear_ibuf [dreg:s6], $0x5FFFF;
	_ =	strace $0x90000046  }
0xb2: {  	s29 =	simm.s32 $0x9;
	_ =	strace $0x80000048  }
0xb3: {  	_ =	swait.ge [sflag:s29], $0x1  }
0xb4: {  	[sflag:s29] =	ssyncadd.s32 $0xFFFFFFFF  }
0xb5: {  	_ =	strace $0x90000048  }
0xb6: {  	_ =	sfence  }
0xb7: {  	s30 =	sld [smem:$0x0];
	_ =	sdelay $0x2  }
0xb8: {  	s31 =	sshll.u32 s1, $0xD;
	s1 =	sshrl.u32 s1, $0x2  }
0xb9: {  	s3 =	sand.u32 $0x4000, s31;
	s1 =	sadd.s32 s1, s30  }
0xba: {  	s0 =	sor.u32 s3, s0;
	s1 =	sshll.u32 s1, $0x11  }
0xbb: {  	s0 =	sor.u32 s1, s0  }
0xbc: {  	s0 =	sadd.s32 $0x8F2B, s0  }
0xbd: {  	[sflag:s0] =	ssyncadd.remote.s32 $0x1  }
0xbe: {  	_ =	sfence.sel $0xFFFF  }
0xbf: {  	[dreg:$0x0] =	wrdreg $0xFFFFFFFF;
	(pc) =	sbr.abs _section_cstart, $3  }
0xc0: {  	[dreg:$0x1] =	wrdreg $0xFFFFFFFF  }
0xc1: {  	_ =	task.clear_ibuf [dreg:s6], $0x2FFFF;
	_ =	strace $0x9FFFFFFF  }
0xc2: {  	(tm) =	ssettm $0x7FFFFFFF  }
0xc3: {  	_ =	shalt  }
tec
execute0_lowered:
.L_overlay_start_1:
0x0: {  	(tag) =	ssettag $0x1  }
0x1: {  	s0 =	rddreg [dreg:$0x0]  }
0x2: {  	s1 =	rddreg [dreg:$0x1]  }
0x3: {  	s2 =	simm.s32 $0x0;
	s14 =	stileid.u32;
	s17 =	srdreg.scid  }
0x4: {  	s28 =	simm.s32 $0x4C00;
	s29 =	simm.s32 $0x1;
	s30 =	simm.s32 $0x6000  }
0x5: {  	s31 =	simm.s32 $0x2;
	[smem:$0x7FF] =	sst s2;
	s4 =	sadd.s32 $0x42200, s0  }
0x6: {  	s3 =	smul.u32 $0x2780, s14;
	s2 =	sand.u32 $0x1, s17;
	s5 =	sadd.s32 $0x2200, s0  }
0x7: {  	s7 =	smul.u32 $0x4F000, s14;
	s8 =	sadd.s32 $0x22200, s0;
	s11 =	sadd.s32 $0x1A1C00, s0  }
0x8: {  	s18 =	sshll.u32 s14, $0x10;
	p0 =	seq.s32 s14, $0xF;
	s17 =	simm.s32 $0x8800  }
0x9: {  	_ =	strace $0x80000047;
	s6 =	ssub.s32 $0x2, s2;
	s20 =	smul.u32 $0x138800, s2  }
0xa: {  	s12 =	sshll.u32 s2, $0xF;
	s2 =	smul.u32 $0x27100, s2;
	s9 =	sadd.s32 s3, s0  }
0xb: {  	s10 =	sshrl.u32 s6, $0x1;
	s7 =	sshrl.u32 s7, $0x2;
	s19 =	sor.u32 s12, s18  }
0xc: {  	s12 =	sadd.s32 $0x128400, s1;
	s0 =	sadd.s32 $0x19FA80, s0;
	s6 =	ssub.s32 s6, s10  }
0xd: {  	s7 =	sadd.s32 s7, s1;
	s9 =	sadd.s32 $0x17AA00, s9;
	s13 =	sshrl.u32 s19, $0x3  }
0xe: {  	[dreg:$0x4] =	wrdreg s0;
	s22 =	sshrl.u32 s20, $0x3;
	s2 =	sadd.s32 s3, s2  }
0xf: {  	s24 =	sor.u32 $0x400, s19;
	s10 =	sshrl.u32 @p0 s12, $0x3;
	s19 =	simm.s32 $0x12  }
0x10: {  	s20 =	simm.s32 $0x28;
	[dreg:$0x3] =	wrdreg s9;
	s21 =	sadd.s32 s5, s13  }
0x11: {  	s23 =	sadd.s32 s8, s13;
	s0 =	sadd.s32 s11, s22;
	s2 =	sadd.s32 s11, s2  }
0x12: {  	s25 =	smax.u32 s6, $0x1;
	s13 =	sshrl.u32 @!p0 s7, $0x3;
	[dreg:$0xc] =	wrdreg s10  }
0x13: {  	s22 =	simm.s32 $0x4;
	s6 =	simm.s32 $0x7;
	[dreg:$0x5] =	wrdreg s21  }
0x14: {  	s7 =	simm.s32 $0xB;
	s9 =	simm.s32 $0xC;
	[dreg:$0x6] =	wrdreg s23  }
0x15: {  	s11 =	simm.s32 $0x0;
	[dreg:$0x7] =	wrdreg s2;
	s0 =	sadd.s32 $0x25080, s0  }
0x16: {  	[dreg:$0x9] =	wrdreg s25;
	s25 =	simm.s32 $0x3800;
	s2 =	simm.s32 $0x3  }
.Ltmp0:
0x17: {  	[dreg:$0x8] =	wrdreg s0;
	s0 =	sshrl.u32 s24, $0x3;
	(pc) =	sbr.rel .LBB2_1-.Ltmp0, $4  }
0x18: {  	[dreg:$0xe] =	wrdreg s13;
	s26 =	sadd.s32 s0, s8;
	s0 =	sadd.s32 s0, s5  }
0x19: {  	s24 =	simm.s32 $0x9C00;
	[dreg:$0xb] =	wrdreg s0;
	s0 =	sshll.u32 @!p0 s14, $0x6  }
0x1a: {  	s5 =	simm.s32 $0x9;
	[dreg:$0xa] =	wrdreg s26;
	s12 =	sor.u32 @!p0 $0x1C13, s0  }
0x1b: {  	s8 =	simm.s32 $0x8;
	s26 =	simm.s32 $0x5;
	[dreg:$0xd] =	wrdreg s12  }
.LBB2_3:
0x1c: {  	_ =	swait.ge [sflag:s8], $0x1400  }
0x1d: {  	[sflag:s8] =	ssyncset.done $0x0  }
0x1e: {  	s0 =	sor.u32 $0x800, s16;
	[sflag:s8] =	ssyncadd.s32 $0xFFFFEC00  }
0x1f: {  	[spmem:s1] =	stream.indirect.scatter.add.f32 [tilespmem:s24], [sflag:$0x10], $0x80, s0, s20, $0xb8;
	[tilespmem:$0x1E8C0] =	vst v63  }
0x20: {  	_ =	swait.ge [sflag:s9], $0x1400  }
0x21: {  	[sflag:s9] =	ssyncset.done $0x0  }
0x22: {  	[sflag:s9] =	ssyncadd.s32 $0xFFFFEC00  }
.LBB2_5:
0x23: {  	s0 =	simm.s32 $0xD  }
0x24: {  	_ =	swait.ge [sflag:s0], $0x1400  }
0x25: {  	[sflag:s0] =	ssyncset.done $0x0  }
0x26: {  	s16 =	simm.s32 $0xE;
	[sflag:s0] =	ssyncadd.s32 $0xFFFFEC00  }
0x27: {  	_ =	swait.ge [sflag:s16], $0x1400  }
0x28: {  	[sflag:s16] =	ssyncset.done $0x0  }
0x29: {  	s18 =	simm.s32 $0xF;
	[sflag:s16] =	ssyncadd.s32 $0xFFFFEC00  }
0x2a: {  	_ =	swait.ge [sflag:s18], $0x1400  }
0x2b: {  	[sflag:s18] =	ssyncset.done $0x0  }
0x2c: {  	s21 =	simm.s32 $0x10;
	[sflag:s18] =	ssyncadd.s32 $0xFFFFEC00  }
0x2d: {  	_ =	swait.ge [sflag:s21], $0x1400  }
0x2e: {  	[sflag:s21] =	ssyncset.done $0x0  }
0x2f: {  	[sflag:s21] =	ssyncadd.s32 $0xFFFFEC00  }
0x30: {  	[bflag:$0x0] =	sbarrier.arrive $0xFFFF  }
0x31: {  	s3 =	rddreg [dreg:$0x8]  }
0x32: {  	s0 =	simm.s32 @p0 $0x1FD3;
	s10 =	rddreg [dreg:$0xc]  }
0x33: {  	[hbm:s3], [sflag:s0] =	dma.local @p0 [spmem:s10], $0x2080  }
0x34: {  	s0 =	simm.s32 @p0 $0x13  }
0x35: {  	_ =	swait.ge @p0 [sflag:s0], $0x2080  }
0x36: {  	s12 =	rddreg [dreg:$0xd]  }
0x37: {  	[sflag:s0] =	ssyncset.done @p0 $0x0;
	s13 =	rddreg [dreg:$0xe]  }
0x38: {  	[sflag:s0] =	ssyncadd.s32 @p0 $0xFFFFDF80;
	s0 =	rddreg [dreg:$0x7]  }
0x39: {  	[hbm:s0], [sflag:s12] =	dma.local @!p0 [spmem:s13], $0x2780  }
0x3a: {  	s0 =	simm.s32 @!p0 $0x13  }
0x3b: {  	_ =	swait.ge @!p0 [sflag:s0], $0x2780  }
0x3c: {  	s11 =	rddreg [dreg:$0xf]  }
0x3d: {  	s23 =	rddreg [dreg:$0x9];
	s11 =	sadd.s32 $0x1, s11  }
0x3e: {  	p1 =	sne.s32 s11, s23  }
.Ltmp1:
0x3f: {  	_ = 	snop;
	(pc) =	sbr.rel @!p1 .LBB2_6-.Ltmp1, $3  }
0x40: {  	_ =	sdelay $0x1  }
0x41: {  	[sflag:s0] =	ssyncset.done @!p0 $0x0  }
0x42: {  	[sflag:s0] =	ssyncadd.s32 @!p0 $0xFFFFD880  }
.LBB2_1:
0x43: {  	[dreg:$0xf] =	wrdreg s11  }
0x44: {  	s11 =	simm.s32 @p0 $0x1FD3;
	s0 =	rddreg [dreg:$0x4]  }
0x45: {  	[spmem:s10], [sflag:s11] =	dma.local @p0 [hbm:s0], $0x2080  }
0x46: {  	s11 =	simm.s32 @p0 $0x13  }
0x47: {  	_ =	swait.ge @p0 [sflag:s11], $0x2080  }
0x48: {  	[sflag:s11] =	ssyncset.done @p0 $0x0  }
0x49: {  	s0 =	rddreg [dreg:$0x3];
	[sflag:s11] =	ssyncadd.s32 @p0 $0xFFFFDF80;
	s11 =	simm.s32 @!p0 $0x13  }
0x4a: {  	[spmem:s13], [sflag:s12] =	dma.local @!p0 [hbm:s0], $0x2780  }
0x4b: {  	_ =	swait.ge @!p0 [sflag:s11], $0x2780  }
0x4c: {  	[sflag:s11] =	ssyncset.done @!p0 $0x0  }
0x4d: {  	s3 =	rddreg [dreg:$0x5];
	[sflag:s11] =	ssyncadd.s32 @!p0 $0xFFFFD880;
	s11 =	simm.s32 $0x0  }
0x4e: {  	[tilespmem:s11], [sflag:$0x11] =	stream.linear.gather [hbm4b:s3+s11], $0x400, $0x38;
	[tilespmem:$0x1E8C0] =	vst v63  }
0x4f: {  	s14 =	simm.s32 $0x11;
	s13 =	simm.s32 $0x800;
	s12 =	rddreg [dreg:$0x6]  }
0x50: {  	[tilespmem:s13], [sflag:$0x12] =	stream.linear.gather [hbm4b:s12+s11], $0x400, $0x38;
	[tilespmem:$0x1E8C0] =	vst v63  }
0x51: {  	_ =	swait.ge [sflag:s14], $0x400  }
0x52: {  	[sflag:s14] =	ssyncset.done $0x0  }
0x53: {  	[sflag:s14] =	ssyncadd.s32 $0xFFFFFC00  }
0x54: {  	_ =	swait.ge [sflag:s19], $0x400  }
0x55: {  	[sflag:s19] =	ssyncset.done $0x0  }
0x56: {  	[sflag:s19] =	ssyncadd.s32 $0xFFFFFC00  }
0x57: {  	s15 =	simm.s32 $0x1000;
	[bflag:$0x0] =	sbarrier.arrive $0xFFFF  }
0x58: {  	[tilespmem:s15], [sflag:$0x1] =	stream.indirect.gather [hbm4b:s4+s20], $0x80, s11, s20, $0xb8;
	[tilespmem:$0x1E8C0] =	vst v63  }
0x59: {  	s16 =	simm.s32 $0x80;
	s18 =	simm.s32 $0x2400  }
0x5a: {  	[tilespmem:s18], [sflag:$0x2] =	stream.indirect.gather [hbm4b:s4+s20], $0x80, s16, s20, $0xb8;
	[tilespmem:$0x1E8C0] =	vst v63  }
0x5b: {  	s21 =	simm.s32 $0x100;
	s11 =	rddreg [dreg:$0xa]  }
0x5c: {  	[tilespmem:s25], [sflag:$0x3] =	stream.indirect.gather [hbm4b:s4+s20], $0x80, s21, s20, $0xb8;
	[tilespmem:$0x1E8C0] =	vst v63  }
0x5d: {  	s23 =	simm.s32 $0x180;
	s12 =	simm.s32 $0x8;
	s18 =	rddreg [dreg:$0xb]  }
0x5e: {  	[tilespmem:s28], [sflag:$0x4] =	stream.indirect.gather [hbm4b:s4+s20], $0x80, s23, s20, $0xb8;
	[tilespmem:$0x1E8C0] =	vst v63  }
.LBB2_2:
0x5f: {  	s13 =	sadd.s32 $0xFFFFFFF8, s12  }
0x60: {  	_ =	swait.ge [sflag:s29], $0x1400;
	s0 =	simm.s32 $0x1000;
	s13 =	sand.u32 $0x8, s13  }
0x61: {  	p1 =	seq.s32 s12, $0x100;
	[sflag:s29] =	ssyncset.done $0x0;
	s16 =	sshll.u32 s13, $0x7  }
0x62: {  	p2 =	seq.s32 @!p1 s12, $0x8;
	[sflag:s29] =	ssyncadd.s32 $0xFFFFEC00;
	s13 =	sor.u32 $0x800, s16  }
0x63: {  	[spmem:s1] =	stream.indirect.scatter.add.f32 [tilespmem:s0], [sflag:$0x9], $0x80, s13, s20, $0xb8;
	[tilespmem:$0x1E8C0] =	vst v63  }
0x64: {  	p3 =	por p1, !p2;
	s13 =	sand.u32 $0x8, s12  }
0x65: {  	s15 =	simm.s32 @!p1 $0x0;
	s0 =	simm.s32 @p3 $0xD;
	s14 =	sshll.u32 @!p1 s13, $0x7  }
0x66: {  	[tilespmem:s14], [sflag:$0x11] =	stream.linear.gather @!p1 [hbm4b:s18+s15], $0x400, $0x38;
	[tilespmem:$0x1E8C0] =	vst v63  }
0x67: {  	_ =	swait.ge @p3 [sflag:s0], $0x1400  }
0x68: {  	[sflag:s0] =	ssyncset.done @p3 $0x0  }
0x69: {  	s3 =	sor.u32 $0x200, s16;
	[sflag:s0] =	ssyncadd.s32 @p3 $0xFFFFEC00  }
0x6a: {  	[tilespmem:s30], [sflag:$0x5] =	stream.indirect.gather [hbm4b:s4+s20], $0x80, s3, s20, $0xb8;
	[tilespmem:$0x1E8C0] =	vst v63  }
0x6b: {  	p2 =	por @!p1 $0x1, $0x1;
	_ =	swait.ge [sflag:s31], $0x1400  }
0x6c: {  	s10 =	simm.s32 $0x2400;
	p2 =	por @p3 $0x0, $0x0;
	[sflag:s31] =	ssyncset.done $0x0  }
0x6d: {  	s23 =	sadd.s32 $0x880, s16;
	s0 =	simm.s32 @!p2 $0xE;
	[sflag:s31] =	ssyncadd.s32 $0xFFFFEC00  }
0x6e: {  	[spmem:s1] =	stream.indirect.scatter.add.f32 [tilespmem:s10], [sflag:$0xA], $0x80, s23, s20, $0xb8;
	[tilespmem:$0x1E8C0] =	vst v63  }
0x6f: {  	_ =	swait.ge @!p2 [sflag:s0], $0x1400  }
0x70: {  	[sflag:s0] =	ssyncset.done @!p2 $0x0  }
0x71: {  	s21 =	simm.s32 $0x7400;
	[sflag:s0] =	ssyncadd.s32 @!p2 $0xFFFFEC00;
	s0 =	sor.u32 $0x280, s16  }
0x72: {  	[tilespmem:s21], [sflag:$0x6] =	stream.indirect.gather [hbm4b:s4+s20], $0x80, s0, s20, $0xb8;
	[tilespmem:$0x1E8C0] =	vst v63  }
0x73: {  	_ =	swait.ge [sflag:s2], $0x1400  }
0x74: {  	[sflag:s2] =	ssyncset.done $0x0  }
0x75: {  	s21 =	sadd.s32 $0x900, s16;
	[sflag:s2] =	ssyncadd.s32 $0xFFFFEC00  }
0x76: {  	[spmem:s1] =	stream.indirect.scatter.add.f32 [tilespmem:s25], [sflag:$0xB], $0x80, s21, s20, $0xb8;
	[tilespmem:$0x1E8C0] =	vst v63  }
0x77: {  	s21 =	simm.s32 @!p2 $0xF  }
0x78: {  	_ =	swait.ge @!p2 [sflag:s21], $0x1400  }
0x79: {  	[sflag:s21] =	ssyncset.done @!p2 $0x0  }
0x7a: {  	[sflag:s21] =	ssyncadd.s32 @!p2 $0xFFFFEC00;
	s21 =	sor.u32 $0x300, s16  }
0x7b: {  	[tilespmem:s17], [sflag:$0x7] =	stream.indirect.gather [hbm4b:s4+s20], $0x80, s21, s20, $0xb8;
	[tilespmem:$0x1E8C0] =	vst v63  }
0x7c: {  	_ =	swait.ge [sflag:s22], $0x1400  }
0x7d: {  	[sflag:s22] =	ssyncset.done $0x0  }
0x7e: {  	s23 =	sadd.s32 $0x980, s16;
	[sflag:s22] =	ssyncadd.s32 $0xFFFFEC00  }
0x7f: {  	[spmem:s1] =	stream.indirect.scatter.add.f32 [tilespmem:s28], [sflag:$0xC], $0x80, s23, s20, $0xb8;
	[tilespmem:$0x1E8C0] =	vst v63  }
0x80: {  	s23 =	simm.s32 @!p2 $0x10  }
0x81: {  	_ =	swait.ge @!p2 [sflag:s23], $0x1400  }
0x82: {  	[sflag:s23] =	ssyncset.done @!p2 $0x0  }
0x83: {  	s16 =	sor.u32 $0x380, s16;
	[sflag:s23] =	ssyncadd.s32 @!p2 $0xFFFFEC00  }
0x84: {  	[tilespmem:s24], [sflag:$0x8] =	stream.indirect.gather [hbm4b:s4+s20], $0x80, s16, s20, $0xb8;
	[tilespmem:$0x1E8C0] =	vst v63  }
0x85: {  	_ =	swait.ge [sflag:s26], $0x1400  }
0x86: {  	[sflag:s26] =	ssyncset.done $0x0  }
0x87: {  	s3 =	sor.u32 $0x800, s3;
	[sflag:s26] =	ssyncadd.s32 $0xFFFFEC00  }
0x88: {  	[spmem:s1] =	stream.indirect.scatter.add.f32 [tilespmem:s30], [sflag:$0xD], $0x80, s3, s20, $0xb8;
	[tilespmem:$0x1E8C0] =	vst v63  }
0x89: {  	_ =	swait.ge [sflag:s5], $0x1400  }
0x8a: {  	[sflag:s5] =	ssyncset.done $0x0  }
0x8b: {  	s3 =	simm.s32 @p1 $0x6;
	[sflag:s5] =	ssyncadd.s32 $0xFFFFEC00  }
0x8c: {  	_ =	swait.ge @p1 [sflag:s3], $0x1400  }
0x8d: {  	s10 =	simm.s32 @p1 $0x7400;
	[sflag:s3] =	ssyncset.done @p1 $0x0  }
0x8e: {  	s23 =	simm.s32 @p1 $0x28;
	[sflag:s3] =	ssyncadd.s32 @p1 $0xFFFFEC00;
	s3 =	sor.u32 @p1 $0x800, s0  }
0x8f: {  	[spmem:s1] =	stream.indirect.scatter.add.f32 @p1 [tilespmem:s10], [sflag:$0xE], $0x80, s3, s23, $0xb8;
	[tilespmem:$0x1E8C0] =	vst v63  }
0x90: {  	s3 =	simm.s32 @p1 $0xA  }
0x91: {  	_ =	swait.ge @p1 [sflag:s3], $0x1400  }
0x92: {  	[sflag:s3] =	ssyncset.done @p1 $0x0  }
0x93: {  	[sflag:s3] =	ssyncadd.s32 @p1 $0xFFFFEC00;
	s3 =	sor.u32 @!p1 $0x800, s14  }
0x94: {  	[tilespmem:s3], [sflag:$0x12] =	stream.linear.gather @!p1 [hbm4b:s11+s15], $0x400, $0x38;
	[tilespmem:$0x1E8C0] =	vst v63  }
0x95: {  	s3 =	simm.s32 @!p1 $0x11  }
0x96: {  	_ =	swait.ge @!p1 [sflag:s3], $0x400  }
0x97: {  	[sflag:s3] =	ssyncset.done @!p1 $0x0  }
0x98: {  	s10 =	simm.s32 @!p1 $0x1000;
	[sflag:s3] =	ssyncadd.s32 @!p1 $0xFFFFFC00;
	s3 =	simm.s32 @!p1 $0x28  }
0x99: {  	[tilespmem:s10], [sflag:$0x1] =	stream.indirect.gather @!p1 [hbm4b:s4+s3], $0x80, s14, s3, $0xb8;
	[tilespmem:$0x1E8C0] =	vst v63  }
0x9a: {  	s10 =	simm.s32 @!p1 $0x6  }
0x9b: {  	_ =	swait.ge @!p1 [sflag:s10], $0x1400  }
0x9c: {  	[sflag:s10] =	ssyncset.done @!p1 $0x0  }
0x9d: {  	s0 =	sor.u32 @!p1 $0x800, s0;
	[sflag:s10] =	ssyncadd.s32 @!p1 $0xFFFFEC00;
	s10 =	simm.s32 @!p1 $0x7400  }
0x9e: {  	[spmem:s1] =	stream.indirect.scatter.add.f32 @!p1 [tilespmem:s10], [sflag:$0xE], $0x80, s0, s3, $0xb8;
	[tilespmem:$0x1E8C0] =	vst v63  }
0x9f: {  	s0 =	simm.s32 @!p1 $0xA  }
0xa0: {  	_ =	swait.ge @!p1 [sflag:s0], $0x1400  }
0xa1: {  	[sflag:s0] =	ssyncset.done @!p1 $0x0  }
0xa2: {  	s10 =	simm.s32 @!p1 $0x2400;
	[sflag:s0] =	ssyncadd.s32 @!p1 $0xFFFFEC00;
	s0 =	sadd.s32 @!p1 $0x80, s14  }
0xa3: {  	[tilespmem:s10], [sflag:$0x2] =	stream.indirect.gather @!p1 [hbm4b:s4+s3], $0x80, s0, s3, $0xb8;
	[tilespmem:$0x1E8C0] =	vst v63  }
0xa4: {  	_ =	swait.ge [sflag:s6], $0x1400  }
0xa5: {  	p1 =	sne.s32 s12, $0x100;
	[sflag:s6] =	ssyncset.done $0x0  }
.Ltmp2:
0xa6: {  	s23 =	sor.u32 $0x800, s21;
	[sflag:s6] =	ssyncadd.s32 $0xFFFFEC00;
	(pc) =	sbr.rel @!p1 .LBB2_3-.Ltmp2, $4  }
0xa7: {  	[spmem:s1] =	stream.indirect.scatter.add.f32 [tilespmem:s17], [sflag:$0xF], $0x80, s23, s20, $0xb8;
	[tilespmem:$0x1E8C0] =	vst v63  }
0xa8: {  	_ =	swait.ge [sflag:s7], $0x1400  }
0xa9: {  	[sflag:s7] =	ssyncset.done $0x0  }
0xaa: {  	[sflag:s7] =	ssyncadd.s32 $0xFFFFEC00  }
0xab: {  	s0 =	sshll.u32 s13, $0x7  }
0xac: {  	s3 =	sadd.s32 $0x100, s0  }
0xad: {  	[tilespmem:s25], [sflag:$0x3] =	stream.indirect.gather [hbm4b:s4+s20], $0x80, s3, s20, $0xb8;
	[tilespmem:$0x1E8C0] =	vst v63  }
0xae: {  	_ =	swait.ge [sflag:s8], $0x1400  }
0xaf: {  	[sflag:s8] =	ssyncset.done $0x0  }
0xb0: {  	s23 =	sor.u32 $0x800, s16;
	[sflag:s8] =	ssyncadd.s32 $0xFFFFEC00  }
0xb1: {  	[spmem:s1] =	stream.indirect.scatter.add.f32 [tilespmem:s24], [sflag:$0x10], $0x80, s23, s20, $0xb8;
	[tilespmem:$0x1E8C0] =	vst v63  }
0xb2: {  	_ =	swait.ge [sflag:s9], $0x1400  }
0xb3: {  	s12 =	sadd.s32 $0x8, s12;
	[sflag:s9] =	ssyncset.done $0x0  }
0xb4: {  	s0 =	sadd.s32 $0x180, s0;
	p1 =	sne.s32 s12, $0x108;
	[sflag:s9] =	ssyncadd.s32 $0xFFFFEC00  }
0xb5: {  	[tilespmem:s28], [sflag:$0x4] =	stream.indirect.gather [hbm4b:s4+s20], $0x80, s0, s20, $0xb8;
	[tilespmem:$0x1E8C0] =	vst v63  }
.Ltmp3:
0xb6: {  	_ = 	snop;
	(pc) =	sbr.rel @p1 .LBB2_2-.Ltmp3, $4  }
.Ltmp4:
0xb7: {  	_ = 	snop;
	(pc) =	sbr.rel @!p1 .LBB2_5-.Ltmp4, $4  }
0xb8: {  	_ =	swait.ge [sflag:s19], $0x400  }
0xb9: {  	[sflag:s19] =	ssyncset.done $0x0  }
0xba: {  	s11 =	sadd.s32 $0x80, s11;
	s18 =	sadd.s32 $0x80, s18;
	[sflag:s19] =	ssyncadd.s32 $0xFFFFFC00  }
0xbb: {  	_ = 	snop  }
.LBB2_6:
0xbc: {  	_ =	sfence.sel $0x180000  }
0xbd: {  	[bflag:$0x0] =	sbarrier.arrive $0xFFFF  }
0xbe: {  	_ =	strace $0x90000047  }
0xbf: {  	s0 =	stileid.u32;
	[bflag:$0x2] =	sbarrier.arrive $0xFFFF  }
0xc0: {  	p0 =	sne.s32 s0, $0x0;
	s0 =	rddreg [dreg:$0x2]  }
0xc1: {  	s0 =	sadd.s32 @!p0 $0x100000, s0  }
0xc2: {  	[sflag:s0] =	ssyncadd.tile.s32 @!p0 $0x1;
	_ =	shalt  }
.Lfunc_end2:
_tile_overlayer_lowered:
.L_overlay_start_2:
0xc3: {  	(tag) =	ssettag $0x2  }
0xc4: {  	s0 =	rddreg [dreg:$0x0];
	s2 =	stileid.u32  }
0xc5: {  	s1 =	rddreg [dreg:$0x1];
	p0 =	sne.s32 s2, $0x0  }
0xc6: {  	s3 =	rddreg [dreg:$0x2];
	[bflag:$0x3] =	sbarrier.arrive $0xFFFF;
	s2 =	simm.s32 @!p0 $0x1C13  }
0xc7: {  	[timem:s3], [sflag:s2] =	dma.local @!p0 [hbm:s0], s1  }
0xc8: {  	s0 =	simm.s32 @!p0 $0x13  }
0xc9: {  	_ =	swait.ge @!p0 [sflag:s0], s1  }
0xca: {  	s1 =	ssub.s32 @!p0 $0x0, s1;
	[sflag:s0] =	ssyncset.done @!p0 $0x0  }
0xcb: {  	[sflag:s0] =	ssyncadd.s32 @!p0 s1  }
0xcc: {  	[bflag:$0x3] =	sbarrier.arrive $0xFFFF  }
0xcd: {  	_ =	shalt  }

</sc_bundles>
